<compile_context>
chip_gen: v7x
topology: tpu7x:2x2x1
jax: 0.10.2.dev20260603
libtpu: 0.0.44.dev20260713+nightly
codegen_flags: <defaults>
</compile_context>

<pallas_src>
import functools

import jax
import jax.numpy as jnp
from jax import lax
from jax.experimental import pallas as pl
from jax.experimental.pallas import tpu as pltpu
from jax.experimental.pallas import tpu_sc as plsc

N_EMB = 32
ROWS_PER_LINE = 4
LANES = 16
NUM_CORES = 2
NUM_SUBCORES = 16
NW = NUM_CORES * NUM_SUBCORES


def _sc_body(b_per_w, users_hbm, movies_hbm, uemb_hbm, memb_hbm,
             out_hbm, uidx_s, midx_s, urows_v, mrows_v, out_v, sem):
    wid = lax.axis_index("s") * NUM_CORES + lax.axis_index("c")
    base = wid * b_per_w
    n_groups = b_per_w // LANES

    pltpu.sync_copy(users_hbm.at[pl.ds(base, b_per_w)], uidx_s)
    pltpu.sync_copy(movies_hbm.at[pl.ds(base, b_per_w)], midx_s)

    def fire_chunk(g, carry):
        uvec = uidx_s[pl.ds(g * LANES, LANES)]
        mvec = midx_s[pl.ds(g * LANES, LANES)]
        handles = []
        for k in range(LANES):
            i = g * LANES + k
            line = lax.div(i, ROWS_PER_LINE)
            off = (k % ROWS_PER_LINE) * N_EMB
            dst = urows_v.at[line, pl.ds(off, N_EMB)]
            handles.append(pltpu.async_copy(uemb_hbm.at[uvec[k]], dst, sem))
            dst = mrows_v.at[line, pl.ds(off, N_EMB)]
            handles.append(pltpu.async_copy(memb_hbm.at[mvec[k]], dst, sem))
        for h in handles:
            h.wait()
        return carry

    lax.fori_loop(0, n_groups, fire_chunk, 0)

    lane = lax.iota(jnp.int32, LANES)

    def block(b, carry):
        row = b * LANES + lane
        line = lax.div(row, ROWS_PER_LINE)
        base_col = lax.rem(row, ROWS_PER_LINE) * N_EMB
        acc = jnp.zeros((LANES,), jnp.float32)
        for j in range(N_EMB):
            col = base_col + jnp.bitwise_and(lane + j, N_EMB - 1)
            u = plsc.load_gather(urows_v, [line, col])
            m = plsc.load_gather(mrows_v, [line, col])
            acc = acc + u * m
        out_v[pl.ds(b * LANES, LANES)] = 0.5 + 4.5 / (1.0 + jnp.exp(-acc))
        return carry

    lax.fori_loop(0, n_groups, block, 0)

    pltpu.sync_copy(out_v, out_hbm.at[pl.ds(base, b_per_w)])


def kernel(users, movies, users_embedding, movies_embedding):
    batch = users.shape[0]
    assert batch % (NW * LANES) == 0
    b_per_w = batch // NW

    mesh = plsc.VectorSubcoreMesh(core_axis_name="c", subcore_axis_name="s",
                                  num_cores=NUM_CORES, num_subcores=NUM_SUBCORES)
    fn = pl.kernel(
        functools.partial(_sc_body, b_per_w),
        out_type=jax.ShapeDtypeStruct((batch,), jnp.float32),
        mesh=mesh,
        scratch_types=[
            pltpu.VMEM((b_per_w,), jnp.int32),
            pltpu.VMEM((b_per_w,), jnp.int32),
            pltpu.VMEM((b_per_w // ROWS_PER_LINE, ROWS_PER_LINE * N_EMB), jnp.float32),
            pltpu.VMEM((b_per_w // ROWS_PER_LINE, ROWS_PER_LINE * N_EMB), jnp.float32),
            pltpu.VMEM((b_per_w,), jnp.float32),
            pltpu.SemaphoreType.DMA,
        ],
        compiler_params=pltpu.CompilerParams(needs_layout_passes=False),
    )
    return fn(users.astype(jnp.int32), movies.astype(jnp.int32),
              users_embedding, movies_embedding)

# --- scband reference (transcript-rebuilt; emitter-appended) ---
"""Pipeline reference for scband-recommender-33380485825147 (READ-ONLY COPY).

The authoritative reference and input builder live on the scoring server;
editing this copy changes nothing except your own understanding.
"""

import jax, jax.numpy as jnp
import numpy as np

N_USERS = 1000000
N_MOVIES = 1000000
N_EMB = 32
BATCH = 16384

def setup_inputs(seed: int = 0) -> dict:
    key = jax.random.key(seed)
    k1, k2, k3, k4 = jax.random.split(key, 4)
    users = jax.random.randint(k1, (BATCH,), 0, N_USERS, dtype=jnp.int64 if jax.config.jax_enable_x64 else jnp.int32)
    movies = jax.random.randint(k2, (BATCH,), 0, N_MOVIES, dtype=jnp.int64 if jax.config.jax_enable_x64 else jnp.int32)
    users_embedding = jax.random.normal(k3, (N_USERS, N_EMB), dtype=jnp.float32)
    movies_embedding = jax.random.normal(k4, (N_MOVIES, N_EMB), dtype=jnp.float32)
    return {"users": users, "movies": movies, "users_embedding": users_embedding, "movies_embedding": movies_embedding}

def reference(users, movies, users_embedding, movies_embedding):
    u = jnp.take(users_embedding, users, axis=0)
    m = jnp.take(movies_embedding, movies, axis=0)
    raw_scores = (u * m).sum(axis=1)
    return 0.5 + 4.5 * jax.nn.sigmoid(raw_scores)

if __name__ == "__main__":
    import jax
    _d = setup_inputs()
    print(jax.jit(kernel)(*tuple(_d.values())))

</pallas_src>

<mosaic_0001>
#map = affine_map<(d0, d1) -> (0)>
#map1 = affine_map<(d0, d1) -> (0, 0)>
module attributes {stable_mosaic.version = 14 : i64} {
  func.func @_sc_body(%arg0: i32, %arg1: i32, %arg2: memref<16384xi32, #tpu.memory_space<hbm>>, %arg3: memref<16384xi32, #tpu.memory_space<hbm>>, %arg4: memref<1000000x32xf32, #tpu.memory_space<hbm>>, %arg5: memref<1000000x32xf32, #tpu.memory_space<hbm>>, %arg6: memref<16384xf32, #tpu.memory_space<hbm>>, %arg7: memref<512xi32, #tpu.memory_space<vmem>>, %arg8: memref<512xi32, #tpu.memory_space<vmem>>, %arg9: memref<128x128xf32, #tpu.memory_space<vmem>>, %arg10: memref<128x128xf32, #tpu.memory_space<vmem>>, %arg11: memref<512xf32, #tpu.memory_space<vmem>>, %arg12: memref<!tpu.dma_semaphore, #tpu.memory_space<semaphore_mem>>) attributes {dimension_semantics = [#tpu.dimension_semantics<core_parallel>, #tpu.dimension_semantics<subcore_parallel>], iteration_bounds = array<i64: 2, 16>, scalar_prefetch = 0 : i64, scratch_operands = 6 : i64, tpu.core_type = #tpu.core_type<sc_vector_subcore>, window_params = [{transform_indices = #map}, {transform_indices = #map}, {transform_indices = #map1}, {transform_indices = #map1}, {transform_indices = #map}]} {
    %mul3A = arith.constant 2 : i32
    %mul3A_0 = arith.muli %arg1, %mul3A : i32
    %add3A = arith.addi %mul3A_0, %arg0 : i32
    %mul3A_1 = arith.constant 512 : i32
    %mul3A_2 = arith.muli %add3A, %mul3A_1 : i32
    "tpu.region"() ({
      %run_scoped3A = tpu.sem_alloc : memref<!tpu.dma_semaphore, #tpu.memory_space<semaphore_mem>>
      %dma_start3A = tpu.memref_slice %arg2[%mul3A_2] : memref<16384xi32, #tpu.memory_space<hbm>> -> memref<512xi32, #tpu.memory_space<hbm>>
      %dma_start3A_14 = tpu.memref_slice %arg2[%mul3A_2] : memref<16384xi32, #tpu.memory_space<hbm>> -> memref<512xi32, #tpu.memory_space<hbm>>
      tpu.enqueue_dma source(%dma_start3A_14 : memref<512xi32, #tpu.memory_space<hbm>>) target(%arg7 : memref<512xi32, #tpu.memory_space<vmem>>) target_semaphore(%run_scoped3A : memref<!tpu.dma_semaphore, #tpu.memory_space<semaphore_mem>>)
      %dma_wait3A = tpu.memref_slice %arg2[%mul3A_2] : memref<16384xi32, #tpu.memory_space<hbm>> -> memref<512xi32, #tpu.memory_space<hbm>>
      %dma_wait3A_15 = tpu.memref_slice %arg2[%mul3A_2] : memref<16384xi32, #tpu.memory_space<hbm>> -> memref<512xi32, #tpu.memory_space<hbm>>
      tpu.wait_dma2 semaphore(%run_scoped3A : memref<!tpu.dma_semaphore, #tpu.memory_space<semaphore_mem>>) src(%dma_wait3A_15 : memref<512xi32, #tpu.memory_space<hbm>>) dst(%arg7 : memref<512xi32, #tpu.memory_space<vmem>>)
      tpu.yield
    }) : () -> ()
    "tpu.region"() ({
      %run_scoped3A = tpu.sem_alloc : memref<!tpu.dma_semaphore, #tpu.memory_space<semaphore_mem>>
      %dma_start3A = tpu.memref_slice %arg3[%mul3A_2] : memref<16384xi32, #tpu.memory_space<hbm>> -> memref<512xi32, #tpu.memory_space<hbm>>
      %dma_start3A_14 = tpu.memref_slice %arg3[%mul3A_2] : memref<16384xi32, #tpu.memory_space<hbm>> -> memref<512xi32, #tpu.memory_space<hbm>>
      tpu.enqueue_dma source(%dma_start3A_14 : memref<512xi32, #tpu.memory_space<hbm>>) target(%arg8 : memref<512xi32, #tpu.memory_space<vmem>>) target_semaphore(%run_scoped3A : memref<!tpu.dma_semaphore, #tpu.memory_space<semaphore_mem>>)
      %dma_wait3A = tpu.memref_slice %arg3[%mul3A_2] : memref<16384xi32, #tpu.memory_space<hbm>> -> memref<512xi32, #tpu.memory_space<hbm>>
      %dma_wait3A_15 = tpu.memref_slice %arg3[%mul3A_2] : memref<16384xi32, #tpu.memory_space<hbm>> -> memref<512xi32, #tpu.memory_space<hbm>>
      tpu.wait_dma2 semaphore(%run_scoped3A : memref<!tpu.dma_semaphore, #tpu.memory_space<semaphore_mem>>) src(%dma_wait3A_15 : memref<512xi32, #tpu.memory_space<hbm>>) dst(%arg8 : memref<512xi32, #tpu.memory_space<vmem>>)
      tpu.yield
    }) : () -> ()
    %scan3A = arith.constant 0 : i32
    %scan3A_3 = arith.constant 0 : i32
    %scan3A_4 = arith.constant 32 : i32
    %scan3A_5 = arith.addi %scan3A_3, %scan3A_4 : i32
    %scan3A_6 = arith.constant 1 : i32
    scf.for %scan3A_14 = %scan3A_3 to %scan3A_5 step %scan3A_6  : i32 {
      %mul3A_15 = arith.constant 16 : i32
      %mul3A_16 = arith.muli %scan3A_14, %mul3A_15 : i32
      %get3A = arith.index_cast %mul3A_16 : i32 to index
      %get3A_17 = tpu.vector_load %arg7[%get3A] {strides = array<i32>} : memref<512xi32, #tpu.memory_space<vmem>>, vector<16xi32>,
      %mul3A_18 = arith.constant 16 : i32
      %mul3A_19 = arith.muli %scan3A_14, %mul3A_18 : i32
      %get3A_20 = arith.index_cast %mul3A_19 : i32 to index
      %get3A_21 = tpu.vector_load %arg8[%get3A_20] {strides = array<i32>} : memref<512xi32, #tpu.memory_space<vmem>>, vector<16xi32>,
      %mul3A_22 = arith.constant 16 : i32
      %mul3A_23 = arith.muli %scan3A_14, %mul3A_22 : i32
      %add3A_24 = arith.constant 0 : i32
      %add3A_25 = arith.addi %mul3A_23, %add3A_24 : i32
      %div3A = arith.constant 4 : i32
      %div3A_26 = arith.divsi %add3A_25, %div3A : i32
      %slice3A = vector.extract_strided_slice %get3A_17 {offsets = [0], sizes = [1], strides = [1]} : vector<16xi32> to vector<1xi32>
      %squeeze3A = vector.extract %slice3A[0] : i32 from vector<1xi32>
      %dma_start3A = arith.constant 0 : i32
      %dma_start3A_27 = tpu.memref_slice %arg9[%div3A_26, %dma_start3A] : memref<128x128xf32, #tpu.memory_space<vmem>> -> memref<1x32xf32, #tpu.memory_space<vmem>>
      %dma_start3A_28 = tpu.memref_squeeze %dma_start3A_27 : memref<1x32xf32, #tpu.memory_space<vmem>> -> memref<32xf32, #tpu.memory_space<vmem>>
      %dma_start3A_29 = arith.constant 0 : i32
      %dma_start3A_30 = tpu.memref_slice %arg4[%squeeze3A, %dma_start3A_29] : memref<1000000x32xf32, #tpu.memory_space<hbm>> -> memref<1x32xf32, #tpu.memory_space<hbm>>
      %dma_start3A_31 = tpu.memref_squeeze %dma_start3A_30 : memref<1x32xf32, #tpu.memory_space<hbm>> -> memref<32xf32, #tpu.memory_space<hbm>>
      %dma_start3A_32 = arith.constant 0 : i32
      %dma_start3A_33 = tpu.memref_slice %arg9[%div3A_26, %dma_start3A_32] : memref<128x128xf32, #tpu.memory_space<vmem>> -> memref<1x32xf32, #tpu.memory_space<vmem>>
      %dma_start3A_34 = tpu.memref_squeeze %dma_start3A_33 : memref<1x32xf32, #tpu.memory_space<vmem>> -> memref<32xf32, #tpu.memory_space<vmem>>
      %dma_start3A_35 = arith.constant 0 : i32
      %dma_start3A_36 = tpu.memref_slice %arg4[%squeeze3A, %dma_start3A_35] : memref<1000000x32xf32, #tpu.memory_space<hbm>> -> memref<1x32xf32, #tpu.memory_space<hbm>>
      %dma_start3A_37 = tpu.memref_squeeze %dma_start3A_36 : memref<1x32xf32, #tpu.memory_space<hbm>> -> memref<32xf32, #tpu.memory_space<hbm>>
      tpu.enqueue_dma source(%dma_start3A_37 : memref<32xf32, #tpu.memory_space<hbm>>) target(%dma_start3A_34 : memref<32xf32, #tpu.memory_space<vmem>>) target_semaphore(%arg12 : memref<!tpu.dma_semaphore, #tpu.memory_space<semaphore_mem>>)
      %slice3A_38 = vector.extract_strided_slice %get3A_21 {offsets = [0], sizes = [1], strides = [1]} : vector<16xi32> to vector<1xi32>
      %squeeze3A_39 = vector.extract %slice3A_38[0] : i32 from vector<1xi32>
      %dma_start3A_40 = arith.constant 0 : i32
      %dma_start3A_41 = tpu.memref_slice %arg10[%div3A_26, %dma_start3A_40] : memref<128x128xf32, #tpu.memory_space<vmem>> -> memref<1x32xf32, #tpu.memory_space<vmem>>
      %dma_start3A_42 = tpu.memref_squeeze %dma_start3A_41 : memref<1x32xf32, #tpu.memory_space<vmem>> -> memref<32xf32, #tpu.memory_space<vmem>>
      %dma_start3A_43 = arith.constant 0 : i32
      %dma_start3A_44 = tpu.memref_slice %arg5[%squeeze3A_39, %dma_start3A_43] : memref<1000000x32xf32, #tpu.memory_space<hbm>> -> memref<1x32xf32, #tpu.memory_space<hbm>>
      %dma_start3A_45 = tpu.memref_squeeze %dma_start3A_44 : memref<1x32xf32, #tpu.memory_space<hbm>> -> memref<32xf32, #tpu.memory_space<hbm>>
      %dma_start3A_46 = arith.constant 0 : i32
      %dma_start3A_47 = tpu.memref_slice %arg10[%div3A_26, %dma_start3A_46] : memref<128x128xf32, #tpu.memory_space<vmem>> -> memref<1x32xf32, #tpu.memory_space<vmem>>
      %dma_start3A_48 = tpu.memref_squeeze %dma_start3A_47 : memref<1x32xf32, #tpu.memory_space<vmem>> -> memref<32xf32, #tpu.memory_space<vmem>>
      %dma_start3A_49 = arith.constant 0 : i32
      %dma_start3A_50 = tpu.memref_slice %arg5[%squeeze3A_39, %dma_start3A_49] : memref<1000000x32xf32, #tpu.memory_space<hbm>> -> memref<1x32xf32, #tpu.memory_space<hbm>>
      %dma_start3A_51 = tpu.memref_squeeze %dma_start3A_50 : memref<1x32xf32, #tpu.memory_space<hbm>> -> memref<32xf32, #tpu.memory_space<hbm>>
      tpu.enqueue_dma source(%dma_start3A_51 : memref<32xf32, #tpu.memory_space<hbm>>) target(%dma_start3A_48 : memref<32xf32, #tpu.memory_space<vmem>>) target_semaphore(%arg12 : memref<!tpu.dma_semaphore, #tpu.memory_space<semaphore_mem>>)
      %mul3A_52 = arith.constant 16 : i32
      %mul3A_53 = arith.muli %scan3A_14, %mul3A_52 : i32
      %add3A_54 = arith.constant 1 : i32
      %add3A_55 = arith.addi %mul3A_53, %add3A_54 : i32
      %div3A_56 = arith.constant 4 : i32
      %div3A_57 = arith.divsi %add3A_55, %div3A_56 : i32
      %slice3A_58 = vector.extract_strided_slice %get3A_17 {offsets = [1], sizes = [1], strides = [1]} : vector<16xi32> to vector<1xi32>
      %squeeze3A_59 = vector.extract %slice3A_58[0] : i32 from vector<1xi32>
      %dma_start3A_60 = arith.constant 32 : i32
      %dma_start3A_61 = tpu.memref_slice %arg9[%div3A_57, %dma_start3A_60] : memref<128x128xf32, #tpu.memory_space<vmem>> -> memref<1x32xf32, #tpu.memory_space<vmem>>
      %dma_start3A_62 = tpu.memref_squeeze %dma_start3A_61 : memref<1x32xf32, #tpu.memory_space<vmem>> -> memref<32xf32, #tpu.memory_space<vmem>>
      %dma_start3A_63 = arith.constant 0 : i32
      %dma_start3A_64 = tpu.memref_slice %arg4[%squeeze3A_59, %dma_start3A_63] : memref<1000000x32xf32, #tpu.memory_space<hbm>> -> memref<1x32xf32, #tpu.memory_space<hbm>>
      %dma_start3A_65 = tpu.memref_squeeze %dma_start3A_64 : memref<1x32xf32, #tpu.memory_space<hbm>> -> memref<32xf32, #tpu.memory_space<hbm>>
      %dma_start3A_66 = arith.constant 32 : i32
      %dma_start3A_67 = tpu.memref_slice %arg9[%div3A_57, %dma_start3A_66] : memref<128x128xf32, #tpu.memory_space<vmem>> -> memref<1x32xf32, #tpu.memory_space<vmem>>
      %dma_start3A_68 = tpu.memref_squeeze %dma_start3A_67 : memref<1x32xf32, #tpu.memory_space<vmem>> -> memref<32xf32, #tpu.memory_space<vmem>>
      %dma_start3A_69 = arith.constant 0 : i32
      %dma_start3A_70 = tpu.memref_slice %arg4[%squeeze3A_59, %dma_start3A_69] : memref<1000000x32xf32, #tpu.memory_space<hbm>> -> memref<1x32xf32, #tpu.memory_space<hbm>>
      %dma_start3A_71 = tpu.memref_squeeze %dma_start3A_70 : memref<1x32xf32, #tpu.memory_space<hbm>> -> memref<32xf32, #tpu.memory_space<hbm>>
      tpu.enqueue_dma source(%dma_start3A_71 : memref<32xf32, #tpu.memory_space<hbm>>) target(%dma_start3A_68 : memref<32xf32, #tpu.memory_space<vmem>>) target_semaphore(%arg12 : memref<!tpu.dma_semaphore, #tpu.memory_space<semaphore_mem>>)
      %slice3A_72 = vector.extract_strided_slice %get3A_21 {offsets = [1], sizes = [1], strides = [1]} : vector<16xi32> to vector<1xi32>
      %squeeze3A_73 = vector.extract %slice3A_72[0] : i32 from vector<1xi32>
      %dma_start3A_74 = arith.constant 32 : i32
      %dma_start3A_75 = tpu.memref_slice %arg10[%div3A_57, %dma_start3A_74] : memref<128x128xf32, #tpu.memory_space<vmem>> -> memref<1x32xf32, #tpu.memory_space<vmem>>
      %dma_start3A_76 = tpu.memref_squeeze %dma_start3A_75 : memref<1x32xf32, #tpu.memory_space<vmem>> -> memref<32xf32, #tpu.memory_space<vmem>>
      %dma_start3A_77 = arith.constant 0 : i32
      %dma_start3A_78 = tpu.memref_slice %arg5[%squeeze3A_73, %dma_start3A_77] : memref<1000000x32xf32, #tpu.memory_space<hbm>> -> memref<1x32xf32, #tpu.memory_space<hbm>>
      %dma_start3A_79 = tpu.memref_squeeze %dma_start3A_78 : memref<1x32xf32, #tpu.memory_space<hbm>> -> memref<32xf32, #tpu.memory_space<hbm>>
      %dma_start3A_80 = arith.constant 32 : i32
      %dma_start3A_81 = tpu.memref_slice %arg10[%div3A_57, %dma_start3A_80] : memref<128x128xf32, #tpu.memory_space<vmem>> -> memref<1x32xf32, #tpu.memory_space<vmem>>
      %dma_start3A_82 = tpu.memref_squeeze %dma_start3A_81 : memref<1x32xf32, #tpu.memory_space<vmem>> -> memref<32xf32, #tpu.memory_space<vmem>>
      %dma_start3A_83 = arith.constant 0 : i32
      %dma_start3A_84 = tpu.memref_slice %arg5[%squeeze3A_73, %dma_start3A_83] : memref<1000000x32xf32, #tpu.memory_space<hbm>> -> memref<1x32xf32, #tpu.memory_space<hbm>>
      %dma_start3A_85 = tpu.memref_squeeze %dma_start3A_84 : memref<1x32xf32, #tpu.memory_space<hbm>> -> memref<32xf32, #tpu.memory_space<hbm>>
      tpu.enqueue_dma source(%dma_start3A_85 : memref<32xf32, #tpu.memory_space<hbm>>) target(%dma_start3A_82 : memref<32xf32, #tpu.memory_space<vmem>>) target_semaphore(%arg12 : memref<!tpu.dma_semaphore, #tpu.memory_space<semaphore_mem>>)
      %mul3A_86 = arith.constant 16 : i32
      %mul3A_87 = arith.muli %scan3A_14, %mul3A_86 : i32
      %add3A_88 = arith.constant 2 : i32
      %add3A_89 = arith.addi %mul3A_87, %add3A_88 : i32
      %div3A_90 = arith.constant 4 : i32
      %div3A_91 = arith.divsi %add3A_89, %div3A_90 : i32
      %slice3A_92 = vector.extract_strided_slice %get3A_17 {offsets = [2], sizes = [1], strides = [1]} : vector<16xi32> to vector<1xi32>
      %squeeze3A_93 = vector.extract %slice3A_92[0] : i32 from vector<1xi32>
      %dma_start3A_94 = arith.constant 64 : i32
      %dma_start3A_95 = tpu.memref_slice %arg9[%div3A_91, %dma_start3A_94] : memref<128x128xf32, #tpu.memory_space<vmem>> -> memref<1x32xf32, #tpu.memory_space<vmem>>
      %dma_start3A_96 = tpu.memref_squeeze %dma_start3A_95 : memref<1x32xf32, #tpu.memory_space<vmem>> -> memref<32xf32, #tpu.memory_space<vmem>>
      %dma_start3A_97 = arith.constant 0 : i32
      %dma_start3A_98 = tpu.memref_slice %arg4[%squeeze3A_93, %dma_start3A_97] : memref<1000000x32xf32, #tpu.memory_space<hbm>> -> memref<1x32xf32, #tpu.memory_space<hbm>>
      %dma_start3A_99 = tpu.memref_squeeze %dma_start3A_98 : memref<1x32xf32, #tpu.memory_space<hbm>> -> memref<32xf32, #tpu.memory_space<hbm>>
      %dma_start3A_100 = arith.constant 64 : i32
      %dma_start3A_101 = tpu.memref_slice %arg9[%div3A_91, %dma_start3A_100] : memref<128x128xf32, #tpu.memory_space<vmem>> -> memref<1x32xf32, #tpu.memory_space<vmem>>
      %dma_start3A_102 = tpu.memref_squeeze %dma_start3A_101 : memref<1x32xf32, #tpu.memory_space<vmem>> -> memref<32xf32, #tpu.memory_space<vmem>>
      %dma_start3A_103 = arith.constant 0 : i32
      %dma_start3A_104 = tpu.memref_slice %arg4[%squeeze3A_93, %dma_start3A_103] : memref<1000000x32xf32, #tpu.memory_space<hbm>> -> memref<1x32xf32, #tpu.memory_space<hbm>>
      %dma_start3A_105 = tpu.memref_squeeze %dma_start3A_104 : memref<1x32xf32, #tpu.memory_space<hbm>> -> memref<32xf32, #tpu.memory_space<hbm>>
      tpu.enqueue_dma source(%dma_start3A_105 : memref<32xf32, #tpu.memory_space<hbm>>) target(%dma_start3A_102 : memref<32xf32, #tpu.memory_space<vmem>>) target_semaphore(%arg12 : memref<!tpu.dma_semaphore, #tpu.memory_space<semaphore_mem>>)
      %slice3A_106 = vector.extract_strided_slice %get3A_21 {offsets = [2], sizes = [1], strides = [1]} : vector<16xi32> to vector<1xi32>
      %squeeze3A_107 = vector.extract %slice3A_106[0] : i32 from vector<1xi32>
      %dma_start3A_108 = arith.constant 64 : i32
      %dma_start3A_109 = tpu.memref_slice %arg10[%div3A_91, %dma_start3A_108] : memref<128x128xf32, #tpu.memory_space<vmem>> -> memref<1x32xf32, #tpu.memory_space<vmem>>
      %dma_start3A_110 = tpu.memref_squeeze %dma_start3A_109 : memref<1x32xf32, #tpu.memory_space<vmem>> -> memref<32xf32, #tpu.memory_space<vmem>>
      %dma_start3A_111 = arith.constant 0 : i32
      %dma_start3A_112 = tpu.memref_slice %arg5[%squeeze3A_107, %dma_start3A_111] : memref<1000000x32xf32, #tpu.memory_space<hbm>> -> memref<1x32xf32, #tpu.memory_space<hbm>>
      %dma_start3A_113 = tpu.memref_squeeze %dma_start3A_112 : memref<1x32xf32, #tpu.memory_space<hbm>> -> memref<32xf32, #tpu.memory_space<hbm>>
      %dma_start3A_114 = arith.constant 64 : i32
      %dma_start3A_115 = tpu.memref_slice %arg10[%div3A_91, %dma_start3A_114] : memref<128x128xf32, #tpu.memory_space<vmem>> -> memref<1x32xf32, #tpu.memory_space<vmem>>
      %dma_start3A_116 = tpu.memref_squeeze %dma_start3A_115 : memref<1x32xf32, #tpu.memory_space<vmem>> -> memref<32xf32, #tpu.memory_space<vmem>>
      %dma_start3A_117 = arith.constant 0 : i32
      %dma_start3A_118 = tpu.memref_slice %arg5[%squeeze3A_107, %dma_start3A_117] : memref<1000000x32xf32, #tpu.memory_space<hbm>> -> memref<1x32xf32, #tpu.memory_space<hbm>>
      %dma_start3A_119 = tpu.memref_squeeze %dma_start3A_118 : memref<1x32xf32, #tpu.memory_space<hbm>> -> memref<32xf32, #tpu.memory_space<hbm>>
      tpu.enqueue_dma source(%dma_start3A_119 : memref<32xf32, #tpu.memory_space<hbm>>) target(%dma_start3A_116 : memref<32xf32, #tpu.memory_space<vmem>>) target_semaphore(%arg12 : memref<!tpu.dma_semaphore, #tpu.memory_space<semaphore_mem>>)
      %mul3A_120 = arith.constant 16 : i32
      %mul3A_121 = arith.muli %scan3A_14, %mul3A_120 : i32
      %add3A_122 = arith.constant 3 : i32
      %add3A_123 = arith.addi %mul3A_121, %add3A_122 : i32
      %div3A_124 = arith.constant 4 : i32
      %div3A_125 = arith.divsi %add3A_123, %div3A_124 : i32
      %slice3A_126 = vector.extract_strided_slice %get3A_17 {offsets = [3], sizes = [1], strides = [1]} : vector<16xi32> to vector<1xi32>
      %squeeze3A_127 = vector.extract %slice3A_126[0] : i32 from vector<1xi32>
      %dma_start3A_128 = arith.constant 96 : i32
      %dma_start3A_129 = tpu.memref_slice %arg9[%div3A_125, %dma_start3A_128] : memref<128x128xf32, #tpu.memory_space<vmem>> -> memref<1x32xf32, #tpu.memory_space<vmem>>
      %dma_start3A_130 = tpu.memref_squeeze %dma_start3A_129 : memref<1x32xf32, #tpu.memory_space<vmem>> -> memref<32xf32, #tpu.memory_space<vmem>>
      %dma_start3A_131 = arith.constant 0 : i32
      %dma_start3A_132 = tpu.memref_slice %arg4[%squeeze3A_127, %dma_start3A_131] : memref<1000000x32xf32, #tpu.memory_space<hbm>> -> memref<1x32xf32, #tpu.memory_space<hbm>>
      %dma_start3A_133 = tpu.memref_squeeze %dma_start3A_132 : memref<1x32xf32, #tpu.memory_space<hbm>> -> memref<32xf32, #tpu.memory_space<hbm>>
      %dma_start3A_134 = arith.constant 96 : i32
      %dma_start3A_135 = tpu.memref_slice %arg9[%div3A_125, %dma_start3A_134] : memref<128x128xf32, #tpu.memory_space<vmem>> -> memref<1x32xf32, #tpu.memory_space<vmem>>
      %dma_start3A_136 = tpu.memref_squeeze %dma_start3A_135 : memref<1x32xf32, #tpu.memory_space<vmem>> -> memref<32xf32, #tpu.memory_space<vmem>>
      %dma_start3A_137 = arith.constant 0 : i32
      %dma_start3A_138 = tpu.memref_slice %arg4[%squeeze3A_127, %dma_start3A_137] : memref<1000000x32xf32, #tpu.memory_space<hbm>> -> memref<1x32xf32, #tpu.memory_space<hbm>>
      %dma_start3A_139 = tpu.memref_squeeze %dma_start3A_138 : memref<1x32xf32, #tpu.memory_space<hbm>> -> memref<32xf32, #tpu.memory_space<hbm>>
      tpu.enqueue_dma source(%dma_start3A_139 : memref<32xf32, #tpu.memory_space<hbm>>) target(%dma_start3A_136 : memref<32xf32, #tpu.memory_space<vmem>>) target_semaphore(%arg12 : memref<!tpu.dma_semaphore, #tpu.memory_space<semaphore_mem>>)
      %slice3A_140 = vector.extract_strided_slice %get3A_21 {offsets = [3], sizes = [1], strides = [1]} : vector<16xi32> to vector<1xi32>
      %squeeze3A_141 = vector.extract %slice3A_140[0] : i32 from vector<1xi32>
      %dma_start3A_142 = arith.constant 96 : i32
      %dma_start3A_143 = tpu.memref_slice %arg10[%div3A_125, %dma_start3A_142] : memref<128x128xf32, #tpu.memory_space<vmem>> -> memref<1x32xf32, #tpu.memory_space<vmem>>
      %dma_start3A_144 = tpu.memref_squeeze %dma_start3A_143 : memref<1x32xf32, #tpu.memory_space<vmem>> -> memref<32xf32, #tpu.memory_space<vmem>>
      %dma_start3A_145 = arith.constant 0 : i32
      %dma_start3A_146 = tpu.memref_slice %arg5[%squeeze3A_141, %dma_start3A_145] : memref<1000000x32xf32, #tpu.memory_space<hbm>> -> memref<1x32xf32, #tpu.memory_space<hbm>>
      %dma_start3A_147 = tpu.memref_squeeze %dma_start3A_146 : memref<1x32xf32, #tpu.memory_space<hbm>> -> memref<32xf32, #tpu.memory_space<hbm>>
      %dma_start3A_148 = arith.constant 96 : i32
      %dma_start3A_149 = tpu.memref_slice %arg10[%div3A_125, %dma_start3A_148] : memref<128x128xf32, #tpu.memory_space<vmem>> -> memref<1x32xf32, #tpu.memory_space<vmem>>
      %dma_start3A_150 = tpu.memref_squeeze %dma_start3A_149 : memref<1x32xf32, #tpu.memory_space<vmem>> -> memref<32xf32, #tpu.memory_space<vmem>>
      %dma_start3A_151 = arith.constant 0 : i32
      %dma_start3A_152 = tpu.memref_slice %arg5[%squeeze3A_141, %dma_start3A_151] : memref<1000000x32xf32, #tpu.memory_space<hbm>> -> memref<1x32xf32, #tpu.memory_space<hbm>>
      %dma_start3A_153 = tpu.memref_squeeze %dma_start3A_152 : memref<1x32xf32, #tpu.memory_space<hbm>> -> memref<32xf32, #tpu.memory_space<hbm>>
      tpu.enqueue_dma source(%dma_start3A_153 : memref<32xf32, #tpu.memory_space<hbm>>) target(%dma_start3A_150 : memref<32xf32, #tpu.memory_space<vmem>>) target_semaphore(%arg12 : memref<!tpu.dma_semaphore, #tpu.memory_space<semaphore_mem>>)
      %mul3A_154 = arith.constant 16 : i32
      %mul3A_155 = arith.muli %scan3A_14, %mul3A_154 : i32
      %add3A_156 = arith.constant 4 : i32
      %add3A_157 = arith.addi %mul3A_155, %add3A_156 : i32
      %div3A_158 = arith.constant 4 : i32
      %div3A_159 = arith.divsi %add3A_157, %div3A_158 : i32
      %slice3A_160 = vector.extract_strided_slice %get3A_17 {offsets = [4], sizes = [1], strides = [1]} : vector<16xi32> to vector<1xi32>
      %squeeze3A_161 = vector.extract %slice3A_160[0] : i32 from vector<1xi32>
      %dma_start3A_162 = arith.constant 0 : i32
      %dma_start3A_163 = tpu.memref_slice %arg9[%div3A_159, %dma_start3A_162] : memref<128x128xf32, #tpu.memory_space<vmem>> -> memref<1x32xf32, #tpu.memory_space<vmem>>
      %dma_start3A_164 = tpu.memref_squeeze %dma_start3A_163 : memref<1x32xf32, #tpu.memory_space<vmem>> -> memref<32xf32, #tpu.memory_space<vmem>>
      %dma_start3A_165 = arith.constant 0 : i32
      %dma_start3A_166 = tpu.memref_slice %arg4[%squeeze3A_161, %dma_start3A_165] : memref<1000000x32xf32, #tpu.memory_space<hbm>> -> memref<1x32xf32, #tpu.memory_space<hbm>>
      %dma_start3A_167 = tpu.memref_squeeze %dma_start3A_166 : memref<1x32xf32, #tpu.memory_space<hbm>> -> memref<32xf32, #tpu.memory_space<hbm>>
      %dma_start3A_168 = arith.constant 0 : i32
      %dma_start3A_169 = tpu.memref_slice %arg9[%div3A_159, %dma_start3A_168] : memref<128x128xf32, #tpu.memory_space<vmem>> -> memref<1x32xf32, #tpu.memory_space<vmem>>
      %dma_start3A_170 = tpu.memref_squeeze %dma_start3A_169 : memref<1x32xf32, #tpu.memory_space<vmem>> -> memref<32xf32, #tpu.memory_space<vmem>>
      %dma_start3A_171 = arith.constant 0 : i32
      %dma_start3A_172 = tpu.memref_slice %arg4[%squeeze3A_161, %dma_start3A_171] : memref<1000000x32xf32, #tpu.memory_space<hbm>> -> memref<1x32xf32, #tpu.memory_space<hbm>>
      %dma_start3A_173 = tpu.memref_squeeze %dma_start3A_172 : memref<1x32xf32, #tpu.memory_space<hbm>> -> memref<32xf32, #tpu.memory_space<hbm>>
      tpu.enqueue_dma source(%dma_start3A_173 : memref<32xf32, #tpu.memory_space<hbm>>) target(%dma_start3A_170 : memref<32xf32, #tpu.memory_space<vmem>>) target_semaphore(%arg12 : memref<!tpu.dma_semaphore, #tpu.memory_space<semaphore_mem>>)
      %slice3A_174 = vector.extract_strided_slice %get3A_21 {offsets = [4], sizes = [1], strides = [1]} : vector<16xi32> to vector<1xi32>
      %squeeze3A_175 = vector.extract %slice3A_174[0] : i32 from vector<1xi32>
      %dma_start3A_176 = arith.constant 0 : i32
      %dma_start3A_177 = tpu.memref_slice %arg10[%div3A_159, %dma_start3A_176] : memref<128x128xf32, #tpu.memory_space<vmem>> -> memref<1x32xf32, #tpu.memory_space<vmem>>
      %dma_start3A_178 = tpu.memref_squeeze %dma_start3A_177 : memref<1x32xf32, #tpu.memory_space<vmem>> -> memref<32xf32, #tpu.memory_space<vmem>>
      %dma_start3A_179 = arith.constant 0 : i32
      %dma_start3A_180 = tpu.memref_slice %arg5[%squeeze3A_175, %dma_start3A_179] : memref<1000000x32xf32, #tpu.memory_space<hbm>> -> memref<1x32xf32, #tpu.memory_space<hbm>>
      %dma_start3A_181 = tpu.memref_squeeze %dma_start3A_180 : memref<1x32xf32, #tpu.memory_space<hbm>> -> memref<32xf32, #tpu.memory_space<hbm>>
      %dma_start3A_182 = arith.constant 0 : i32
      %dma_start3A_183 = tpu.memref_slice %arg10[%div3A_159, %dma_start3A_182] : memref<128x128xf32, #tpu.memory_space<vmem>> -> memref<1x32xf32, #tpu.memory_space<vmem>>
      %dma_start3A_184 = tpu.memref_squeeze %dma_start3A_183 : memref<1x32xf32, #tpu.memory_space<vmem>> -> memref<32xf32, #tpu.memory_space<vmem>>
      %dma_start3A_185 = arith.constant 0 : i32
      %dma_start3A_186 = tpu.memref_slice %arg5[%squeeze3A_175, %dma_start3A_185] : memref<1000000x32xf32, #tpu.memory_space<hbm>> -> memref<1x32xf32, #tpu.memory_space<hbm>>
      %dma_start3A_187 = tpu.memref_squeeze %dma_start3A_186 : memref<1x32xf32, #tpu.memory_space<hbm>> -> memref<32xf32, #tpu.memory_space<hbm>>
      tpu.enqueue_dma source(%dma_start3A_187 : memref<32xf32, #tpu.memory_space<hbm>>) target(%dma_start3A_184 : memref<32xf32, #tpu.memory_space<vmem>>) target_semaphore(%arg12 : memref<!tpu.dma_semaphore, #tpu.memory_space<semaphore_mem>>)
      %mul3A_188 = arith.constant 16 : i32
      %mul3A_189 = arith.muli %scan3A_14, %mul3A_188 : i32
      %add3A_190 = arith.constant 5 : i32
      %add3A_191 = arith.addi %mul3A_189, %add3A_190 : i32
      %div3A_192 = arith.constant 4 : i32
      %div3A_193 = arith.divsi %add3A_191, %div3A_192 : i32
      %slice3A_194 = vector.extract_strided_slice %get3A_17 {offsets = [5], sizes = [1], strides = [1]} : vector<16xi32> to vector<1xi32>
      %squeeze3A_195 = vector.extract %slice3A_194[0] : i32 from vector<1xi32>
      %dma_start3A_196 = arith.constant 32 : i32
      %dma_start3A_197 = tpu.memref_slice %arg9[%div3A_193, %dma_start3A_196] : memref<128x128xf32, #tpu.memory_space<vmem>> -> memref<1x32xf32, #tpu.memory_space<vmem>>
      %dma_start3A_198 = tpu.memref_squeeze %dma_start3A_197 : memref<1x32xf32, #tpu.memory_space<vmem>> -> memref<32xf32, #tpu.memory_space<vmem>>
      %dma_start3A_199 = arith.constant 0 : i32
      %dma_start3A_200 = tpu.memref_slice %arg4[%squeeze3A_195, %dma_start3A_199] : memref<1000000x32xf32, #tpu.memory_space<hbm>> -> memref<1x32xf32, #tpu.memory_space<hbm>>
      %dma_start3A_201 = tpu.memref_squeeze %dma_start3A_200 : memref<1x32xf32, #tpu.memory_space<hbm>> -> memref<32xf32, #tpu.memory_space<hbm>>
      %dma_start3A_202 = arith.constant 32 : i32
      %dma_start3A_203 = tpu.memref_slice %arg9[%div3A_193, %dma_start3A_202] : memref<128x128xf32, #tpu.memory_space<vmem>> -> memref<1x32xf32, #tpu.memory_space<vmem>>
      %dma_start3A_204 = tpu.memref_squeeze %dma_start3A_203 : memref<1x32xf32, #tpu.memory_space<vmem>> -> memref<32xf32, #tpu.memory_space<vmem>>
      %dma_start3A_205 = arith.constant 0 : i32
      %dma_start3A_206 = tpu.memref_slice %arg4[%squeeze3A_195, %dma_start3A_205] : memref<1000000x32xf32, #tpu.memory_space<hbm>> -> memref<1x32xf32, #tpu.memory_space<hbm>>
      %dma_start3A_207 = tpu.memref_squeeze %dma_start3A_206 : memref<1x32xf32, #tpu.memory_space<hbm>> -> memref<32xf32, #tpu.memory_space<hbm>>
      tpu.enqueue_dma source(%dma_start3A_207 : memref<32xf32, #tpu.memory_space<hbm>>) target(%dma_start3A_204 : memref<32xf32, #tpu.memory_space<vmem>>) target_semaphore(%arg12 : memref<!tpu.dma_semaphore, #tpu.memory_space<semaphore_mem>>)
      %slice3A_208 = vector.extract_strided_slice %get3A_21 {offsets = [5], sizes = [1], strides = [1]} : vector<16xi32> to vector<1xi32>
      %squeeze3A_209 = vector.extract %slice3A_208[0] : i32 from vector<1xi32>
      %dma_start3A_210 = arith.constant 32 : i32
      %dma_start3A_211 = tpu.memref_slice %arg10[%div3A_193, %dma_start3A_210] : memref<128x128xf32, #tpu.memory_space<vmem>> -> memref<1x32xf32, #tpu.memory_space<vmem>>
      %dma_start3A_212 = tpu.memref_squeeze %dma_start3A_211 : memref<1x32xf32, #tpu.memory_space<vmem>> -> memref<32xf32, #tpu.memory_space<vmem>>
      %dma_start3A_213 = arith.constant 0 : i32
      %dma_start3A_214 = tpu.memref_slice %arg5[%squeeze3A_209, %dma_start3A_213] : memref<1000000x32xf32, #tpu.memory_space<hbm>> -> memref<1x32xf32, #tpu.memory_space<hbm>>
      %dma_start3A_215 = tpu.memref_squeeze %dma_start3A_214 : memref<1x32xf32, #tpu.memory_space<hbm>> -> memref<32xf32, #tpu.memory_space<hbm>>
      %dma_start3A_216 = arith.constant 32 : i32
      %dma_start3A_217 = tpu.memref_slice %arg10[%div3A_193, %dma_start3A_216] : memref<128x128xf32, #tpu.memory_space<vmem>> -> memref<1x32xf32, #tpu.memory_space<vmem>>
      %dma_start3A_218 = tpu.memref_squeeze %dma_start3A_217 : memref<1x32xf32, #tpu.memory_space<vmem>> -> memref<32xf32, #tpu.memory_space<vmem>>
      %dma_start3A_219 = arith.constant 0 : i32
      %dma_start3A_220 = tpu.memref_slice %arg5[%squeeze3A_209, %dma_start3A_219] : memref<1000000x32xf32, #tpu.memory_space<hbm>> -> memref<1x32xf32, #tpu.memory_space<hbm>>
      %dma_start3A_221 = tpu.memref_squeeze %dma_start3A_220 : memref<1x32xf32, #tpu.memory_space<hbm>> -> memref<32xf32, #tpu.memory_space<hbm>>
      tpu.enqueue_dma source(%dma_start3A_221 : memref<32xf32, #tpu.memory_space<hbm>>) target(%dma_start3A_218 : memref<32xf32, #tpu.memory_space<vmem>>) target_semaphore(%arg12 : memref<!tpu.dma_semaphore, #tpu.memory_space<semaphore_mem>>)
      %mul3A_222 = arith.constant 16 : i32
      %mul3A_223 = arith.muli %scan3A_14, %mul3A_222 : i32
      %add3A_224 = arith.constant 6 : i32
      %add3A_225 = arith.addi %mul3A_223, %add3A_224 : i32
      %div3A_226 = arith.constant 4 : i32
      %div3A_227 = arith.divsi %add3A_225, %div3A_226 : i32
      %slice3A_228 = vector.extract_strided_slice %get3A_17 {offsets = [6], sizes = [1], strides = [1]} : vector<16xi32> to vector<1xi32>
      %squeeze3A_229 = vector.extract %slice3A_228[0] : i32 from vector<1xi32>
      %dma_start3A_230 = arith.constant 64 : i32
      %dma_start3A_231 = tpu.memref_slice %arg9[%div3A_227, %dma_start3A_230] : memref<128x128xf32, #tpu.memory_space<vmem>> -> memref<1x32xf32, #tpu.memory_space<vmem>>
      %dma_start3A_232 = tpu.memref_squeeze %dma_start3A_231 : memref<1x32xf32, #tpu.memory_space<vmem>> -> memref<32xf32, #tpu.memory_space<vmem>>
      %dma_start3A_233 = arith.constant 0 : i32
      %dma_start3A_234 = tpu.memref_slice %arg4[%squeeze3A_229, %dma_start3A_233] : memref<1000000x32xf32, #tpu.memory_space<hbm>> -> memref<1x32xf32, #tpu.memory_space<hbm>>
      %dma_start3A_235 = tpu.memref_squeeze %dma_start3A_234 : memref<1x32xf32, #tpu.memory_space<hbm>> -> memref<32xf32, #tpu.memory_space<hbm>>
      %dma_start3A_236 = arith.constant 64 : i32
      %dma_start3A_237 = tpu.memref_slice %arg9[%div3A_227, %dma_start3A_236] : memref<128x128xf32, #tpu.memory_space<vmem>> -> memref<1x32xf32, #tpu.memory_space<vmem>>
      %dma_start3A_238 = tpu.memref_squeeze %dma_start3A_237 : memref<1x32xf32, #tpu.memory_space<vmem>> -> memref<32xf32, #tpu.memory_space<vmem>>
      %dma_start3A_239 = arith.constant 0 : i32
      %dma_start3A_240 = tpu.memref_slice %arg4[%squeeze3A_229, %dma_start3A_239] : memref<1000000x32xf32, #tpu.memory_space<hbm>> -> memref<1x32xf32, #tpu.memory_space<hbm>>
      %dma_start3A_241 = tpu.memref_squeeze %dma_start3A_240 : memref<1x32xf32, #tpu.memory_space<hbm>> -> memref<32xf32, #tpu.memory_space<hbm>>
      tpu.enqueue_dma source(%dma_start3A_241 : memref<32xf32, #tpu.memory_space<hbm>>) target(%dma_start3A_238 : memref<32xf32, #tpu.memory_space<vmem>>) target_semaphore(%arg12 : memref<!tpu.dma_semaphore, #tpu.memory_space<semaphore_mem>>)
      %slice3A_242 = vector.extract_strided_slice %get3A_21 {offsets = [6], sizes = [1], strides = [1]} : vector<16xi32> to vector<1xi32>
      %squeeze3A_243 = vector.extract %slice3A_242[0] : i32 from vector<1xi32>
      %dma_start3A_244 = arith.constant 64 : i32
      %dma_start3A_245 = tpu.memref_slice %arg10[%div3A_227, %dma_start3A_244] : memref<128x128xf32, #tpu.memory_space<vmem>> -> memref<1x32xf32, #tpu.memory_space<vmem>>
      %dma_start3A_246 = tpu.memref_squeeze %dma_start3A_245 : memref<1x32xf32, #tpu.memory_space<vmem>> -> memref<32xf32, #tpu.memory_space<vmem>>
      %dma_start3A_247 = arith.constant 0 : i32
      %dma_start3A_248 = tpu.memref_slice %arg5[%squeeze3A_243, %dma_start3A_247] : memref<1000000x32xf32, #tpu.memory_space<hbm>> -> memref<1x32xf32, #tpu.memory_space<hbm>>
      %dma_start3A_249 = tpu.memref_squeeze %dma_start3A_248 : memref<1x32xf32, #tpu.memory_space<hbm>> -> memref<32xf32, #tpu.memory_space<hbm>>
      %dma_start3A_250 = arith.constant 64 : i32
      %dma_start3A_251 = tpu.memref_slice %arg10[%div3A_227, %dma_start3A_250] : memref<128x128xf32, #tpu.memory_space<vmem>> -> memref<1x32xf32, #tpu.memory_space<vmem>>
      %dma_start3A_252 = tpu.memref_squeeze %dma_start3A_251 : memref<1x32xf32, #tpu.memory_space<vmem>> -> memref<32xf32, #tpu.memory_space<vmem>>
      %dma_start3A_253 = arith.constant 0 : i32
      %dma_start3A_254 = tpu.memref_slice %arg5[%squeeze3A_243, %dma_start3A_253] : memref<1000000x32xf32, #tpu.memory_space<hbm>> -> memref<1x32xf32, #tpu.memory_space<hbm>>
      %dma_start3A_255 = tpu.memref_squeeze %dma_start3A_254 : memref<1x32xf32, #tpu.memory_space<hbm>> -> memref<32xf32, #tpu.memory_space<hbm>>
      tpu.enqueue_dma source(%dma_start3A_255 : memref<32xf32, #tpu.memory_space<hbm>>) target(%dma_start3A_252 : memref<32xf32, #tpu.memory_space<vmem>>) target_semaphore(%arg12 : memref<!tpu.dma_semaphore, #tpu.memory_space<semaphore_mem>>)
      %mul3A_256 = arith.constant 16 : i32
      %mul3A_257 = arith.muli %scan3A_14, %mul3A_256 : i32
      %add3A_258 = arith.constant 7 : i32
      %add3A_259 = arith.addi %mul3A_257, %add3A_258 : i32
      %div3A_260 = arith.constant 4 : i32
      %div3A_261 = arith.divsi %add3A_259, %div3A_260 : i32
      %slice3A_262 = vector.extract_strided_slice %get3A_17 {offsets = [7], sizes = [1], strides = [1]} : vector<16xi32> to vector<1xi32>
      %squeeze3A_263 = vector.extract %slice3A_262[0] : i32 from vector<1xi32>
      %dma_start3A_264 = arith.constant 96 : i32
      %dma_start3A_265 = tpu.memref_slice %arg9[%div3A_261, %dma_start3A_264] : memref<128x128xf32, #tpu.memory_space<vmem>> -> memref<1x32xf32, #tpu.memory_space<vmem>>
      %dma_start3A_266 = tpu.memref_squeeze %dma_start3A_265 : memref<1x32xf32, #tpu.memory_space<vmem>> -> memref<32xf32, #tpu.memory_space<vmem>>
      %dma_start3A_267 = arith.constant 0 : i32
      %dma_start3A_268 = tpu.memref_slice %arg4[%squeeze3A_263, %dma_start3A_267] : memref<1000000x32xf32, #tpu.memory_space<hbm>> -> memref<1x32xf32, #tpu.memory_space<hbm>>
      %dma_start3A_269 = tpu.memref_squeeze %dma_start3A_268 : memref<1x32xf32, #tpu.memory_space<hbm>> -> memref<32xf32, #tpu.memory_space<hbm>>
      %dma_start3A_270 = arith.constant 96 : i32
      %dma_start3A_271 = tpu.memref_slice %arg9[%div3A_261, %dma_start3A_270] : memref<128x128xf32, #tpu.memory_space<vmem>> -> memref<1x32xf32, #tpu.memory_space<vmem>>
      %dma_start3A_272 = tpu.memref_squeeze %dma_start3A_271 : memref<1x32xf32, #tpu.memory_space<vmem>> -> memref<32xf32, #tpu.memory_space<vmem>>
      %dma_start3A_273 = arith.constant 0 : i32
      %dma_start3A_274 = tpu.memref_slice %arg4[%squeeze3A_263, %dma_start3A_273] : memref<1000000x32xf32, #tpu.memory_space<hbm>> -> memref<1x32xf32, #tpu.memory_space<hbm>>
      %dma_start3A_275 = tpu.memref_squeeze %dma_start3A_274 : memref<1x32xf32, #tpu.memory_space<hbm>> -> memref<32xf32, #tpu.memory_space<hbm>>
      tpu.enqueue_dma source(%dma_start3A_275 : memref<32xf32, #tpu.memory_space<hbm>>) target(%dma_start3A_272 : memref<32xf32, #tpu.memory_space<vmem>>) target_semaphore(%arg12 : memref<!tpu.dma_semaphore, #tpu.memory_space<semaphore_mem>>)
      %slice3A_276 = vector.extract_strided_slice %get3A_21 {offsets = [7], sizes = [1], strides = [1]} : vector<16xi32> to vector<1xi32>
      %squeeze3A_277 = vector.extract %slice3A_276[0] : i32 from vector<1xi32>
      %dma_start3A_278 = arith.constant 96 : i32
      %dma_start3A_279 = tpu.memref_slice %arg10[%div3A_261, %dma_start3A_278] : memref<128x128xf32, #tpu.memory_space<vmem>> -> memref<1x32xf32, #tpu.memory_space<vmem>>
      %dma_start3A_280 = tpu.memref_squeeze %dma_start3A_279 : memref<1x32xf32, #tpu.memory_space<vmem>> -> memref<32xf32, #tpu.memory_space<vmem>>
      %dma_start3A_281 = arith.constant 0 : i32
      %dma_start3A_282 = tpu.memref_slice %arg5[%squeeze3A_277, %dma_start3A_281] : memref<1000000x32xf32, #tpu.memory_space<hbm>> -> memref<1x32xf32, #tpu.memory_space<hbm>>
      %dma_start3A_283 = tpu.memref_squeeze %dma_start3A_282 : memref<1x32xf32, #tpu.memory_space<hbm>> -> memref<32xf32, #tpu.memory_space<hbm>>
      %dma_start3A_284 = arith.constant 96 : i32
      %dma_start3A_285 = tpu.memref_slice %arg10[%div3A_261, %dma_start3A_284] : memref<128x128xf32, #tpu.memory_space<vmem>> -> memref<1x32xf32, #tpu.memory_space<vmem>>
      %dma_start3A_286 = tpu.memref_squeeze %dma_start3A_285 : memref<1x32xf32, #tpu.memory_space<vmem>> -> memref<32xf32, #tpu.memory_space<vmem>>
      %dma_start3A_287 = arith.constant 0 : i32
      %dma_start3A_288 = tpu.memref_slice %arg5[%squeeze3A_277, %dma_start3A_287] : memref<1000000x32xf32, #tpu.memory_space<hbm>> -> memref<1x32xf32, #tpu.memory_space<hbm>>
      %dma_start3A_289 = tpu.memref_squeeze %dma_start3A_288 : memref<1x32xf32, #tpu.memory_space<hbm>> -> memref<32xf32, #tpu.memory_space<hbm>>
      tpu.enqueue_dma source(%dma_start3A_289 : memref<32xf32, #tpu.memory_space<hbm>>) target(%dma_start3A_286 : memref<32xf32, #tpu.memory_space<vmem>>) target_semaphore(%arg12 : memref<!tpu.dma_semaphore, #tpu.memory_space<semaphore_mem>>)
      %mul3A_290 = arith.constant 16 : i32
      %mul3A_291 = arith.muli %scan3A_14, %mul3A_290 : i32
      %add3A_292 = arith.constant 8 : i32
      %add3A_293 = arith.addi %mul3A_291, %add3A_292 : i32
      %div3A_294 = arith.constant 4 : i32
      %div3A_295 = arith.divsi %add3A_293, %div3A_294 : i32
      %slice3A_296 = vector.extract_strided_slice %get3A_17 {offsets = [8], sizes = [1], strides = [1]} : vector<16xi32> to vector<1xi32>
      %squeeze3A_297 = vector.extract %slice3A_296[0] : i32 from vector<1xi32>
      %dma_start3A_298 = arith.constant 0 : i32
      %dma_start3A_299 = tpu.memref_slice %arg9[%div3A_295, %dma_start3A_298] : memref<128x128xf32, #tpu.memory_space<vmem>> -> memref<1x32xf32, #tpu.memory_space<vmem>>
      %dma_start3A_300 = tpu.memref_squeeze %dma_start3A_299 : memref<1x32xf32, #tpu.memory_space<vmem>> -> memref<32xf32, #tpu.memory_space<vmem>>
      %dma_start3A_301 = arith.constant 0 : i32
      %dma_start3A_302 = tpu.memref_slice %arg4[%squeeze3A_297, %dma_start3A_301] : memref<1000000x32xf32, #tpu.memory_space<hbm>> -> memref<1x32xf32, #tpu.memory_space<hbm>>
      %dma_start3A_303 = tpu.memref_squeeze %dma_start3A_302 : memref<1x32xf32, #tpu.memory_space<hbm>> -> memref<32xf32, #tpu.memory_space<hbm>>
      %dma_start3A_304 = arith.constant 0 : i32
      %dma_start3A_305 = tpu.memref_slice %arg9[%div3A_295, %dma_start3A_304] : memref<128x128xf32, #tpu.memory_space<vmem>> -> memref<1x32xf32, #tpu.memory_space<vmem>>
      %dma_start3A_306 = tpu.memref_squeeze %dma_start3A_305 : memref<1x32xf32, #tpu.memory_space<vmem>> -> memref<32xf32, #tpu.memory_space<vmem>>
      %dma_start3A_307 = arith.constant 0 : i32
      %dma_start3A_308 = tpu.memref_slice %arg4[%squeeze3A_297, %dma_start3A_307] : memref<1000000x32xf32, #tpu.memory_space<hbm>> -> memref<1x32xf32, #tpu.memory_space<hbm>>
      %dma_start3A_309 = tpu.memref_squeeze %dma_start3A_308 : memref<1x32xf32, #tpu.memory_space<hbm>> -> memref<32xf32, #tpu.memory_space<hbm>>
      tpu.enqueue_dma source(%dma_start3A_309 : memref<32xf32, #tpu.memory_space<hbm>>) target(%dma_start3A_306 : memref<32xf32, #tpu.memory_space<vmem>>) target_semaphore(%arg12 : memref<!tpu.dma_semaphore, #tpu.memory_space<semaphore_mem>>)
      %slice3A_310 = vector.extract_strided_slice %get3A_21 {offsets = [8], sizes = [1], strides = [1]} : vector<16xi32> to vector<1xi32>
      %squeeze3A_311 = vector.extract %slice3A_310[0] : i32 from vector<1xi32>
      %dma_start3A_312 = arith.constant 0 : i32
      %dma_start3A_313 = tpu.memref_slice %arg10[%div3A_295, %dma_start3A_312] : memref<128x128xf32, #tpu.memory_space<vmem>> -> memref<1x32xf32, #tpu.memory_space<vmem>>
      %dma_start3A_314 = tpu.memref_squeeze %dma_start3A_313 : memref<1x32xf32, #tpu.memory_space<vmem>> -> memref<32xf32, #tpu.memory_space<vmem>>
      %dma_start3A_315 = arith.constant 0 : i32
      %dma_start3A_316 = tpu.memref_slice %arg5[%squeeze3A_311, %dma_start3A_315] : memref<1000000x32xf32, #tpu.memory_space<hbm>> -> memref<1x32xf32, #tpu.memory_space<hbm>>
      %dma_start3A_317 = tpu.memref_squeeze %dma_start3A_316 : memref<1x32xf32, #tpu.memory_space<hbm>> -> memref<32xf32, #tpu.memory_space<hbm>>
      %dma_start3A_318 = arith.constant 0 : i32
      %dma_start3A_319 = tpu.memref_slice %arg10[%div3A_295, %dma_start3A_318] : memref<128x128xf32, #tpu.memory_space<vmem>> -> memref<1x32xf32, #tpu.memory_space<vmem>>
      %dma_start3A_320 = tpu.memref_squeeze %dma_start3A_319 : memref<1x32xf32, #tpu.memory_space<vmem>> -> memref<32xf32, #tpu.memory_space<vmem>>
      %dma_start3A_321 = arith.constant 0 : i32
      %dma_start3A_322 = tpu.memref_slice %arg5[%squeeze3A_311, %dma_start3A_321] : memref<1000000x32xf32, #tpu.memory_space<hbm>> -> memref<1x32xf32, #tpu.memory_space<hbm>>
      %dma_start3A_323 = tpu.memref_squeeze %dma_start3A_322 : memref<1x32xf32, #tpu.memory_space<hbm>> -> memref<32xf32, #tpu.memory_space<hbm>>
      tpu.enqueue_dma source(%dma_start3A_323 : memref<32xf32, #tpu.memory_space<hbm>>) target(%dma_start3A_320 : memref<32xf32, #tpu.memory_space<vmem>>) target_semaphore(%arg12 : memref<!tpu.dma_semaphore, #tpu.memory_space<semaphore_mem>>)
      %mul3A_324 = arith.constant 16 : i32
      %mul3A_325 = arith.muli %scan3A_14, %mul3A_324 : i32
      %add3A_326 = arith.constant 9 : i32
      %add3A_327 = arith.addi %mul3A_325, %add3A_326 : i32
      %div3A_328 = arith.constant 4 : i32
      %div3A_329 = arith.divsi %add3A_327, %div3A_328 : i32
      %slice3A_330 = vector.extract_strided_slice %get3A_17 {offsets = [9], sizes = [1], strides = [1]} : vector<16xi32> to vector<1xi32>
      %squeeze3A_331 = vector.extract %slice3A_330[0] : i32 from vector<1xi32>
      %dma_start3A_332 = arith.constant 32 : i32
      %dma_start3A_333 = tpu.memref_slice %arg9[%div3A_329, %dma_start3A_332] : memref<128x128xf32, #tpu.memory_space<vmem>> -> memref<1x32xf32, #tpu.memory_space<vmem>>
      %dma_start3A_334 = tpu.memref_squeeze %dma_start3A_333 : memref<1x32xf32, #tpu.memory_space<vmem>> -> memref<32xf32, #tpu.memory_space<vmem>>
      %dma_start3A_335 = arith.constant 0 : i32
      %dma_start3A_336 = tpu.memref_slice %arg4[%squeeze3A_331, %dma_start3A_335] : memref<1000000x32xf32, #tpu.memory_space<hbm>> -> memref<1x32xf32, #tpu.memory_space<hbm>>
      %dma_start3A_337 = tpu.memref_squeeze %dma_start3A_336 : memref<1x32xf32, #tpu.memory_space<hbm>> -> memref<32xf32, #tpu.memory_space<hbm>>
      %dma_start3A_338 = arith.constant 32 : i32
      %dma_start3A_339 = tpu.memref_slice %arg9[%div3A_329, %dma_start3A_338] : memref<128x128xf32, #tpu.memory_space<vmem>> -> memref<1x32xf32, #tpu.memory_space<vmem>>
      %dma_start3A_340 = tpu.memref_squeeze %dma_start3A_339 : memref<1x32xf32, #tpu.memory_space<vmem>> -> memref<32xf32, #tpu.memory_space<vmem>>
      %dma_start3A_341 = arith.constant 0 : i32
      %dma_start3A_342 = tpu.memref_slice %arg4[%squeeze3A_331, %dma_start3A_341] : memref<1000000x32xf32, #tpu.memory_space<hbm>> -> memref<1x32xf32, #tpu.memory_space<hbm>>
      %dma_start3A_343 = tpu.memref_squeeze %dma_start3A_342 : memref<1x32xf32, #tpu.memory_space<hbm>> -> memref<32xf32, #tpu.memory_space<hbm>>
      tpu.enqueue_dma source(%dma_start3A_343 : memref<32xf32, #tpu.memory_space<hbm>>) target(%dma_start3A_340 : memref<32xf32, #tpu.memory_space<vmem>>) target_semaphore(%arg12 : memref<!tpu.dma_semaphore, #tpu.memory_space<semaphore_mem>>)
      %slice3A_344 = vector.extract_strided_slice %get3A_21 {offsets = [9], sizes = [1], strides = [1]} : vector<16xi32> to vector<1xi32>
      %squeeze3A_345 = vector.extract %slice3A_344[0] : i32 from vector<1xi32>
      %dma_start3A_346 = arith.constant 32 : i32
      %dma_start3A_347 = tpu.memref_slice %arg10[%div3A_329, %dma_start3A_346] : memref<128x128xf32, #tpu.memory_space<vmem>> -> memref<1x32xf32, #tpu.memory_space<vmem>>
      %dma_start3A_348 = tpu.memref_squeeze %dma_start3A_347 : memref<1x32xf32, #tpu.memory_space<vmem>> -> memref<32xf32, #tpu.memory_space<vmem>>
      %dma_start3A_349 = arith.constant 0 : i32
      %dma_start3A_350 = tpu.memref_slice %arg5[%squeeze3A_345, %dma_start3A_349] : memref<1000000x32xf32, #tpu.memory_space<hbm>> -> memref<1x32xf32, #tpu.memory_space<hbm>>
      %dma_start3A_351 = tpu.memref_squeeze %dma_start3A_350 : memref<1x32xf32, #tpu.memory_space<hbm>> -> memref<32xf32, #tpu.memory_space<hbm>>
      %dma_start3A_352 = arith.constant 32 : i32
      %dma_start3A_353 = tpu.memref_slice %arg10[%div3A_329, %dma_start3A_352] : memref<128x128xf32, #tpu.memory_space<vmem>> -> memref<1x32xf32, #tpu.memory_space<vmem>>
      %dma_start3A_354 = tpu.memref_squeeze %dma_start3A_353 : memref<1x32xf32, #tpu.memory_space<vmem>> -> memref<32xf32, #tpu.memory_space<vmem>>
      %dma_start3A_355 = arith.constant 0 : i32
      %dma_start3A_356 = tpu.memref_slice %arg5[%squeeze3A_345, %dma_start3A_355] : memref<1000000x32xf32, #tpu.memory_space<hbm>> -> memref<1x32xf32, #tpu.memory_space<hbm>>
      %dma_start3A_357 = tpu.memref_squeeze %dma_start3A_356 : memref<1x32xf32, #tpu.memory_space<hbm>> -> memref<32xf32, #tpu.memory_space<hbm>>
      tpu.enqueue_dma source(%dma_start3A_357 : memref<32xf32, #tpu.memory_space<hbm>>) target(%dma_start3A_354 : memref<32xf32, #tpu.memory_space<vmem>>) target_semaphore(%arg12 : memref<!tpu.dma_semaphore, #tpu.memory_space<semaphore_mem>>)
      %mul3A_358 = arith.constant 16 : i32
      %mul3A_359 = arith.muli %scan3A_14, %mul3A_358 : i32
      %add3A_360 = arith.constant 10 : i32
      %add3A_361 = arith.addi %mul3A_359, %add3A_360 : i32
      %div3A_362 = arith.constant 4 : i32
      %div3A_363 = arith.divsi %add3A_361, %div3A_362 : i32
      %slice3A_364 = vector.extract_strided_slice %get3A_17 {offsets = [10], sizes = [1], strides = [1]} : vector<16xi32> to vector<1xi32>
      %squeeze3A_365 = vector.extract %slice3A_364[0] : i32 from vector<1xi32>
      %dma_start3A_366 = arith.constant 64 : i32
      %dma_start3A_367 = tpu.memref_slice %arg9[%div3A_363, %dma_start3A_366] : memref<128x128xf32, #tpu.memory_space<vmem>> -> memref<1x32xf32, #tpu.memory_space<vmem>>
      %dma_start3A_368 = tpu.memref_squeeze %dma_start3A_367 : memref<1x32xf32, #tpu.memory_space<vmem>> -> memref<32xf32, #tpu.memory_space<vmem>>
      %dma_start3A_369 = arith.constant 0 : i32
      %dma_start3A_370 = tpu.memref_slice %arg4[%squeeze3A_365, %dma_start3A_369] : memref<1000000x32xf32, #tpu.memory_space<hbm>> -> memref<1x32xf32, #tpu.memory_space<hbm>>
      %dma_start3A_371 = tpu.memref_squeeze %dma_start3A_370 : memref<1x32xf32, #tpu.memory_space<hbm>> -> memref<32xf32, #tpu.memory_space<hbm>>
      %dma_start3A_372 = arith.constant 64 : i32
      %dma_start3A_373 = tpu.memref_slice %arg9[%div3A_363, %dma_start3A_372] : memref<128x128xf32, #tpu.memory_space<vmem>> -> memref<1x32xf32, #tpu.memory_space<vmem>>
      %dma_start3A_374 = tpu.memref_squeeze %dma_start3A_373 : memref<1x32xf32, #tpu.memory_space<vmem>> -> memref<32xf32, #tpu.memory_space<vmem>>
      %dma_start3A_375 = arith.constant 0 : i32
      %dma_start3A_376 = tpu.memref_slice %arg4[%squeeze3A_365, %dma_start3A_375] : memref<1000000x32xf32, #tpu.memory_space<hbm>> -> memref<1x32xf32, #tpu.memory_space<hbm>>
      %dma_start3A_377 = tpu.memref_squeeze %dma_start3A_376 : memref<1x32xf32, #tpu.memory_space<hbm>> -> memref<32xf32, #tpu.memory_space<hbm>>
      tpu.enqueue_dma source(%dma_start3A_377 : memref<32xf32, #tpu.memory_space<hbm>>) target(%dma_start3A_374 : memref<32xf32, #tpu.memory_space<vmem>>) target_semaphore(%arg12 : memref<!tpu.dma_semaphore, #tpu.memory_space<semaphore_mem>>)
      %slice3A_378 = vector.extract_strided_slice %get3A_21 {offsets = [10], sizes = [1], strides = [1]} : vector<16xi32> to vector<1xi32>
      %squeeze3A_379 = vector.extract %slice3A_378[0] : i32 from vector<1xi32>
      %dma_start3A_380 = arith.constant 64 : i32
      %dma_start3A_381 = tpu.memref_slice %arg10[%div3A_363, %dma_start3A_380] : memref<128x128xf32, #tpu.memory_space<vmem>> -> memref<1x32xf32, #tpu.memory_space<vmem>>
      %dma_start3A_382 = tpu.memref_squeeze %dma_start3A_381 : memref<1x32xf32, #tpu.memory_space<vmem>> -> memref<32xf32, #tpu.memory_space<vmem>>
      %dma_start3A_383 = arith.constant 0 : i32
      %dma_start3A_384 = tpu.memref_slice %arg5[%squeeze3A_379, %dma_start3A_383] : memref<1000000x32xf32, #tpu.memory_space<hbm>> -> memref<1x32xf32, #tpu.memory_space<hbm>>
      %dma_start3A_385 = tpu.memref_squeeze %dma_start3A_384 : memref<1x32xf32, #tpu.memory_space<hbm>> -> memref<32xf32, #tpu.memory_space<hbm>>
      %dma_start3A_386 = arith.constant 64 : i32
      %dma_start3A_387 = tpu.memref_slice %arg10[%div3A_363, %dma_start3A_386] : memref<128x128xf32, #tpu.memory_space<vmem>> -> memref<1x32xf32, #tpu.memory_space<vmem>>
      %dma_start3A_388 = tpu.memref_squeeze %dma_start3A_387 : memref<1x32xf32, #tpu.memory_space<vmem>> -> memref<32xf32, #tpu.memory_space<vmem>>
      %dma_start3A_389 = arith.constant 0 : i32
      %dma_start3A_390 = tpu.memref_slice %arg5[%squeeze3A_379, %dma_start3A_389] : memref<1000000x32xf32, #tpu.memory_space<hbm>> -> memref<1x32xf32, #tpu.memory_space<hbm>>
      %dma_start3A_391 = tpu.memref_squeeze %dma_start3A_390 : memref<1x32xf32, #tpu.memory_space<hbm>> -> memref<32xf32, #tpu.memory_space<hbm>>
      tpu.enqueue_dma source(%dma_start3A_391 : memref<32xf32, #tpu.memory_space<hbm>>) target(%dma_start3A_388 : memref<32xf32, #tpu.memory_space<vmem>>) target_semaphore(%arg12 : memref<!tpu.dma_semaphore, #tpu.memory_space<semaphore_mem>>)
      %mul3A_392 = arith.constant 16 : i32
      %mul3A_393 = arith.muli %scan3A_14, %mul3A_392 : i32
      %add3A_394 = arith.constant 11 : i32
      %add3A_395 = arith.addi %mul3A_393, %add3A_394 : i32
      %div3A_396 = arith.constant 4 : i32
      %div3A_397 = arith.divsi %add3A_395, %div3A_396 : i32
      %slice3A_398 = vector.extract_strided_slice %get3A_17 {offsets = [11], sizes = [1], strides = [1]} : vector<16xi32> to vector<1xi32>
      %squeeze3A_399 = vector.extract %slice3A_398[0] : i32 from vector<1xi32>
      %dma_start3A_400 = arith.constant 96 : i32
      %dma_start3A_401 = tpu.memref_slice %arg9[%div3A_397, %dma_start3A_400] : memref<128x128xf32, #tpu.memory_space<vmem>> -> memref<1x32xf32, #tpu.memory_space<vmem>>
      %dma_start3A_402 = tpu.memref_squeeze %dma_start3A_401 : memref<1x32xf32, #tpu.memory_space<vmem>> -> memref<32xf32, #tpu.memory_space<vmem>>
      %dma_start3A_403 = arith.constant 0 : i32
      %dma_start3A_404 = tpu.memref_slice %arg4[%squeeze3A_399, %dma_start3A_403] : memref<1000000x32xf32, #tpu.memory_space<hbm>> -> memref<1x32xf32, #tpu.memory_space<hbm>>
      %dma_start3A_405 = tpu.memref_squeeze %dma_start3A_404 : memref<1x32xf32, #tpu.memory_space<hbm>> -> memref<32xf32, #tpu.memory_space<hbm>>
      %dma_start3A_406 = arith.constant 96 : i32
      %dma_start3A_407 = tpu.memref_slice %arg9[%div3A_397, %dma_start3A_406] : memref<128x128xf32, #tpu.memory_space<vmem>> -> memref<1x32xf32, #tpu.memory_space<vmem>>
      %dma_start3A_408 = tpu.memref_squeeze %dma_start3A_407 : memref<1x32xf32, #tpu.memory_space<vmem>> -> memref<32xf32, #tpu.memory_space<vmem>>
      %dma_start3A_409 = arith.constant 0 : i32
      %dma_start3A_410 = tpu.memref_slice %arg4[%squeeze3A_399, %dma_start3A_409] : memref<1000000x32xf32, #tpu.memory_space<hbm>> -> memref<1x32xf32, #tpu.memory_space<hbm>>
      %dma_start3A_411 = tpu.memref_squeeze %dma_start3A_410 : memref<1x32xf32, #tpu.memory_space<hbm>> -> memref<32xf32, #tpu.memory_space<hbm>>
      tpu.enqueue_dma source(%dma_start3A_411 : memref<32xf32, #tpu.memory_space<hbm>>) target(%dma_start3A_408 : memref<32xf32, #tpu.memory_space<vmem>>) target_semaphore(%arg12 : memref<!tpu.dma_semaphore, #tpu.memory_space<semaphore_mem>>)
      %slice3A_412 = vector.extract_strided_slice %get3A_21 {offsets = [11], sizes = [1], strides = [1]} : vector<16xi32> to vector<1xi32>
      %squeeze3A_413 = vector.extract %slice3A_412[0] : i32 from vector<1xi32>
      %dma_start3A_414 = arith.constant 96 : i32
      %dma_start3A_415 = tpu.memref_slice %arg10[%div3A_397, %dma_start3A_414] : memref<128x128xf32, #tpu.memory_space<vmem>> -> memref<1x32xf32, #tpu.memory_space<vmem>>
      %dma_start3A_416 = tpu.memref_squeeze %dma_start3A_415 : memref<1x32xf32, #tpu.memory_space<vmem>> -> memref<32xf32, #tpu.memory_space<vmem>>
      %dma_start3A_417 = arith.constant 0 : i32
      %dma_start3A_418 = tpu.memref_slice %arg5[%squeeze3A_413, %dma_start3A_417] : memref<1000000x32xf32, #tpu.memory_space<hbm>> -> memref<1x32xf32, #tpu.memory_space<hbm>>
      %dma_start3A_419 = tpu.memref_squeeze %dma_start3A_418 : memref<1x32xf32, #tpu.memory_space<hbm>> -> memref<32xf32, #tpu.memory_space<hbm>>
      %dma_start3A_420 = arith.constant 96 : i32
      %dma_start3A_421 = tpu.memref_slice %arg10[%div3A_397, %dma_start3A_420] : memref<128x128xf32, #tpu.memory_space<vmem>> -> memref<1x32xf32, #tpu.memory_space<vmem>>
      %dma_start3A_422 = tpu.memref_squeeze %dma_start3A_421 : memref<1x32xf32, #tpu.memory_space<vmem>> -> memref<32xf32, #tpu.memory_space<vmem>>
      %dma_start3A_423 = arith.constant 0 : i32
      %dma_start3A_424 = tpu.memref_slice %arg5[%squeeze3A_413, %dma_start3A_423] : memref<1000000x32xf32, #tpu.memory_space<hbm>> -> memref<1x32xf32, #tpu.memory_space<hbm>>
      %dma_start3A_425 = tpu.memref_squeeze %dma_start3A_424 : memref<1x32xf32, #tpu.memory_space<hbm>> -> memref<32xf32, #tpu.memory_space<hbm>>
      tpu.enqueue_dma source(%dma_start3A_425 : memref<32xf32, #tpu.memory_space<hbm>>) target(%dma_start3A_422 : memref<32xf32, #tpu.memory_space<vmem>>) target_semaphore(%arg12 : memref<!tpu.dma_semaphore, #tpu.memory_space<semaphore_mem>>)
      %mul3A_426 = arith.constant 16 : i32
      %mul3A_427 = arith.muli %scan3A_14, %mul3A_426 : i32
      %add3A_428 = arith.constant 12 : i32
      %add3A_429 = arith.addi %mul3A_427, %add3A_428 : i32
      %div3A_430 = arith.constant 4 : i32
      %div3A_431 = arith.divsi %add3A_429, %div3A_430 : i32
      %slice3A_432 = vector.extract_strided_slice %get3A_17 {offsets = [12], sizes = [1], strides = [1]} : vector<16xi32> to vector<1xi32>
      %squeeze3A_433 = vector.extract %slice3A_432[0] : i32 from vector<1xi32>
      %dma_start3A_434 = arith.constant 0 : i32
      %dma_start3A_435 = tpu.memref_slice %arg9[%div3A_431, %dma_start3A_434] : memref<128x128xf32, #tpu.memory_space<vmem>> -> memref<1x32xf32, #tpu.memory_space<vmem>>
      %dma_start3A_436 = tpu.memref_squeeze %dma_start3A_435 : memref<1x32xf32, #tpu.memory_space<vmem>> -> memref<32xf32, #tpu.memory_space<vmem>>
      %dma_start3A_437 = arith.constant 0 : i32
      %dma_start3A_438 = tpu.memref_slice %arg4[%squeeze3A_433, %dma_start3A_437] : memref<1000000x32xf32, #tpu.memory_space<hbm>> -> memref<1x32xf32, #tpu.memory_space<hbm>>
      %dma_start3A_439 = tpu.memref_squeeze %dma_start3A_438 : memref<1x32xf32, #tpu.memory_space<hbm>> -> memref<32xf32, #tpu.memory_space<hbm>>
      %dma_start3A_440 = arith.constant 0 : i32
      %dma_start3A_441 = tpu.memref_slice %arg9[%div3A_431, %dma_start3A_440] : memref<128x128xf32, #tpu.memory_space<vmem>> -> memref<1x32xf32, #tpu.memory_space<vmem>>
      %dma_start3A_442 = tpu.memref_squeeze %dma_start3A_441 : memref<1x32xf32, #tpu.memory_space<vmem>> -> memref<32xf32, #tpu.memory_space<vmem>>
      %dma_start3A_443 = arith.constant 0 : i32
      %dma_start3A_444 = tpu.memref_slice %arg4[%squeeze3A_433, %dma_start3A_443] : memref<1000000x32xf32, #tpu.memory_space<hbm>> -> memref<1x32xf32, #tpu.memory_space<hbm>>
      %dma_start3A_445 = tpu.memref_squeeze %dma_start3A_444 : memref<1x32xf32, #tpu.memory_space<hbm>> -> memref<32xf32, #tpu.memory_space<hbm>>
      tpu.enqueue_dma source(%dma_start3A_445 : memref<32xf32, #tpu.memory_space<hbm>>) target(%dma_start3A_442 : memref<32xf32, #tpu.memory_space<vmem>>) target_semaphore(%arg12 : memref<!tpu.dma_semaphore, #tpu.memory_space<semaphore_mem>>)
      %slice3A_446 = vector.extract_strided_slice %get3A_21 {offsets = [12], sizes = [1], strides = [1]} : vector<16xi32> to vector<1xi32>
      %squeeze3A_447 = vector.extract %slice3A_446[0] : i32 from vector<1xi32>
      %dma_start3A_448 = arith.constant 0 : i32
      %dma_start3A_449 = tpu.memref_slice %arg10[%div3A_431, %dma_start3A_448] : memref<128x128xf32, #tpu.memory_space<vmem>> -> memref<1x32xf32, #tpu.memory_space<vmem>>
      %dma_start3A_450 = tpu.memref_squeeze %dma_start3A_449 : memref<1x32xf32, #tpu.memory_space<vmem>> -> memref<32xf32, #tpu.memory_space<vmem>>
      %dma_start3A_451 = arith.constant 0 : i32
      %dma_start3A_452 = tpu.memref_slice %arg5[%squeeze3A_447, %dma_start3A_451] : memref<1000000x32xf32, #tpu.memory_space<hbm>> -> memref<1x32xf32, #tpu.memory_space<hbm>>
      %dma_start3A_453 = tpu.memref_squeeze %dma_start3A_452 : memref<1x32xf32, #tpu.memory_space<hbm>> -> memref<32xf32, #tpu.memory_space<hbm>>
      %dma_start3A_454 = arith.constant 0 : i32
      %dma_start3A_455 = tpu.memref_slice %arg10[%div3A_431, %dma_start3A_454] : memref<128x128xf32, #tpu.memory_space<vmem>> -> memref<1x32xf32, #tpu.memory_space<vmem>>
      %dma_start3A_456 = tpu.memref_squeeze %dma_start3A_455 : memref<1x32xf32, #tpu.memory_space<vmem>> -> memref<32xf32, #tpu.memory_space<vmem>>
      %dma_start3A_457 = arith.constant 0 : i32
      %dma_start3A_458 = tpu.memref_slice %arg5[%squeeze3A_447, %dma_start3A_457] : memref<1000000x32xf32, #tpu.memory_space<hbm>> -> memref<1x32xf32, #tpu.memory_space<hbm>>
      %dma_start3A_459 = tpu.memref_squeeze %dma_start3A_458 : memref<1x32xf32, #tpu.memory_space<hbm>> -> memref<32xf32, #tpu.memory_space<hbm>>
      tpu.enqueue_dma source(%dma_start3A_459 : memref<32xf32, #tpu.memory_space<hbm>>) target(%dma_start3A_456 : memref<32xf32, #tpu.memory_space<vmem>>) target_semaphore(%arg12 : memref<!tpu.dma_semaphore, #tpu.memory_space<semaphore_mem>>)
      %mul3A_460 = arith.constant 16 : i32
      %mul3A_461 = arith.muli %scan3A_14, %mul3A_460 : i32
      %add3A_462 = arith.constant 13 : i32
      %add3A_463 = arith.addi %mul3A_461, %add3A_462 : i32
      %div3A_464 = arith.constant 4 : i32
      %div3A_465 = arith.divsi %add3A_463, %div3A_464 : i32
      %slice3A_466 = vector.extract_strided_slice %get3A_17 {offsets = [13], sizes = [1], strides = [1]} : vector<16xi32> to vector<1xi32>
      %squeeze3A_467 = vector.extract %slice3A_466[0] : i32 from vector<1xi32>
      %dma_start3A_468 = arith.constant 32 : i32
      %dma_start3A_469 = tpu.memref_slice %arg9[%div3A_465, %dma_start3A_468] : memref<128x128xf32, #tpu.memory_space<vmem>> -> memref<1x32xf32, #tpu.memory_space<vmem>>
      %dma_start3A_470 = tpu.memref_squeeze %dma_start3A_469 : memref<1x32xf32, #tpu.memory_space<vmem>> -> memref<32xf32, #tpu.memory_space<vmem>>
      %dma_start3A_471 = arith.constant 0 : i32
      %dma_start3A_472 = tpu.memref_slice %arg4[%squeeze3A_467, %dma_start3A_471] : memref<1000000x32xf32, #tpu.memory_space<hbm>> -> memref<1x32xf32, #tpu.memory_space<hbm>>
      %dma_start3A_473 = tpu.memref_squeeze %dma_start3A_472 : memref<1x32xf32, #tpu.memory_space<hbm>> -> memref<32xf32, #tpu.memory_space<hbm>>
      %dma_start3A_474 = arith.constant 32 : i32
      %dma_start3A_475 = tpu.memref_slice %arg9[%div3A_465, %dma_start3A_474] : memref<128x128xf32, #tpu.memory_space<vmem>> -> memref<1x32xf32, #tpu.memory_space<vmem>>
      %dma_start3A_476 = tpu.memref_squeeze %dma_start3A_475 : memref<1x32xf32, #tpu.memory_space<vmem>> -> memref<32xf32, #tpu.memory_space<vmem>>
      %dma_start3A_477 = arith.constant 0 : i32
      %dma_start3A_478 = tpu.memref_slice %arg4[%squeeze3A_467, %dma_start3A_477] : memref<1000000x32xf32, #tpu.memory_space<hbm>> -> memref<1x32xf32, #tpu.memory_space<hbm>>
      %dma_start3A_479 = tpu.memref_squeeze %dma_start3A_478 : memref<1x32xf32, #tpu.memory_space<hbm>> -> memref<32xf32, #tpu.memory_space<hbm>>
      tpu.enqueue_dma source(%dma_start3A_479 : memref<32xf32, #tpu.memory_space<hbm>>) target(%dma_start3A_476 : memref<32xf32, #tpu.memory_space<vmem>>) target_semaphore(%arg12 : memref<!tpu.dma_semaphore, #tpu.memory_space<semaphore_mem>>)
      %slice3A_480 = vector.extract_strided_slice %get3A_21 {offsets = [13], sizes = [1], strides = [1]} : vector<16xi32> to vector<1xi32>
      %squeeze3A_481 = vector.extract %slice3A_480[0] : i32 from vector<1xi32>
      %dma_start3A_482 = arith.constant 32 : i32
      %dma_start3A_483 = tpu.memref_slice %arg10[%div3A_465, %dma_start3A_482] : memref<128x128xf32, #tpu.memory_space<vmem>> -> memref<1x32xf32, #tpu.memory_space<vmem>>
      %dma_start3A_484 = tpu.memref_squeeze %dma_start3A_483 : memref<1x32xf32, #tpu.memory_space<vmem>> -> memref<32xf32, #tpu.memory_space<vmem>>
      %dma_start3A_485 = arith.constant 0 : i32
      %dma_start3A_486 = tpu.memref_slice %arg5[%squeeze3A_481, %dma_start3A_485] : memref<1000000x32xf32, #tpu.memory_space<hbm>> -> memref<1x32xf32, #tpu.memory_space<hbm>>
      %dma_start3A_487 = tpu.memref_squeeze %dma_start3A_486 : memref<1x32xf32, #tpu.memory_space<hbm>> -> memref<32xf32, #tpu.memory_space<hbm>>
      %dma_start3A_488 = arith.constant 32 : i32
      %dma_start3A_489 = tpu.memref_slice %arg10[%div3A_465, %dma_start3A_488] : memref<128x128xf32, #tpu.memory_space<vmem>> -> memref<1x32xf32, #tpu.memory_space<vmem>>
      %dma_start3A_490 = tpu.memref_squeeze %dma_start3A_489 : memref<1x32xf32, #tpu.memory_space<vmem>> -> memref<32xf32, #tpu.memory_space<vmem>>
      %dma_start3A_491 = arith.constant 0 : i32
      %dma_start3A_492 = tpu.memref_slice %arg5[%squeeze3A_481, %dma_start3A_491] : memref<1000000x32xf32, #tpu.memory_space<hbm>> -> memref<1x32xf32, #tpu.memory_space<hbm>>
      %dma_start3A_493 = tpu.memref_squeeze %dma_start3A_492 : memref<1x32xf32, #tpu.memory_space<hbm>> -> memref<32xf32, #tpu.memory_space<hbm>>
      tpu.enqueue_dma source(%dma_start3A_493 : memref<32xf32, #tpu.memory_space<hbm>>) target(%dma_start3A_490 : memref<32xf32, #tpu.memory_space<vmem>>) target_semaphore(%arg12 : memref<!tpu.dma_semaphore, #tpu.memory_space<semaphore_mem>>)
      %mul3A_494 = arith.constant 16 : i32
      %mul3A_495 = arith.muli %scan3A_14, %mul3A_494 : i32
      %add3A_496 = arith.constant 14 : i32
      %add3A_497 = arith.addi %mul3A_495, %add3A_496 : i32
      %div3A_498 = arith.constant 4 : i32
      %div3A_499 = arith.divsi %add3A_497, %div3A_498 : i32
      %slice3A_500 = vector.extract_strided_slice %get3A_17 {offsets = [14], sizes = [1], strides = [1]} : vector<16xi32> to vector<1xi32>
      %squeeze3A_501 = vector.extract %slice3A_500[0] : i32 from vector<1xi32>
      %dma_start3A_502 = arith.constant 64 : i32
      %dma_start3A_503 = tpu.memref_slice %arg9[%div3A_499, %dma_start3A_502] : memref<128x128xf32, #tpu.memory_space<vmem>> -> memref<1x32xf32, #tpu.memory_space<vmem>>
      %dma_start3A_504 = tpu.memref_squeeze %dma_start3A_503 : memref<1x32xf32, #tpu.memory_space<vmem>> -> memref<32xf32, #tpu.memory_space<vmem>>
      %dma_start3A_505 = arith.constant 0 : i32
      %dma_start3A_506 = tpu.memref_slice %arg4[%squeeze3A_501, %dma_start3A_505] : memref<1000000x32xf32, #tpu.memory_space<hbm>> -> memref<1x32xf32, #tpu.memory_space<hbm>>
      %dma_start3A_507 = tpu.memref_squeeze %dma_start3A_506 : memref<1x32xf32, #tpu.memory_space<hbm>> -> memref<32xf32, #tpu.memory_space<hbm>>
      %dma_start3A_508 = arith.constant 64 : i32
      %dma_start3A_509 = tpu.memref_slice %arg9[%div3A_499, %dma_start3A_508] : memref<128x128xf32, #tpu.memory_space<vmem>> -> memref<1x32xf32, #tpu.memory_space<vmem>>
      %dma_start3A_510 = tpu.memref_squeeze %dma_start3A_509 : memref<1x32xf32, #tpu.memory_space<vmem>> -> memref<32xf32, #tpu.memory_space<vmem>>
      %dma_start3A_511 = arith.constant 0 : i32
      %dma_start3A_512 = tpu.memref_slice %arg4[%squeeze3A_501, %dma_start3A_511] : memref<1000000x32xf32, #tpu.memory_space<hbm>> -> memref<1x32xf32, #tpu.memory_space<hbm>>
      %dma_start3A_513 = tpu.memref_squeeze %dma_start3A_512 : memref<1x32xf32, #tpu.memory_space<hbm>> -> memref<32xf32, #tpu.memory_space<hbm>>
      tpu.enqueue_dma source(%dma_start3A_513 : memref<32xf32, #tpu.memory_space<hbm>>) target(%dma_start3A_510 : memref<32xf32, #tpu.memory_space<vmem>>) target_semaphore(%arg12 : memref<!tpu.dma_semaphore, #tpu.memory_space<semaphore_mem>>)
      %slice3A_514 = vector.extract_strided_slice %get3A_21 {offsets = [14], sizes = [1], strides = [1]} : vector<16xi32> to vector<1xi32>
      %squeeze3A_515 = vector.extract %slice3A_514[0] : i32 from vector<1xi32>
      %dma_start3A_516 = arith.constant 64 : i32
      %dma_start3A_517 = tpu.memref_slice %arg10[%div3A_499, %dma_start3A_516] : memref<128x128xf32, #tpu.memory_space<vmem>> -> memref<1x32xf32, #tpu.memory_space<vmem>>
      %dma_start3A_518 = tpu.memref_squeeze %dma_start3A_517 : memref<1x32xf32, #tpu.memory_space<vmem>> -> memref<32xf32, #tpu.memory_space<vmem>>
      %dma_start3A_519 = arith.constant 0 : i32
      %dma_start3A_520 = tpu.memref_slice %arg5[%squeeze3A_515, %dma_start3A_519] : memref<1000000x32xf32, #tpu.memory_space<hbm>> -> memref<1x32xf32, #tpu.memory_space<hbm>>
      %dma_start3A_521 = tpu.memref_squeeze %dma_start3A_520 : memref<1x32xf32, #tpu.memory_space<hbm>> -> memref<32xf32, #tpu.memory_space<hbm>>
      %dma_start3A_522 = arith.constant 64 : i32
      %dma_start3A_523 = tpu.memref_slice %arg10[%div3A_499, %dma_start3A_522] : memref<128x128xf32, #tpu.memory_space<vmem>> -> memref<1x32xf32, #tpu.memory_space<vmem>>
      %dma_start3A_524 = tpu.memref_squeeze %dma_start3A_523 : memref<1x32xf32, #tpu.memory_space<vmem>> -> memref<32xf32, #tpu.memory_space<vmem>>
      %dma_start3A_525 = arith.constant 0 : i32
      %dma_start3A_526 = tpu.memref_slice %arg5[%squeeze3A_515, %dma_start3A_525] : memref<1000000x32xf32, #tpu.memory_space<hbm>> -> memref<1x32xf32, #tpu.memory_space<hbm>>
      %dma_start3A_527 = tpu.memref_squeeze %dma_start3A_526 : memref<1x32xf32, #tpu.memory_space<hbm>> -> memref<32xf32, #tpu.memory_space<hbm>>
      tpu.enqueue_dma source(%dma_start3A_527 : memref<32xf32, #tpu.memory_space<hbm>>) target(%dma_start3A_524 : memref<32xf32, #tpu.memory_space<vmem>>) target_semaphore(%arg12 : memref<!tpu.dma_semaphore, #tpu.memory_space<semaphore_mem>>)
      %mul3A_528 = arith.constant 16 : i32
      %mul3A_529 = arith.muli %scan3A_14, %mul3A_528 : i32
      %add3A_530 = arith.constant 15 : i32
      %add3A_531 = arith.addi %mul3A_529, %add3A_530 : i32
      %div3A_532 = arith.constant 4 : i32
      %div3A_533 = arith.divsi %add3A_531, %div3A_532 : i32
      %slice3A_534 = vector.extract_strided_slice %get3A_17 {offsets = [15], sizes = [1], strides = [1]} : vector<16xi32> to vector<1xi32>
      %squeeze3A_535 = vector.extract %slice3A_534[0] : i32 from vector<1xi32>
      %dma_start3A_536 = arith.constant 96 : i32
      %dma_start3A_537 = tpu.memref_slice %arg9[%div3A_533, %dma_start3A_536] : memref<128x128xf32, #tpu.memory_space<vmem>> -> memref<1x32xf32, #tpu.memory_space<vmem>>
      %dma_start3A_538 = tpu.memref_squeeze %dma_start3A_537 : memref<1x32xf32, #tpu.memory_space<vmem>> -> memref<32xf32, #tpu.memory_space<vmem>>
      %dma_start3A_539 = arith.constant 0 : i32
      %dma_start3A_540 = tpu.memref_slice %arg4[%squeeze3A_535, %dma_start3A_539] : memref<1000000x32xf32, #tpu.memory_space<hbm>> -> memref<1x32xf32, #tpu.memory_space<hbm>>
      %dma_start3A_541 = tpu.memref_squeeze %dma_start3A_540 : memref<1x32xf32, #tpu.memory_space<hbm>> -> memref<32xf32, #tpu.memory_space<hbm>>
      %dma_start3A_542 = arith.constant 96 : i32
      %dma_start3A_543 = tpu.memref_slice %arg9[%div3A_533, %dma_start3A_542] : memref<128x128xf32, #tpu.memory_space<vmem>> -> memref<1x32xf32, #tpu.memory_space<vmem>>
      %dma_start3A_544 = tpu.memref_squeeze %dma_start3A_543 : memref<1x32xf32, #tpu.memory_space<vmem>> -> memref<32xf32, #tpu.memory_space<vmem>>
      %dma_start3A_545 = arith.constant 0 : i32
      %dma_start3A_546 = tpu.memref_slice %arg4[%squeeze3A_535, %dma_start3A_545] : memref<1000000x32xf32, #tpu.memory_space<hbm>> -> memref<1x32xf32, #tpu.memory_space<hbm>>
      %dma_start3A_547 = tpu.memref_squeeze %dma_start3A_546 : memref<1x32xf32, #tpu.memory_space<hbm>> -> memref<32xf32, #tpu.memory_space<hbm>>
      tpu.enqueue_dma source(%dma_start3A_547 : memref<32xf32, #tpu.memory_space<hbm>>) target(%dma_start3A_544 : memref<32xf32, #tpu.memory_space<vmem>>) target_semaphore(%arg12 : memref<!tpu.dma_semaphore, #tpu.memory_space<semaphore_mem>>)
      %slice3A_548 = vector.extract_strided_slice %get3A_21 {offsets = [15], sizes = [1], strides = [1]} : vector<16xi32> to vector<1xi32>
      %squeeze3A_549 = vector.extract %slice3A_548[0] : i32 from vector<1xi32>
      %dma_start3A_550 = arith.constant 96 : i32
      %dma_start3A_551 = tpu.memref_slice %arg10[%div3A_533, %dma_start3A_550] : memref<128x128xf32, #tpu.memory_space<vmem>> -> memref<1x32xf32, #tpu.memory_space<vmem>>
      %dma_start3A_552 = tpu.memref_squeeze %dma_start3A_551 : memref<1x32xf32, #tpu.memory_space<vmem>> -> memref<32xf32, #tpu.memory_space<vmem>>
      %dma_start3A_553 = arith.constant 0 : i32
      %dma_start3A_554 = tpu.memref_slice %arg5[%squeeze3A_549, %dma_start3A_553] : memref<1000000x32xf32, #tpu.memory_space<hbm>> -> memref<1x32xf32, #tpu.memory_space<hbm>>
      %dma_start3A_555 = tpu.memref_squeeze %dma_start3A_554 : memref<1x32xf32, #tpu.memory_space<hbm>> -> memref<32xf32, #tpu.memory_space<hbm>>
      %dma_start3A_556 = arith.constant 96 : i32
      %dma_start3A_557 = tpu.memref_slice %arg10[%div3A_533, %dma_start3A_556] : memref<128x128xf32, #tpu.memory_space<vmem>> -> memref<1x32xf32, #tpu.memory_space<vmem>>
      %dma_start3A_558 = tpu.memref_squeeze %dma_start3A_557 : memref<1x32xf32, #tpu.memory_space<vmem>> -> memref<32xf32, #tpu.memory_space<vmem>>
      %dma_start3A_559 = arith.constant 0 : i32
      %dma_start3A_560 = tpu.memref_slice %arg5[%squeeze3A_549, %dma_start3A_559] : memref<1000000x32xf32, #tpu.memory_space<hbm>> -> memref<1x32xf32, #tpu.memory_space<hbm>>
      %dma_start3A_561 = tpu.memref_squeeze %dma_start3A_560 : memref<1x32xf32, #tpu.memory_space<hbm>> -> memref<32xf32, #tpu.memory_space<hbm>>
      tpu.enqueue_dma source(%dma_start3A_561 : memref<32xf32, #tpu.memory_space<hbm>>) target(%dma_start3A_558 : memref<32xf32, #tpu.memory_space<vmem>>) target_semaphore(%arg12 : memref<!tpu.dma_semaphore, #tpu.memory_space<semaphore_mem>>)
      %dma_wait3A = arith.constant 0 : i32
      %dma_wait3A_562 = tpu.memref_slice %arg9[%div3A_26, %dma_wait3A] : memref<128x128xf32, #tpu.memory_space<vmem>> -> memref<1x32xf32, #tpu.memory_space<vmem>>
      %dma_wait3A_563 = tpu.memref_squeeze %dma_wait3A_562 : memref<1x32xf32, #tpu.memory_space<vmem>> -> memref<32xf32, #tpu.memory_space<vmem>>
      %dma_wait3A_564 = arith.constant 0 : i32
      %dma_wait3A_565 = tpu.memref_slice %arg4[%squeeze3A, %dma_wait3A_564] : memref<1000000x32xf32, #tpu.memory_space<hbm>> -> memref<1x32xf32, #tpu.memory_space<hbm>>
      %dma_wait3A_566 = tpu.memref_squeeze %dma_wait3A_565 : memref<1x32xf32, #tpu.memory_space<hbm>> -> memref<32xf32, #tpu.memory_space<hbm>>
      %dma_wait3A_567 = arith.constant 0 : i32
      %dma_wait3A_568 = tpu.memref_slice %arg9[%div3A_26, %dma_wait3A_567] : memref<128x128xf32, #tpu.memory_space<vmem>> -> memref<1x32xf32, #tpu.memory_space<vmem>>
      %dma_wait3A_569 = tpu.memref_squeeze %dma_wait3A_568 : memref<1x32xf32, #tpu.memory_space<vmem>> -> memref<32xf32, #tpu.memory_space<vmem>>
      %dma_wait3A_570 = arith.constant 0 : i32
      %dma_wait3A_571 = tpu.memref_slice %arg4[%squeeze3A, %dma_wait3A_570] : memref<1000000x32xf32, #tpu.memory_space<hbm>> -> memref<1x32xf32, #tpu.memory_space<hbm>>
      %dma_wait3A_572 = tpu.memref_squeeze %dma_wait3A_571 : memref<1x32xf32, #tpu.memory_space<hbm>> -> memref<32xf32, #tpu.memory_space<hbm>>
      tpu.wait_dma2 semaphore(%arg12 : memref<!tpu.dma_semaphore, #tpu.memory_space<semaphore_mem>>) src(%dma_wait3A_572 : memref<32xf32, #tpu.memory_space<hbm>>) dst(%dma_wait3A_569 : memref<32xf32, #tpu.memory_space<vmem>>)
      %dma_wait3A_573 = arith.constant 0 : i32
      %dma_wait3A_574 = tpu.memref_slice %arg10[%div3A_26, %dma_wait3A_573] : memref<128x128xf32, #tpu.memory_space<vmem>> -> memref<1x32xf32, #tpu.memory_space<vmem>>
      %dma_wait3A_575 = tpu.memref_squeeze %dma_wait3A_574 : memref<1x32xf32, #tpu.memory_space<vmem>> -> memref<32xf32, #tpu.memory_space<vmem>>
      %dma_wait3A_576 = arith.constant 0 : i32
      %dma_wait3A_577 = tpu.memref_slice %arg5[%squeeze3A_39, %dma_wait3A_576] : memref<1000000x32xf32, #tpu.memory_space<hbm>> -> memref<1x32xf32, #tpu.memory_space<hbm>>
      %dma_wait3A_578 = tpu.memref_squeeze %dma_wait3A_577 : memref<1x32xf32, #tpu.memory_space<hbm>> -> memref<32xf32, #tpu.memory_space<hbm>>
      %dma_wait3A_579 = arith.constant 0 : i32
      %dma_wait3A_580 = tpu.memref_slice %arg10[%div3A_26, %dma_wait3A_579] : memref<128x128xf32, #tpu.memory_space<vmem>> -> memref<1x32xf32, #tpu.memory_space<vmem>>
      %dma_wait3A_581 = tpu.memref_squeeze %dma_wait3A_580 : memref<1x32xf32, #tpu.memory_space<vmem>> -> memref<32xf32, #tpu.memory_space<vmem>>
      %dma_wait3A_582 = arith.constant 0 : i32
      %dma_wait3A_583 = tpu.memref_slice %arg5[%squeeze3A_39, %dma_wait3A_582] : memref<1000000x32xf32, #tpu.memory_space<hbm>> -> memref<1x32xf32, #tpu.memory_space<hbm>>
      %dma_wait3A_584 = tpu.memref_squeeze %dma_wait3A_583 : memref<1x32xf32, #tpu.memory_space<hbm>> -> memref<32xf32, #tpu.memory_space<hbm>>
      tpu.wait_dma2 semaphore(%arg12 : memref<!tpu.dma_semaphore, #tpu.memory_space<semaphore_mem>>) src(%dma_wait3A_584 : memref<32xf32, #tpu.memory_space<hbm>>) dst(%dma_wait3A_581 : memref<32xf32, #tpu.memory_space<vmem>>)
      %dma_wait3A_585 = arith.constant 32 : i32
      %dma_wait3A_586 = tpu.memref_slice %arg9[%div3A_57, %dma_wait3A_585] : memref<128x128xf32, #tpu.memory_space<vmem>> -> memref<1x32xf32, #tpu.memory_space<vmem>>
      %dma_wait3A_587 = tpu.memref_squeeze %dma_wait3A_586 : memref<1x32xf32, #tpu.memory_space<vmem>> -> memref<32xf32, #tpu.memory_space<vmem>>
      %dma_wait3A_588 = arith.constant 0 : i32
      %dma_wait3A_589 = tpu.memref_slice %arg4[%squeeze3A_59, %dma_wait3A_588] : memref<1000000x32xf32, #tpu.memory_space<hbm>> -> memref<1x32xf32, #tpu.memory_space<hbm>>
      %dma_wait3A_590 = tpu.memref_squeeze %dma_wait3A_589 : memref<1x32xf32, #tpu.memory_space<hbm>> -> memref<32xf32, #tpu.memory_space<hbm>>
      %dma_wait3A_591 = arith.constant 32 : i32
      %dma_wait3A_592 = tpu.memref_slice %arg9[%div3A_57, %dma_wait3A_591] : memref<128x128xf32, #tpu.memory_space<vmem>> -> memref<1x32xf32, #tpu.memory_space<vmem>>
      %dma_wait3A_593 = tpu.memref_squeeze %dma_wait3A_592 : memref<1x32xf32, #tpu.memory_space<vmem>> -> memref<32xf32, #tpu.memory_space<vmem>>
      %dma_wait3A_594 = arith.constant 0 : i32
      %dma_wait3A_595 = tpu.memref_slice %arg4[%squeeze3A_59, %dma_wait3A_594] : memref<1000000x32xf32, #tpu.memory_space<hbm>> -> memref<1x32xf32, #tpu.memory_space<hbm>>
      %dma_wait3A_596 = tpu.memref_squeeze %dma_wait3A_595 : memref<1x32xf32, #tpu.memory_space<hbm>> -> memref<32xf32, #tpu.memory_space<hbm>>
      tpu.wait_dma2 semaphore(%arg12 : memref<!tpu.dma_semaphore, #tpu.memory_space<semaphore_mem>>) src(%dma_wait3A_596 : memref<32xf32, #tpu.memory_space<hbm>>) dst(%dma_wait3A_593 : memref<32xf32, #tpu.memory_space<vmem>>)
      %dma_wait3A_597 = arith.constant 32 : i32
      %dma_wait3A_598 = tpu.memref_slice %arg10[%div3A_57, %dma_wait3A_597] : memref<128x128xf32, #tpu.memory_space<vmem>> -> memref<1x32xf32, #tpu.memory_space<vmem>>
      %dma_wait3A_599 = tpu.memref_squeeze %dma_wait3A_598 : memref<1x32xf32, #tpu.memory_space<vmem>> -> memref<32xf32, #tpu.memory_space<vmem>>
      %dma_wait3A_600 = arith.constant 0 : i32
      %dma_wait3A_601 = tpu.memref_slice %arg5[%squeeze3A_73, %dma_wait3A_600] : memref<1000000x32xf32, #tpu.memory_space<hbm>> -> memref<1x32xf32, #tpu.memory_space<hbm>>
      %dma_wait3A_602 = tpu.memref_squeeze %dma_wait3A_601 : memref<1x32xf32, #tpu.memory_space<hbm>> -> memref<32xf32, #tpu.memory_space<hbm>>
      %dma_wait3A_603 = arith.constant 32 : i32
      %dma_wait3A_604 = tpu.memref_slice %arg10[%div3A_57, %dma_wait3A_603] : memref<128x128xf32, #tpu.memory_space<vmem>> -> memref<1x32xf32, #tpu.memory_space<vmem>>
      %dma_wait3A_605 = tpu.memref_squeeze %dma_wait3A_604 : memref<1x32xf32, #tpu.memory_space<vmem>> -> memref<32xf32, #tpu.memory_space<vmem>>
      %dma_wait3A_606 = arith.constant 0 : i32
      %dma_wait3A_607 = tpu.memref_slice %arg5[%squeeze3A_73, %dma_wait3A_606] : memref<1000000x32xf32, #tpu.memory_space<hbm>> -> memref<1x32xf32, #tpu.memory_space<hbm>>
      %dma_wait3A_608 = tpu.memref_squeeze %dma_wait3A_607 : memref<1x32xf32, #tpu.memory_space<hbm>> -> memref<32xf32, #tpu.memory_space<hbm>>
      tpu.wait_dma2 semaphore(%arg12 : memref<!tpu.dma_semaphore, #tpu.memory_space<semaphore_mem>>) src(%dma_wait3A_608 : memref<32xf32, #tpu.memory_space<hbm>>) dst(%dma_wait3A_605 : memref<32xf32, #tpu.memory_space<vmem>>)
      %dma_wait3A_609 = arith.constant 64 : i32
      %dma_wait3A_610 = tpu.memref_slice %arg9[%div3A_91, %dma_wait3A_609] : memref<128x128xf32, #tpu.memory_space<vmem>> -> memref<1x32xf32, #tpu.memory_space<vmem>>
      %dma_wait3A_611 = tpu.memref_squeeze %dma_wait3A_610 : memref<1x32xf32, #tpu.memory_space<vmem>> -> memref<32xf32, #tpu.memory_space<vmem>>
      %dma_wait3A_612 = arith.constant 0 : i32
      %dma_wait3A_613 = tpu.memref_slice %arg4[%squeeze3A_93, %dma_wait3A_612] : memref<1000000x32xf32, #tpu.memory_space<hbm>> -> memref<1x32xf32, #tpu.memory_space<hbm>>
      %dma_wait3A_614 = tpu.memref_squeeze %dma_wait3A_613 : memref<1x32xf32, #tpu.memory_space<hbm>> -> memref<32xf32, #tpu.memory_space<hbm>>
      %dma_wait3A_615 = arith.constant 64 : i32
      %dma_wait3A_616 = tpu.memref_slice %arg9[%div3A_91, %dma_wait3A_615] : memref<128x128xf32, #tpu.memory_space<vmem>> -> memref<1x32xf32, #tpu.memory_space<vmem>>
      %dma_wait3A_617 = tpu.memref_squeeze %dma_wait3A_616 : memref<1x32xf32, #tpu.memory_space<vmem>> -> memref<32xf32, #tpu.memory_space<vmem>>
      %dma_wait3A_618 = arith.constant 0 : i32
      %dma_wait3A_619 = tpu.memref_slice %arg4[%squeeze3A_93, %dma_wait3A_618] : memref<1000000x32xf32, #tpu.memory_space<hbm>> -> memref<1x32xf32, #tpu.memory_space<hbm>>
      %dma_wait3A_620 = tpu.memref_squeeze %dma_wait3A_619 : memref<1x32xf32, #tpu.memory_space<hbm>> -> memref<32xf32, #tpu.memory_space<hbm>>
      tpu.wait_dma2 semaphore(%arg12 : memref<!tpu.dma_semaphore, #tpu.memory_space<semaphore_mem>>) src(%dma_wait3A_620 : memref<32xf32, #tpu.memory_space<hbm>>) dst(%dma_wait3A_617 : memref<32xf32, #tpu.memory_space<vmem>>)
      %dma_wait3A_621 = arith.constant 64 : i32
      %dma_wait3A_622 = tpu.memref_slice %arg10[%div3A_91, %dma_wait3A_621] : memref<128x128xf32, #tpu.memory_space<vmem>> -> memref<1x32xf32, #tpu.memory_space<vmem>>
      %dma_wait3A_623 = tpu.memref_squeeze %dma_wait3A_622 : memref<1x32xf32, #tpu.memory_space<vmem>> -> memref<32xf32, #tpu.memory_space<vmem>>
      %dma_wait3A_624 = arith.constant 0 : i32
      %dma_wait3A_625 = tpu.memref_slice %arg5[%squeeze3A_107, %dma_wait3A_624] : memref<1000000x32xf32, #tpu.memory_space<hbm>> -> memref<1x32xf32, #tpu.memory_space<hbm>>
      %dma_wait3A_626 = tpu.memref_squeeze %dma_wait3A_625 : memref<1x32xf32, #tpu.memory_space<hbm>> -> memref<32xf32, #tpu.memory_space<hbm>>
      %dma_wait3A_627 = arith.constant 64 : i32
      %dma_wait3A_628 = tpu.memref_slice %arg10[%div3A_91, %dma_wait3A_627] : memref<128x128xf32, #tpu.memory_space<vmem>> -> memref<1x32xf32, #tpu.memory_space<vmem>>
      %dma_wait3A_629 = tpu.memref_squeeze %dma_wait3A_628 : memref<1x32xf32, #tpu.memory_space<vmem>> -> memref<32xf32, #tpu.memory_space<vmem>>
      %dma_wait3A_630 = arith.constant 0 : i32
      %dma_wait3A_631 = tpu.memref_slice %arg5[%squeeze3A_107, %dma_wait3A_630] : memref<1000000x32xf32, #tpu.memory_space<hbm>> -> memref<1x32xf32, #tpu.memory_space<hbm>>
      %dma_wait3A_632 = tpu.memref_squeeze %dma_wait3A_631 : memref<1x32xf32, #tpu.memory_space<hbm>> -> memref<32xf32, #tpu.memory_space<hbm>>
      tpu.wait_dma2 semaphore(%arg12 : memref<!tpu.dma_semaphore, #tpu.memory_space<semaphore_mem>>) src(%dma_wait3A_632 : memref<32xf32, #tpu.memory_space<hbm>>) dst(%dma_wait3A_629 : memref<32xf32, #tpu.memory_space<vmem>>)
      %dma_wait3A_633 = arith.constant 96 : i32
      %dma_wait3A_634 = tpu.memref_slice %arg9[%div3A_125, %dma_wait3A_633] : memref<128x128xf32, #tpu.memory_space<vmem>> -> memref<1x32xf32, #tpu.memory_space<vmem>>
      %dma_wait3A_635 = tpu.memref_squeeze %dma_wait3A_634 : memref<1x32xf32, #tpu.memory_space<vmem>> -> memref<32xf32, #tpu.memory_space<vmem>>
      %dma_wait3A_636 = arith.constant 0 : i32
      %dma_wait3A_637 = tpu.memref_slice %arg4[%squeeze3A_127, %dma_wait3A_636] : memref<1000000x32xf32, #tpu.memory_space<hbm>> -> memref<1x32xf32, #tpu.memory_space<hbm>>
      %dma_wait3A_638 = tpu.memref_squeeze %dma_wait3A_637 : memref<1x32xf32, #tpu.memory_space<hbm>> -> memref<32xf32, #tpu.memory_space<hbm>>
      %dma_wait3A_639 = arith.constant 96 : i32
      %dma_wait3A_640 = tpu.memref_slice %arg9[%div3A_125, %dma_wait3A_639] : memref<128x128xf32, #tpu.memory_space<vmem>> -> memref<1x32xf32, #tpu.memory_space<vmem>>
      %dma_wait3A_641 = tpu.memref_squeeze %dma_wait3A_640 : memref<1x32xf32, #tpu.memory_space<vmem>> -> memref<32xf32, #tpu.memory_space<vmem>>
      %dma_wait3A_642 = arith.constant 0 : i32
      %dma_wait3A_643 = tpu.memref_slice %arg4[%squeeze3A_127, %dma_wait3A_642] : memref<1000000x32xf32, #tpu.memory_space<hbm>> -> memref<1x32xf32, #tpu.memory_space<hbm>>
      %dma_wait3A_644 = tpu.memref_squeeze %dma_wait3A_643 : memref<1x32xf32, #tpu.memory_space<hbm>> -> memref<32xf32, #tpu.memory_space<hbm>>
      tpu.wait_dma2 semaphore(%arg12 : memref<!tpu.dma_semaphore, #tpu.memory_space<semaphore_mem>>) src(%dma_wait3A_644 : memref<32xf32, #tpu.memory_space<hbm>>) dst(%dma_wait3A_641 : memref<32xf32, #tpu.memory_space<vmem>>)
      %dma_wait3A_645 = arith.constant 96 : i32
      %dma_wait3A_646 = tpu.memref_slice %arg10[%div3A_125, %dma_wait3A_645] : memref<128x128xf32, #tpu.memory_space<vmem>> -> memref<1x32xf32, #tpu.memory_space<vmem>>
      %dma_wait3A_647 = tpu.memref_squeeze %dma_wait3A_646 : memref<1x32xf32, #tpu.memory_space<vmem>> -> memref<32xf32, #tpu.memory_space<vmem>>
      %dma_wait3A_648 = arith.constant 0 : i32
      %dma_wait3A_649 = tpu.memref_slice %arg5[%squeeze3A_141, %dma_wait3A_648] : memref<1000000x32xf32, #tpu.memory_space<hbm>> -> memref<1x32xf32, #tpu.memory_space<hbm>>
      %dma_wait3A_650 = tpu.memref_squeeze %dma_wait3A_649 : memref<1x32xf32, #tpu.memory_space<hbm>> -> memref<32xf32, #tpu.memory_space<hbm>>
      %dma_wait3A_651 = arith.constant 96 : i32
      %dma_wait3A_652 = tpu.memref_slice %arg10[%div3A_125, %dma_wait3A_651] : memref<128x128xf32, #tpu.memory_space<vmem>> -> memref<1x32xf32, #tpu.memory_space<vmem>>
      %dma_wait3A_653 = tpu.memref_squeeze %dma_wait3A_652 : memref<1x32xf32, #tpu.memory_space<vmem>> -> memref<32xf32, #tpu.memory_space<vmem>>
      %dma_wait3A_654 = arith.constant 0 : i32
      %dma_wait3A_655 = tpu.memref_slice %arg5[%squeeze3A_141, %dma_wait3A_654] : memref<1000000x32xf32, #tpu.memory_space<hbm>> -> memref<1x32xf32, #tpu.memory_space<hbm>>
      %dma_wait3A_656 = tpu.memref_squeeze %dma_wait3A_655 : memref<1x32xf32, #tpu.memory_space<hbm>> -> memref<32xf32, #tpu.memory_space<hbm>>
      tpu.wait_dma2 semaphore(%arg12 : memref<!tpu.dma_semaphore, #tpu.memory_space<semaphore_mem>>) src(%dma_wait3A_656 : memref<32xf32, #tpu.memory_space<hbm>>) dst(%dma_wait3A_653 : memref<32xf32, #tpu.memory_space<vmem>>)
      %dma_wait3A_657 = arith.constant 0 : i32
      %dma_wait3A_658 = tpu.memref_slice %arg9[%div3A_159, %dma_wait3A_657] : memref<128x128xf32, #tpu.memory_space<vmem>> -> memref<1x32xf32, #tpu.memory_space<vmem>>
      %dma_wait3A_659 = tpu.memref_squeeze %dma_wait3A_658 : memref<1x32xf32, #tpu.memory_space<vmem>> -> memref<32xf32, #tpu.memory_space<vmem>>
      %dma_wait3A_660 = arith.constant 0 : i32
      %dma_wait3A_661 = tpu.memref_slice %arg4[%squeeze3A_161, %dma_wait3A_660] : memref<1000000x32xf32, #tpu.memory_space<hbm>> -> memref<1x32xf32, #tpu.memory_space<hbm>>
      %dma_wait3A_662 = tpu.memref_squeeze %dma_wait3A_661 : memref<1x32xf32, #tpu.memory_space<hbm>> -> memref<32xf32, #tpu.memory_space<hbm>>
      %dma_wait3A_663 = arith.constant 0 : i32
      %dma_wait3A_664 = tpu.memref_slice %arg9[%div3A_159, %dma_wait3A_663] : memref<128x128xf32, #tpu.memory_space<vmem>> -> memref<1x32xf32, #tpu.memory_space<vmem>>
      %dma_wait3A_665 = tpu.memref_squeeze %dma_wait3A_664 : memref<1x32xf32, #tpu.memory_space<vmem>> -> memref<32xf32, #tpu.memory_space<vmem>>
      %dma_wait3A_666 = arith.constant 0 : i32
      %dma_wait3A_667 = tpu.memref_slice %arg4[%squeeze3A_161, %dma_wait3A_666] : memref<1000000x32xf32, #tpu.memory_space<hbm>> -> memref<1x32xf32, #tpu.memory_space<hbm>>
      %dma_wait3A_668 = tpu.memref_squeeze %dma_wait3A_667 : memref<1x32xf32, #tpu.memory_space<hbm>> -> memref<32xf32, #tpu.memory_space<hbm>>
      tpu.wait_dma2 semaphore(%arg12 : memref<!tpu.dma_semaphore, #tpu.memory_space<semaphore_mem>>) src(%dma_wait3A_668 : memref<32xf32, #tpu.memory_space<hbm>>) dst(%dma_wait3A_665 : memref<32xf32, #tpu.memory_space<vmem>>)
      %dma_wait3A_669 = arith.constant 0 : i32
      %dma_wait3A_670 = tpu.memref_slice %arg10[%div3A_159, %dma_wait3A_669] : memref<128x128xf32, #tpu.memory_space<vmem>> -> memref<1x32xf32, #tpu.memory_space<vmem>>
      %dma_wait3A_671 = tpu.memref_squeeze %dma_wait3A_670 : memref<1x32xf32, #tpu.memory_space<vmem>> -> memref<32xf32, #tpu.memory_space<vmem>>
      %dma_wait3A_672 = arith.constant 0 : i32
      %dma_wait3A_673 = tpu.memref_slice %arg5[%squeeze3A_175, %dma_wait3A_672] : memref<1000000x32xf32, #tpu.memory_space<hbm>> -> memref<1x32xf32, #tpu.memory_space<hbm>>
      %dma_wait3A_674 = tpu.memref_squeeze %dma_wait3A_673 : memref<1x32xf32, #tpu.memory_space<hbm>> -> memref<32xf32, #tpu.memory_space<hbm>>
      %dma_wait3A_675 = arith.constant 0 : i32
      %dma_wait3A_676 = tpu.memref_slice %arg10[%div3A_159, %dma_wait3A_675] : memref<128x128xf32, #tpu.memory_space<vmem>> -> memref<1x32xf32, #tpu.memory_space<vmem>>
      %dma_wait3A_677 = tpu.memref_squeeze %dma_wait3A_676 : memref<1x32xf32, #tpu.memory_space<vmem>> -> memref<32xf32, #tpu.memory_space<vmem>>
      %dma_wait3A_678 = arith.constant 0 : i32
      %dma_wait3A_679 = tpu.memref_slice %arg5[%squeeze3A_175, %dma_wait3A_678] : memref<1000000x32xf32, #tpu.memory_space<hbm>> -> memref<1x32xf32, #tpu.memory_space<hbm>>
      %dma_wait3A_680 = tpu.memref_squeeze %dma_wait3A_679 : memref<1x32xf32, #tpu.memory_space<hbm>> -> memref<32xf32, #tpu.memory_space<hbm>>
      tpu.wait_dma2 semaphore(%arg12 : memref<!tpu.dma_semaphore, #tpu.memory_space<semaphore_mem>>) src(%dma_wait3A_680 : memref<32xf32, #tpu.memory_space<hbm>>) dst(%dma_wait3A_677 : memref<32xf32, #tpu.memory_space<vmem>>)
      %dma_wait3A_681 = arith.constant 32 : i32
      %dma_wait3A_682 = tpu.memref_slice %arg9[%div3A_193, %dma_wait3A_681] : memref<128x128xf32, #tpu.memory_space<vmem>> -> memref<1x32xf32, #tpu.memory_space<vmem>>
      %dma_wait3A_683 = tpu.memref_squeeze %dma_wait3A_682 : memref<1x32xf32, #tpu.memory_space<vmem>> -> memref<32xf32, #tpu.memory_space<vmem>>
      %dma_wait3A_684 = arith.constant 0 : i32
      %dma_wait3A_685 = tpu.memref_slice %arg4[%squeeze3A_195, %dma_wait3A_684] : memref<1000000x32xf32, #tpu.memory_space<hbm>> -> memref<1x32xf32, #tpu.memory_space<hbm>>
      %dma_wait3A_686 = tpu.memref_squeeze %dma_wait3A_685 : memref<1x32xf32, #tpu.memory_space<hbm>> -> memref<32xf32, #tpu.memory_space<hbm>>
      %dma_wait3A_687 = arith.constant 32 : i32
      %dma_wait3A_688 = tpu.memref_slice %arg9[%div3A_193, %dma_wait3A_687] : memref<128x128xf32, #tpu.memory_space<vmem>> -> memref<1x32xf32, #tpu.memory_space<vmem>>
      %dma_wait3A_689 = tpu.memref_squeeze %dma_wait3A_688 : memref<1x32xf32, #tpu.memory_space<vmem>> -> memref<32xf32, #tpu.memory_space<vmem>>
      %dma_wait3A_690 = arith.constant 0 : i32
      %dma_wait3A_691 = tpu.memref_slice %arg4[%squeeze3A_195, %dma_wait3A_690] : memref<1000000x32xf32, #tpu.memory_space<hbm>> -> memref<1x32xf32, #tpu.memory_space<hbm>>
      %dma_wait3A_692 = tpu.memref_squeeze %dma_wait3A_691 : memref<1x32xf32, #tpu.memory_space<hbm>> -> memref<32xf32, #tpu.memory_space<hbm>>
      tpu.wait_dma2 semaphore(%arg12 : memref<!tpu.dma_semaphore, #tpu.memory_space<semaphore_mem>>) src(%dma_wait3A_692 : memref<32xf32, #tpu.memory_space<hbm>>) dst(%dma_wait3A_689 : memref<32xf32, #tpu.memory_space<vmem>>)
      %dma_wait3A_693 = arith.constant 32 : i32
      %dma_wait3A_694 = tpu.memref_slice %arg10[%div3A_193, %dma_wait3A_693] : memref<128x128xf32, #tpu.memory_space<vmem>> -> memref<1x32xf32, #tpu.memory_space<vmem>>
      %dma_wait3A_695 = tpu.memref_squeeze %dma_wait3A_694 : memref<1x32xf32, #tpu.memory_space<vmem>> -> memref<32xf32, #tpu.memory_space<vmem>>
      %dma_wait3A_696 = arith.constant 0 : i32
      %dma_wait3A_697 = tpu.memref_slice %arg5[%squeeze3A_209, %dma_wait3A_696] : memref<1000000x32xf32, #tpu.memory_space<hbm>> -> memref<1x32xf32, #tpu.memory_space<hbm>>
      %dma_wait3A_698 = tpu.memref_squeeze %dma_wait3A_697 : memref<1x32xf32, #tpu.memory_space<hbm>> -> memref<32xf32, #tpu.memory_space<hbm>>
      %dma_wait3A_699 = arith.constant 32 : i32
      %dma_wait3A_700 = tpu.memref_slice %arg10[%div3A_193, %dma_wait3A_699] : memref<128x128xf32, #tpu.memory_space<vmem>> -> memref<1x32xf32, #tpu.memory_space<vmem>>
      %dma_wait3A_701 = tpu.memref_squeeze %dma_wait3A_700 : memref<1x32xf32, #tpu.memory_space<vmem>> -> memref<32xf32, #tpu.memory_space<vmem>>
      %dma_wait3A_702 = arith.constant 0 : i32
      %dma_wait3A_703 = tpu.memref_slice %arg5[%squeeze3A_209, %dma_wait3A_702] : memref<1000000x32xf32, #tpu.memory_space<hbm>> -> memref<1x32xf32, #tpu.memory_space<hbm>>
      %dma_wait3A_704 = tpu.memref_squeeze %dma_wait3A_703 : memref<1x32xf32, #tpu.memory_space<hbm>> -> memref<32xf32, #tpu.memory_space<hbm>>
      tpu.wait_dma2 semaphore(%arg12 : memref<!tpu.dma_semaphore, #tpu.memory_space<semaphore_mem>>) src(%dma_wait3A_704 : memref<32xf32, #tpu.memory_space<hbm>>) dst(%dma_wait3A_701 : memref<32xf32, #tpu.memory_space<vmem>>)
      %dma_wait3A_705 = arith.constant 64 : i32
      %dma_wait3A_706 = tpu.memref_slice %arg9[%div3A_227, %dma_wait3A_705] : memref<128x128xf32, #tpu.memory_space<vmem>> -> memref<1x32xf32, #tpu.memory_space<vmem>>
      %dma_wait3A_707 = tpu.memref_squeeze %dma_wait3A_706 : memref<1x32xf32, #tpu.memory_space<vmem>> -> memref<32xf32, #tpu.memory_space<vmem>>
      %dma_wait3A_708 = arith.constant 0 : i32
      %dma_wait3A_709 = tpu.memref_slice %arg4[%squeeze3A_229, %dma_wait3A_708] : memref<1000000x32xf32, #tpu.memory_space<hbm>> -> memref<1x32xf32, #tpu.memory_space<hbm>>
      %dma_wait3A_710 = tpu.memref_squeeze %dma_wait3A_709 : memref<1x32xf32, #tpu.memory_space<hbm>> -> memref<32xf32, #tpu.memory_space<hbm>>
      %dma_wait3A_711 = arith.constant 64 : i32
      %dma_wait3A_712 = tpu.memref_slice %arg9[%div3A_227, %dma_wait3A_711] : memref<128x128xf32, #tpu.memory_space<vmem>> -> memref<1x32xf32, #tpu.memory_space<vmem>>
      %dma_wait3A_713 = tpu.memref_squeeze %dma_wait3A_712 : memref<1x32xf32, #tpu.memory_space<vmem>> -> memref<32xf32, #tpu.memory_space<vmem>>
      %dma_wait3A_714 = arith.constant 0 : i32
      %dma_wait3A_715 = tpu.memref_slice %arg4[%squeeze3A_229, %dma_wait3A_714] : memref<1000000x32xf32, #tpu.memory_space<hbm>> -> memref<1x32xf32, #tpu.memory_space<hbm>>
      %dma_wait3A_716 = tpu.memref_squeeze %dma_wait3A_715 : memref<1x32xf32, #tpu.memory_space<hbm>> -> memref<32xf32, #tpu.memory_space<hbm>>
      tpu.wait_dma2 semaphore(%arg12 : memref<!tpu.dma_semaphore, #tpu.memory_space<semaphore_mem>>) src(%dma_wait3A_716 : memref<32xf32, #tpu.memory_space<hbm>>) dst(%dma_wait3A_713 : memref<32xf32, #tpu.memory_space<vmem>>)
      %dma_wait3A_717 = arith.constant 64 : i32
      %dma_wait3A_718 = tpu.memref_slice %arg10[%div3A_227, %dma_wait3A_717] : memref<128x128xf32, #tpu.memory_space<vmem>> -> memref<1x32xf32, #tpu.memory_space<vmem>>
      %dma_wait3A_719 = tpu.memref_squeeze %dma_wait3A_718 : memref<1x32xf32, #tpu.memory_space<vmem>> -> memref<32xf32, #tpu.memory_space<vmem>>
      %dma_wait3A_720 = arith.constant 0 : i32
      %dma_wait3A_721 = tpu.memref_slice %arg5[%squeeze3A_243, %dma_wait3A_720] : memref<1000000x32xf32, #tpu.memory_space<hbm>> -> memref<1x32xf32, #tpu.memory_space<hbm>>
      %dma_wait3A_722 = tpu.memref_squeeze %dma_wait3A_721 : memref<1x32xf32, #tpu.memory_space<hbm>> -> memref<32xf32, #tpu.memory_space<hbm>>
      %dma_wait3A_723 = arith.constant 64 : i32
      %dma_wait3A_724 = tpu.memref_slice %arg10[%div3A_227, %dma_wait3A_723] : memref<128x128xf32, #tpu.memory_space<vmem>> -> memref<1x32xf32, #tpu.memory_space<vmem>>
      %dma_wait3A_725 = tpu.memref_squeeze %dma_wait3A_724 : memref<1x32xf32, #tpu.memory_space<vmem>> -> memref<32xf32, #tpu.memory_space<vmem>>
      %dma_wait3A_726 = arith.constant 0 : i32
      %dma_wait3A_727 = tpu.memref_slice %arg5[%squeeze3A_243, %dma_wait3A_726] : memref<1000000x32xf32, #tpu.memory_space<hbm>> -> memref<1x32xf32, #tpu.memory_space<hbm>>
      %dma_wait3A_728 = tpu.memref_squeeze %dma_wait3A_727 : memref<1x32xf32, #tpu.memory_space<hbm>> -> memref<32xf32, #tpu.memory_space<hbm>>
      tpu.wait_dma2 semaphore(%arg12 : memref<!tpu.dma_semaphore, #tpu.memory_space<semaphore_mem>>) src(%dma_wait3A_728 : memref<32xf32, #tpu.memory_space<hbm>>) dst(%dma_wait3A_725 : memref<32xf32, #tpu.memory_space<vmem>>)
      %dma_wait3A_729 = arith.constant 96 : i32
      %dma_wait3A_730 = tpu.memref_slice %arg9[%div3A_261, %dma_wait3A_729] : memref<128x128xf32, #tpu.memory_space<vmem>> -> memref<1x32xf32, #tpu.memory_space<vmem>>
      %dma_wait3A_731 = tpu.memref_squeeze %dma_wait3A_730 : memref<1x32xf32, #tpu.memory_space<vmem>> -> memref<32xf32, #tpu.memory_space<vmem>>
      %dma_wait3A_732 = arith.constant 0 : i32
      %dma_wait3A_733 = tpu.memref_slice %arg4[%squeeze3A_263, %dma_wait3A_732] : memref<1000000x32xf32, #tpu.memory_space<hbm>> -> memref<1x32xf32, #tpu.memory_space<hbm>>
      %dma_wait3A_734 = tpu.memref_squeeze %dma_wait3A_733 : memref<1x32xf32, #tpu.memory_space<hbm>> -> memref<32xf32, #tpu.memory_space<hbm>>
      %dma_wait3A_735 = arith.constant 96 : i32
      %dma_wait3A_736 = tpu.memref_slice %arg9[%div3A_261, %dma_wait3A_735] : memref<128x128xf32, #tpu.memory_space<vmem>> -> memref<1x32xf32, #tpu.memory_space<vmem>>
      %dma_wait3A_737 = tpu.memref_squeeze %dma_wait3A_736 : memref<1x32xf32, #tpu.memory_space<vmem>> -> memref<32xf32, #tpu.memory_space<vmem>>
      %dma_wait3A_738 = arith.constant 0 : i32
      %dma_wait3A_739 = tpu.memref_slice %arg4[%squeeze3A_263, %dma_wait3A_738] : memref<1000000x32xf32, #tpu.memory_space<hbm>> -> memref<1x32xf32, #tpu.memory_space<hbm>>
      %dma_wait3A_740 = tpu.memref_squeeze %dma_wait3A_739 : memref<1x32xf32, #tpu.memory_space<hbm>> -> memref<32xf32, #tpu.memory_space<hbm>>
      tpu.wait_dma2 semaphore(%arg12 : memref<!tpu.dma_semaphore, #tpu.memory_space<semaphore_mem>>) src(%dma_wait3A_740 : memref<32xf32, #tpu.memory_space<hbm>>) dst(%dma_wait3A_737 : memref<32xf32, #tpu.memory_space<vmem>>)
      %dma_wait3A_741 = arith.constant 96 : i32
      %dma_wait3A_742 = tpu.memref_slice %arg10[%div3A_261, %dma_wait3A_741] : memref<128x128xf32, #tpu.memory_space<vmem>> -> memref<1x32xf32, #tpu.memory_space<vmem>>
      %dma_wait3A_743 = tpu.memref_squeeze %dma_wait3A_742 : memref<1x32xf32, #tpu.memory_space<vmem>> -> memref<32xf32, #tpu.memory_space<vmem>>
      %dma_wait3A_744 = arith.constant 0 : i32
      %dma_wait3A_745 = tpu.memref_slice %arg5[%squeeze3A_277, %dma_wait3A_744] : memref<1000000x32xf32, #tpu.memory_space<hbm>> -> memref<1x32xf32, #tpu.memory_space<hbm>>
      %dma_wait3A_746 = tpu.memref_squeeze %dma_wait3A_745 : memref<1x32xf32, #tpu.memory_space<hbm>> -> memref<32xf32, #tpu.memory_space<hbm>>
      %dma_wait3A_747 = arith.constant 96 : i32
      %dma_wait3A_748 = tpu.memref_slice %arg10[%div3A_261, %dma_wait3A_747] : memref<128x128xf32, #tpu.memory_space<vmem>> -> memref<1x32xf32, #tpu.memory_space<vmem>>
      %dma_wait3A_749 = tpu.memref_squeeze %dma_wait3A_748 : memref<1x32xf32, #tpu.memory_space<vmem>> -> memref<32xf32, #tpu.memory_space<vmem>>
      %dma_wait3A_750 = arith.constant 0 : i32
      %dma_wait3A_751 = tpu.memref_slice %arg5[%squeeze3A_277, %dma_wait3A_750] : memref<1000000x32xf32, #tpu.memory_space<hbm>> -> memref<1x32xf32, #tpu.memory_space<hbm>>
      %dma_wait3A_752 = tpu.memref_squeeze %dma_wait3A_751 : memref<1x32xf32, #tpu.memory_space<hbm>> -> memref<32xf32, #tpu.memory_space<hbm>>
      tpu.wait_dma2 semaphore(%arg12 : memref<!tpu.dma_semaphore, #tpu.memory_space<semaphore_mem>>) src(%dma_wait3A_752 : memref<32xf32, #tpu.memory_space<hbm>>) dst(%dma_wait3A_749 : memref<32xf32, #tpu.memory_space<vmem>>)
      %dma_wait3A_753 = arith.constant 0 : i32
      %dma_wait3A_754 = tpu.memref_slice %arg9[%div3A_295, %dma_wait3A_753] : memref<128x128xf32, #tpu.memory_space<vmem>> -> memref<1x32xf32, #tpu.memory_space<vmem>>
      %dma_wait3A_755 = tpu.memref_squeeze %dma_wait3A_754 : memref<1x32xf32, #tpu.memory_space<vmem>> -> memref<32xf32, #tpu.memory_space<vmem>>
      %dma_wait3A_756 = arith.constant 0 : i32
      %dma_wait3A_757 = tpu.memref_slice %arg4[%squeeze3A_297, %dma_wait3A_756] : memref<1000000x32xf32, #tpu.memory_space<hbm>> -> memref<1x32xf32, #tpu.memory_space<hbm>>
      %dma_wait3A_758 = tpu.memref_squeeze %dma_wait3A_757 : memref<1x32xf32, #tpu.memory_space<hbm>> -> memref<32xf32, #tpu.memory_space<hbm>>
      %dma_wait3A_759 = arith.constant 0 : i32
      %dma_wait3A_760 = tpu.memref_slice %arg9[%div3A_295, %dma_wait3A_759] : memref<128x128xf32, #tpu.memory_space<vmem>> -> memref<1x32xf32, #tpu.memory_space<vmem>>
      %dma_wait3A_761 = tpu.memref_squeeze %dma_wait3A_760 : memref<1x32xf32, #tpu.memory_space<vmem>> -> memref<32xf32, #tpu.memory_space<vmem>>
      %dma_wait3A_762 = arith.constant 0 : i32
      %dma_wait3A_763 = tpu.memref_slice %arg4[%squeeze3A_297, %dma_wait3A_762] : memref<1000000x32xf32, #tpu.memory_space<hbm>> -> memref<1x32xf32, #tpu.memory_space<hbm>>
      %dma_wait3A_764 = tpu.memref_squeeze %dma_wait3A_763 : memref<1x32xf32, #tpu.memory_space<hbm>> -> memref<32xf32, #tpu.memory_space<hbm>>
      tpu.wait_dma2 semaphore(%arg12 : memref<!tpu.dma_semaphore, #tpu.memory_space<semaphore_mem>>) src(%dma_wait3A_764 : memref<32xf32, #tpu.memory_space<hbm>>) dst(%dma_wait3A_761 : memref<32xf32, #tpu.memory_space<vmem>>)
      %dma_wait3A_765 = arith.constant 0 : i32
      %dma_wait3A_766 = tpu.memref_slice %arg10[%div3A_295, %dma_wait3A_765] : memref<128x128xf32, #tpu.memory_space<vmem>> -> memref<1x32xf32, #tpu.memory_space<vmem>>
      %dma_wait3A_767 = tpu.memref_squeeze %dma_wait3A_766 : memref<1x32xf32, #tpu.memory_space<vmem>> -> memref<32xf32, #tpu.memory_space<vmem>>
      %dma_wait3A_768 = arith.constant 0 : i32
      %dma_wait3A_769 = tpu.memref_slice %arg5[%squeeze3A_311, %dma_wait3A_768] : memref<1000000x32xf32, #tpu.memory_space<hbm>> -> memref<1x32xf32, #tpu.memory_space<hbm>>
      %dma_wait3A_770 = tpu.memref_squeeze %dma_wait3A_769 : memref<1x32xf32, #tpu.memory_space<hbm>> -> memref<32xf32, #tpu.memory_space<hbm>>
      %dma_wait3A_771 = arith.constant 0 : i32
      %dma_wait3A_772 = tpu.memref_slice %arg10[%div3A_295, %dma_wait3A_771] : memref<128x128xf32, #tpu.memory_space<vmem>> -> memref<1x32xf32, #tpu.memory_space<vmem>>
      %dma_wait3A_773 = tpu.memref_squeeze %dma_wait3A_772 : memref<1x32xf32, #tpu.memory_space<vmem>> -> memref<32xf32, #tpu.memory_space<vmem>>
      %dma_wait3A_774 = arith.constant 0 : i32
      %dma_wait3A_775 = tpu.memref_slice %arg5[%squeeze3A_311, %dma_wait3A_774] : memref<1000000x32xf32, #tpu.memory_space<hbm>> -> memref<1x32xf32, #tpu.memory_space<hbm>>
      %dma_wait3A_776 = tpu.memref_squeeze %dma_wait3A_775 : memref<1x32xf32, #tpu.memory_space<hbm>> -> memref<32xf32, #tpu.memory_space<hbm>>
      tpu.wait_dma2 semaphore(%arg12 : memref<!tpu.dma_semaphore, #tpu.memory_space<semaphore_mem>>) src(%dma_wait3A_776 : memref<32xf32, #tpu.memory_space<hbm>>) dst(%dma_wait3A_773 : memref<32xf32, #tpu.memory_space<vmem>>)
      %dma_wait3A_777 = arith.constant 32 : i32
      %dma_wait3A_778 = tpu.memref_slice %arg9[%div3A_329, %dma_wait3A_777] : memref<128x128xf32, #tpu.memory_space<vmem>> -> memref<1x32xf32, #tpu.memory_space<vmem>>
      %dma_wait3A_779 = tpu.memref_squeeze %dma_wait3A_778 : memref<1x32xf32, #tpu.memory_space<vmem>> -> memref<32xf32, #tpu.memory_space<vmem>>
      %dma_wait3A_780 = arith.constant 0 : i32
      %dma_wait3A_781 = tpu.memref_slice %arg4[%squeeze3A_331, %dma_wait3A_780] : memref<1000000x32xf32, #tpu.memory_space<hbm>> -> memref<1x32xf32, #tpu.memory_space<hbm>>
      %dma_wait3A_782 = tpu.memref_squeeze %dma_wait3A_781 : memref<1x32xf32, #tpu.memory_space<hbm>> -> memref<32xf32, #tpu.memory_space<hbm>>
      %dma_wait3A_783 = arith.constant 32 : i32
      %dma_wait3A_784 = tpu.memref_slice %arg9[%div3A_329, %dma_wait3A_783] : memref<128x128xf32, #tpu.memory_space<vmem>> -> memref<1x32xf32, #tpu.memory_space<vmem>>
      %dma_wait3A_785 = tpu.memref_squeeze %dma_wait3A_784 : memref<1x32xf32, #tpu.memory_space<vmem>> -> memref<32xf32, #tpu.memory_space<vmem>>
      %dma_wait3A_786 = arith.constant 0 : i32
      %dma_wait3A_787 = tpu.memref_slice %arg4[%squeeze3A_331, %dma_wait3A_786] : memref<1000000x32xf32, #tpu.memory_space<hbm>> -> memref<1x32xf32, #tpu.memory_space<hbm>>
      %dma_wait3A_788 = tpu.memref_squeeze %dma_wait3A_787 : memref<1x32xf32, #tpu.memory_space<hbm>> -> memref<32xf32, #tpu.memory_space<hbm>>
      tpu.wait_dma2 semaphore(%arg12 : memref<!tpu.dma_semaphore, #tpu.memory_space<semaphore_mem>>) src(%dma_wait3A_788 : memref<32xf32, #tpu.memory_space<hbm>>) dst(%dma_wait3A_785 : memref<32xf32, #tpu.memory_space<vmem>>)
      %dma_wait3A_789 = arith.constant 32 : i32
      %dma_wait3A_790 = tpu.memref_slice %arg10[%div3A_329, %dma_wait3A_789] : memref<128x128xf32, #tpu.memory_space<vmem>> -> memref<1x32xf32, #tpu.memory_space<vmem>>
      %dma_wait3A_791 = tpu.memref_squeeze %dma_wait3A_790 : memref<1x32xf32, #tpu.memory_space<vmem>> -> memref<32xf32, #tpu.memory_space<vmem>>
      %dma_wait3A_792 = arith.constant 0 : i32
      %dma_wait3A_793 = tpu.memref_slice %arg5[%squeeze3A_345, %dma_wait3A_792] : memref<1000000x32xf32, #tpu.memory_space<hbm>> -> memref<1x32xf32, #tpu.memory_space<hbm>>
      %dma_wait3A_794 = tpu.memref_squeeze %dma_wait3A_793 : memref<1x32xf32, #tpu.memory_space<hbm>> -> memref<32xf32, #tpu.memory_space<hbm>>
      %dma_wait3A_795 = arith.constant 32 : i32
      %dma_wait3A_796 = tpu.memref_slice %arg10[%div3A_329, %dma_wait3A_795] : memref<128x128xf32, #tpu.memory_space<vmem>> -> memref<1x32xf32, #tpu.memory_space<vmem>>
      %dma_wait3A_797 = tpu.memref_squeeze %dma_wait3A_796 : memref<1x32xf32, #tpu.memory_space<vmem>> -> memref<32xf32, #tpu.memory_space<vmem>>
      %dma_wait3A_798 = arith.constant 0 : i32
      %dma_wait3A_799 = tpu.memref_slice %arg5[%squeeze3A_345, %dma_wait3A_798] : memref<1000000x32xf32, #tpu.memory_space<hbm>> -> memref<1x32xf32, #tpu.memory_space<hbm>>
      %dma_wait3A_800 = tpu.memref_squeeze %dma_wait3A_799 : memref<1x32xf32, #tpu.memory_space<hbm>> -> memref<32xf32, #tpu.memory_space<hbm>>
      tpu.wait_dma2 semaphore(%arg12 : memref<!tpu.dma_semaphore, #tpu.memory_space<semaphore_mem>>) src(%dma_wait3A_800 : memref<32xf32, #tpu.memory_space<hbm>>) dst(%dma_wait3A_797 : memref<32xf32, #tpu.memory_space<vmem>>)
      %dma_wait3A_801 = arith.constant 64 : i32
      %dma_wait3A_802 = tpu.memref_slice %arg9[%div3A_363, %dma_wait3A_801] : memref<128x128xf32, #tpu.memory_space<vmem>> -> memref<1x32xf32, #tpu.memory_space<vmem>>
      %dma_wait3A_803 = tpu.memref_squeeze %dma_wait3A_802 : memref<1x32xf32, #tpu.memory_space<vmem>> -> memref<32xf32, #tpu.memory_space<vmem>>
      %dma_wait3A_804 = arith.constant 0 : i32
      %dma_wait3A_805 = tpu.memref_slice %arg4[%squeeze3A_365, %dma_wait3A_804] : memref<1000000x32xf32, #tpu.memory_space<hbm>> -> memref<1x32xf32, #tpu.memory_space<hbm>>
      %dma_wait3A_806 = tpu.memref_squeeze %dma_wait3A_805 : memref<1x32xf32, #tpu.memory_space<hbm>> -> memref<32xf32, #tpu.memory_space<hbm>>
      %dma_wait3A_807 = arith.constant 64 : i32
      %dma_wait3A_808 = tpu.memref_slice %arg9[%div3A_363, %dma_wait3A_807] : memref<128x128xf32, #tpu.memory_space<vmem>> -> memref<1x32xf32, #tpu.memory_space<vmem>>
      %dma_wait3A_809 = tpu.memref_squeeze %dma_wait3A_808 : memref<1x32xf32, #tpu.memory_space<vmem>> -> memref<32xf32, #tpu.memory_space<vmem>>
      %dma_wait3A_810 = arith.constant 0 : i32
      %dma_wait3A_811 = tpu.memref_slice %arg4[%squeeze3A_365, %dma_wait3A_810] : memref<1000000x32xf32, #tpu.memory_space<hbm>> -> memref<1x32xf32, #tpu.memory_space<hbm>>
      %dma_wait3A_812 = tpu.memref_squeeze %dma_wait3A_811 : memref<1x32xf32, #tpu.memory_space<hbm>> -> memref<32xf32, #tpu.memory_space<hbm>>
      tpu.wait_dma2 semaphore(%arg12 : memref<!tpu.dma_semaphore, #tpu.memory_space<semaphore_mem>>) src(%dma_wait3A_812 : memref<32xf32, #tpu.memory_space<hbm>>) dst(%dma_wait3A_809 : memref<32xf32, #tpu.memory_space<vmem>>)
      %dma_wait3A_813 = arith.constant 64 : i32
      %dma_wait3A_814 = tpu.memref_slice %arg10[%div3A_363, %dma_wait3A_813] : memref<128x128xf32, #tpu.memory_space<vmem>> -> memref<1x32xf32, #tpu.memory_space<vmem>>
      %dma_wait3A_815 = tpu.memref_squeeze %dma_wait3A_814 : memref<1x32xf32, #tpu.memory_space<vmem>> -> memref<32xf32, #tpu.memory_space<vmem>>
      %dma_wait3A_816 = arith.constant 0 : i32
      %dma_wait3A_817 = tpu.memref_slice %arg5[%squeeze3A_379, %dma_wait3A_816] : memref<1000000x32xf32, #tpu.memory_space<hbm>> -> memref<1x32xf32, #tpu.memory_space<hbm>>
      %dma_wait3A_818 = tpu.memref_squeeze %dma_wait3A_817 : memref<1x32xf32, #tpu.memory_space<hbm>> -> memref<32xf32, #tpu.memory_space<hbm>>
      %dma_wait3A_819 = arith.constant 64 : i32
      %dma_wait3A_820 = tpu.memref_slice %arg10[%div3A_363, %dma_wait3A_819] : memref<128x128xf32, #tpu.memory_space<vmem>> -> memref<1x32xf32, #tpu.memory_space<vmem>>
      %dma_wait3A_821 = tpu.memref_squeeze %dma_wait3A_820 : memref<1x32xf32, #tpu.memory_space<vmem>> -> memref<32xf32, #tpu.memory_space<vmem>>
      %dma_wait3A_822 = arith.constant 0 : i32
      %dma_wait3A_823 = tpu.memref_slice %arg5[%squeeze3A_379, %dma_wait3A_822] : memref<1000000x32xf32, #tpu.memory_space<hbm>> -> memref<1x32xf32, #tpu.memory_space<hbm>>
      %dma_wait3A_824 = tpu.memref_squeeze %dma_wait3A_823 : memref<1x32xf32, #tpu.memory_space<hbm>> -> memref<32xf32, #tpu.memory_space<hbm>>
      tpu.wait_dma2 semaphore(%arg12 : memref<!tpu.dma_semaphore, #tpu.memory_space<semaphore_mem>>) src(%dma_wait3A_824 : memref<32xf32, #tpu.memory_space<hbm>>) dst(%dma_wait3A_821 : memref<32xf32, #tpu.memory_space<vmem>>)
      %dma_wait3A_825 = arith.constant 96 : i32
      %dma_wait3A_826 = tpu.memref_slice %arg9[%div3A_397, %dma_wait3A_825] : memref<128x128xf32, #tpu.memory_space<vmem>> -> memref<1x32xf32, #tpu.memory_space<vmem>>
      %dma_wait3A_827 = tpu.memref_squeeze %dma_wait3A_826 : memref<1x32xf32, #tpu.memory_space<vmem>> -> memref<32xf32, #tpu.memory_space<vmem>>
      %dma_wait3A_828 = arith.constant 0 : i32
      %dma_wait3A_829 = tpu.memref_slice %arg4[%squeeze3A_399, %dma_wait3A_828] : memref<1000000x32xf32, #tpu.memory_space<hbm>> -> memref<1x32xf32, #tpu.memory_space<hbm>>
      %dma_wait3A_830 = tpu.memref_squeeze %dma_wait3A_829 : memref<1x32xf32, #tpu.memory_space<hbm>> -> memref<32xf32, #tpu.memory_space<hbm>>
      %dma_wait3A_831 = arith.constant 96 : i32
      %dma_wait3A_832 = tpu.memref_slice %arg9[%div3A_397, %dma_wait3A_831] : memref<128x128xf32, #tpu.memory_space<vmem>> -> memref<1x32xf32, #tpu.memory_space<vmem>>
      %dma_wait3A_833 = tpu.memref_squeeze %dma_wait3A_832 : memref<1x32xf32, #tpu.memory_space<vmem>> -> memref<32xf32, #tpu.memory_space<vmem>>
      %dma_wait3A_834 = arith.constant 0 : i32
      %dma_wait3A_835 = tpu.memref_slice %arg4[%squeeze3A_399, %dma_wait3A_834] : memref<1000000x32xf32, #tpu.memory_space<hbm>> -> memref<1x32xf32, #tpu.memory_space<hbm>>
      %dma_wait3A_836 = tpu.memref_squeeze %dma_wait3A_835 : memref<1x32xf32, #tpu.memory_space<hbm>> -> memref<32xf32, #tpu.memory_space<hbm>>
      tpu.wait_dma2 semaphore(%arg12 : memref<!tpu.dma_semaphore, #tpu.memory_space<semaphore_mem>>) src(%dma_wait3A_836 : memref<32xf32, #tpu.memory_space<hbm>>) dst(%dma_wait3A_833 : memref<32xf32, #tpu.memory_space<vmem>>)
      %dma_wait3A_837 = arith.constant 96 : i32
      %dma_wait3A_838 = tpu.memref_slice %arg10[%div3A_397, %dma_wait3A_837] : memref<128x128xf32, #tpu.memory_space<vmem>> -> memref<1x32xf32, #tpu.memory_space<vmem>>
      %dma_wait3A_839 = tpu.memref_squeeze %dma_wait3A_838 : memref<1x32xf32, #tpu.memory_space<vmem>> -> memref<32xf32, #tpu.memory_space<vmem>>
      %dma_wait3A_840 = arith.constant 0 : i32
      %dma_wait3A_841 = tpu.memref_slice %arg5[%squeeze3A_413, %dma_wait3A_840] : memref<1000000x32xf32, #tpu.memory_space<hbm>> -> memref<1x32xf32, #tpu.memory_space<hbm>>
      %dma_wait3A_842 = tpu.memref_squeeze %dma_wait3A_841 : memref<1x32xf32, #tpu.memory_space<hbm>> -> memref<32xf32, #tpu.memory_space<hbm>>
      %dma_wait3A_843 = arith.constant 96 : i32
      %dma_wait3A_844 = tpu.memref_slice %arg10[%div3A_397, %dma_wait3A_843] : memref<128x128xf32, #tpu.memory_space<vmem>> -> memref<1x32xf32, #tpu.memory_space<vmem>>
      %dma_wait3A_845 = tpu.memref_squeeze %dma_wait3A_844 : memref<1x32xf32, #tpu.memory_space<vmem>> -> memref<32xf32, #tpu.memory_space<vmem>>
      %dma_wait3A_846 = arith.constant 0 : i32
      %dma_wait3A_847 = tpu.memref_slice %arg5[%squeeze3A_413, %dma_wait3A_846] : memref<1000000x32xf32, #tpu.memory_space<hbm>> -> memref<1x32xf32, #tpu.memory_space<hbm>>
      %dma_wait3A_848 = tpu.memref_squeeze %dma_wait3A_847 : memref<1x32xf32, #tpu.memory_space<hbm>> -> memref<32xf32, #tpu.memory_space<hbm>>
      tpu.wait_dma2 semaphore(%arg12 : memref<!tpu.dma_semaphore, #tpu.memory_space<semaphore_mem>>) src(%dma_wait3A_848 : memref<32xf32, #tpu.memory_space<hbm>>) dst(%dma_wait3A_845 : memref<32xf32, #tpu.memory_space<vmem>>)
      %dma_wait3A_849 = arith.constant 0 : i32
      %dma_wait3A_850 = tpu.memref_slice %arg9[%div3A_431, %dma_wait3A_849] : memref<128x128xf32, #tpu.memory_space<vmem>> -> memref<1x32xf32, #tpu.memory_space<vmem>>
      %dma_wait3A_851 = tpu.memref_squeeze %dma_wait3A_850 : memref<1x32xf32, #tpu.memory_space<vmem>> -> memref<32xf32, #tpu.memory_space<vmem>>
      %dma_wait3A_852 = arith.constant 0 : i32
      %dma_wait3A_853 = tpu.memref_slice %arg4[%squeeze3A_433, %dma_wait3A_852] : memref<1000000x32xf32, #tpu.memory_space<hbm>> -> memref<1x32xf32, #tpu.memory_space<hbm>>
      %dma_wait3A_854 = tpu.memref_squeeze %dma_wait3A_853 : memref<1x32xf32, #tpu.memory_space<hbm>> -> memref<32xf32, #tpu.memory_space<hbm>>
      %dma_wait3A_855 = arith.constant 0 : i32
      %dma_wait3A_856 = tpu.memref_slice %arg9[%div3A_431, %dma_wait3A_855] : memref<128x128xf32, #tpu.memory_space<vmem>> -> memref<1x32xf32, #tpu.memory_space<vmem>>
      %dma_wait3A_857 = tpu.memref_squeeze %dma_wait3A_856 : memref<1x32xf32, #tpu.memory_space<vmem>> -> memref<32xf32, #tpu.memory_space<vmem>>
      %dma_wait3A_858 = arith.constant 0 : i32
      %dma_wait3A_859 = tpu.memref_slice %arg4[%squeeze3A_433, %dma_wait3A_858] : memref<1000000x32xf32, #tpu.memory_space<hbm>> -> memref<1x32xf32, #tpu.memory_space<hbm>>
      %dma_wait3A_860 = tpu.memref_squeeze %dma_wait3A_859 : memref<1x32xf32, #tpu.memory_space<hbm>> -> memref<32xf32, #tpu.memory_space<hbm>>
      tpu.wait_dma2 semaphore(%arg12 : memref<!tpu.dma_semaphore, #tpu.memory_space<semaphore_mem>>) src(%dma_wait3A_860 : memref<32xf32, #tpu.memory_space<hbm>>) dst(%dma_wait3A_857 : memref<32xf32, #tpu.memory_space<vmem>>)
      %dma_wait3A_861 = arith.constant 0 : i32
      %dma_wait3A_862 = tpu.memref_slice %arg10[%div3A_431, %dma_wait3A_861] : memref<128x128xf32, #tpu.memory_space<vmem>> -> memref<1x32xf32, #tpu.memory_space<vmem>>
      %dma_wait3A_863 = tpu.memref_squeeze %dma_wait3A_862 : memref<1x32xf32, #tpu.memory_space<vmem>> -> memref<32xf32, #tpu.memory_space<vmem>>
      %dma_wait3A_864 = arith.constant 0 : i32
      %dma_wait3A_865 = tpu.memref_slice %arg5[%squeeze3A_447, %dma_wait3A_864] : memref<1000000x32xf32, #tpu.memory_space<hbm>> -> memref<1x32xf32, #tpu.memory_space<hbm>>
      %dma_wait3A_866 = tpu.memref_squeeze %dma_wait3A_865 : memref<1x32xf32, #tpu.memory_space<hbm>> -> memref<32xf32, #tpu.memory_space<hbm>>
      %dma_wait3A_867 = arith.constant 0 : i32
      %dma_wait3A_868 = tpu.memref_slice %arg10[%div3A_431, %dma_wait3A_867] : memref<128x128xf32, #tpu.memory_space<vmem>> -> memref<1x32xf32, #tpu.memory_space<vmem>>
      %dma_wait3A_869 = tpu.memref_squeeze %dma_wait3A_868 : memref<1x32xf32, #tpu.memory_space<vmem>> -> memref<32xf32, #tpu.memory_space<vmem>>
      %dma_wait3A_870 = arith.constant 0 : i32
      %dma_wait3A_871 = tpu.memref_slice %arg5[%squeeze3A_447, %dma_wait3A_870] : memref<1000000x32xf32, #tpu.memory_space<hbm>> -> memref<1x32xf32, #tpu.memory_space<hbm>>
      %dma_wait3A_872 = tpu.memref_squeeze %dma_wait3A_871 : memref<1x32xf32, #tpu.memory_space<hbm>> -> memref<32xf32, #tpu.memory_space<hbm>>
      tpu.wait_dma2 semaphore(%arg12 : memref<!tpu.dma_semaphore, #tpu.memory_space<semaphore_mem>>) src(%dma_wait3A_872 : memref<32xf32, #tpu.memory_space<hbm>>) dst(%dma_wait3A_869 : memref<32xf32, #tpu.memory_space<vmem>>)
      %dma_wait3A_873 = arith.constant 32 : i32
      %dma_wait3A_874 = tpu.memref_slice %arg9[%div3A_465, %dma_wait3A_873] : memref<128x128xf32, #tpu.memory_space<vmem>> -> memref<1x32xf32, #tpu.memory_space<vmem>>
      %dma_wait3A_875 = tpu.memref_squeeze %dma_wait3A_874 : memref<1x32xf32, #tpu.memory_space<vmem>> -> memref<32xf32, #tpu.memory_space<vmem>>
      %dma_wait3A_876 = arith.constant 0 : i32
      %dma_wait3A_877 = tpu.memref_slice %arg4[%squeeze3A_467, %dma_wait3A_876] : memref<1000000x32xf32, #tpu.memory_space<hbm>> -> memref<1x32xf32, #tpu.memory_space<hbm>>
      %dma_wait3A_878 = tpu.memref_squeeze %dma_wait3A_877 : memref<1x32xf32, #tpu.memory_space<hbm>> -> memref<32xf32, #tpu.memory_space<hbm>>
      %dma_wait3A_879 = arith.constant 32 : i32
      %dma_wait3A_880 = tpu.memref_slice %arg9[%div3A_465, %dma_wait3A_879] : memref<128x128xf32, #tpu.memory_space<vmem>> -> memref<1x32xf32, #tpu.memory_space<vmem>>
      %dma_wait3A_881 = tpu.memref_squeeze %dma_wait3A_880 : memref<1x32xf32, #tpu.memory_space<vmem>> -> memref<32xf32, #tpu.memory_space<vmem>>
      %dma_wait3A_882 = arith.constant 0 : i32
      %dma_wait3A_883 = tpu.memref_slice %arg4[%squeeze3A_467, %dma_wait3A_882] : memref<1000000x32xf32, #tpu.memory_space<hbm>> -> memref<1x32xf32, #tpu.memory_space<hbm>>
      %dma_wait3A_884 = tpu.memref_squeeze %dma_wait3A_883 : memref<1x32xf32, #tpu.memory_space<hbm>> -> memref<32xf32, #tpu.memory_space<hbm>>
      tpu.wait_dma2 semaphore(%arg12 : memref<!tpu.dma_semaphore, #tpu.memory_space<semaphore_mem>>) src(%dma_wait3A_884 : memref<32xf32, #tpu.memory_space<hbm>>) dst(%dma_wait3A_881 : memref<32xf32, #tpu.memory_space<vmem>>)
      %dma_wait3A_885 = arith.constant 32 : i32
      %dma_wait3A_886 = tpu.memref_slice %arg10[%div3A_465, %dma_wait3A_885] : memref<128x128xf32, #tpu.memory_space<vmem>> -> memref<1x32xf32, #tpu.memory_space<vmem>>
      %dma_wait3A_887 = tpu.memref_squeeze %dma_wait3A_886 : memref<1x32xf32, #tpu.memory_space<vmem>> -> memref<32xf32, #tpu.memory_space<vmem>>
      %dma_wait3A_888 = arith.constant 0 : i32
      %dma_wait3A_889 = tpu.memref_slice %arg5[%squeeze3A_481, %dma_wait3A_888] : memref<1000000x32xf32, #tpu.memory_space<hbm>> -> memref<1x32xf32, #tpu.memory_space<hbm>>
      %dma_wait3A_890 = tpu.memref_squeeze %dma_wait3A_889 : memref<1x32xf32, #tpu.memory_space<hbm>> -> memref<32xf32, #tpu.memory_space<hbm>>
      %dma_wait3A_891 = arith.constant 32 : i32
      %dma_wait3A_892 = tpu.memref_slice %arg10[%div3A_465, %dma_wait3A_891] : memref<128x128xf32, #tpu.memory_space<vmem>> -> memref<1x32xf32, #tpu.memory_space<vmem>>
      %dma_wait3A_893 = tpu.memref_squeeze %dma_wait3A_892 : memref<1x32xf32, #tpu.memory_space<vmem>> -> memref<32xf32, #tpu.memory_space<vmem>>
      %dma_wait3A_894 = arith.constant 0 : i32
      %dma_wait3A_895 = tpu.memref_slice %arg5[%squeeze3A_481, %dma_wait3A_894] : memref<1000000x32xf32, #tpu.memory_space<hbm>> -> memref<1x32xf32, #tpu.memory_space<hbm>>
      %dma_wait3A_896 = tpu.memref_squeeze %dma_wait3A_895 : memref<1x32xf32, #tpu.memory_space<hbm>> -> memref<32xf32, #tpu.memory_space<hbm>>
      tpu.wait_dma2 semaphore(%arg12 : memref<!tpu.dma_semaphore, #tpu.memory_space<semaphore_mem>>) src(%dma_wait3A_896 : memref<32xf32, #tpu.memory_space<hbm>>) dst(%dma_wait3A_893 : memref<32xf32, #tpu.memory_space<vmem>>)
      %dma_wait3A_897 = arith.constant 64 : i32
      %dma_wait3A_898 = tpu.memref_slice %arg9[%div3A_499, %dma_wait3A_897] : memref<128x128xf32, #tpu.memory_space<vmem>> -> memref<1x32xf32, #tpu.memory_space<vmem>>
      %dma_wait3A_899 = tpu.memref_squeeze %dma_wait3A_898 : memref<1x32xf32, #tpu.memory_space<vmem>> -> memref<32xf32, #tpu.memory_space<vmem>>
      %dma_wait3A_900 = arith.constant 0 : i32
      %dma_wait3A_901 = tpu.memref_slice %arg4[%squeeze3A_501, %dma_wait3A_900] : memref<1000000x32xf32, #tpu.memory_space<hbm>> -> memref<1x32xf32, #tpu.memory_space<hbm>>
      %dma_wait3A_902 = tpu.memref_squeeze %dma_wait3A_901 : memref<1x32xf32, #tpu.memory_space<hbm>> -> memref<32xf32, #tpu.memory_space<hbm>>
      %dma_wait3A_903 = arith.constant 64 : i32
      %dma_wait3A_904 = tpu.memref_slice %arg9[%div3A_499, %dma_wait3A_903] : memref<128x128xf32, #tpu.memory_space<vmem>> -> memref<1x32xf32, #tpu.memory_space<vmem>>
      %dma_wait3A_905 = tpu.memref_squeeze %dma_wait3A_904 : memref<1x32xf32, #tpu.memory_space<vmem>> -> memref<32xf32, #tpu.memory_space<vmem>>
      %dma_wait3A_906 = arith.constant 0 : i32
      %dma_wait3A_907 = tpu.memref_slice %arg4[%squeeze3A_501, %dma_wait3A_906] : memref<1000000x32xf32, #tpu.memory_space<hbm>> -> memref<1x32xf32, #tpu.memory_space<hbm>>
      %dma_wait3A_908 = tpu.memref_squeeze %dma_wait3A_907 : memref<1x32xf32, #tpu.memory_space<hbm>> -> memref<32xf32, #tpu.memory_space<hbm>>
      tpu.wait_dma2 semaphore(%arg12 : memref<!tpu.dma_semaphore, #tpu.memory_space<semaphore_mem>>) src(%dma_wait3A_908 : memref<32xf32, #tpu.memory_space<hbm>>) dst(%dma_wait3A_905 : memref<32xf32, #tpu.memory_space<vmem>>)
      %dma_wait3A_909 = arith.constant 64 : i32
      %dma_wait3A_910 = tpu.memref_slice %arg10[%div3A_499, %dma_wait3A_909] : memref<128x128xf32, #tpu.memory_space<vmem>> -> memref<1x32xf32, #tpu.memory_space<vmem>>
      %dma_wait3A_911 = tpu.memref_squeeze %dma_wait3A_910 : memref<1x32xf32, #tpu.memory_space<vmem>> -> memref<32xf32, #tpu.memory_space<vmem>>
      %dma_wait3A_912 = arith.constant 0 : i32
      %dma_wait3A_913 = tpu.memref_slice %arg5[%squeeze3A_515, %dma_wait3A_912] : memref<1000000x32xf32, #tpu.memory_space<hbm>> -> memref<1x32xf32, #tpu.memory_space<hbm>>
      %dma_wait3A_914 = tpu.memref_squeeze %dma_wait3A_913 : memref<1x32xf32, #tpu.memory_space<hbm>> -> memref<32xf32, #tpu.memory_space<hbm>>
      %dma_wait3A_915 = arith.constant 64 : i32
      %dma_wait3A_916 = tpu.memref_slice %arg10[%div3A_499, %dma_wait3A_915] : memref<128x128xf32, #tpu.memory_space<vmem>> -> memref<1x32xf32, #tpu.memory_space<vmem>>
      %dma_wait3A_917 = tpu.memref_squeeze %dma_wait3A_916 : memref<1x32xf32, #tpu.memory_space<vmem>> -> memref<32xf32, #tpu.memory_space<vmem>>
      %dma_wait3A_918 = arith.constant 0 : i32
      %dma_wait3A_919 = tpu.memref_slice %arg5[%squeeze3A_515, %dma_wait3A_918] : memref<1000000x32xf32, #tpu.memory_space<hbm>> -> memref<1x32xf32, #tpu.memory_space<hbm>>
      %dma_wait3A_920 = tpu.memref_squeeze %dma_wait3A_919 : memref<1x32xf32, #tpu.memory_space<hbm>> -> memref<32xf32, #tpu.memory_space<hbm>>
      tpu.wait_dma2 semaphore(%arg12 : memref<!tpu.dma_semaphore, #tpu.memory_space<semaphore_mem>>) src(%dma_wait3A_920 : memref<32xf32, #tpu.memory_space<hbm>>) dst(%dma_wait3A_917 : memref<32xf32, #tpu.memory_space<vmem>>)
      %dma_wait3A_921 = arith.constant 96 : i32
      %dma_wait3A_922 = tpu.memref_slice %arg9[%div3A_533, %dma_wait3A_921] : memref<128x128xf32, #tpu.memory_space<vmem>> -> memref<1x32xf32, #tpu.memory_space<vmem>>
      %dma_wait3A_923 = tpu.memref_squeeze %dma_wait3A_922 : memref<1x32xf32, #tpu.memory_space<vmem>> -> memref<32xf32, #tpu.memory_space<vmem>>
      %dma_wait3A_924 = arith.constant 0 : i32
      %dma_wait3A_925 = tpu.memref_slice %arg4[%squeeze3A_535, %dma_wait3A_924] : memref<1000000x32xf32, #tpu.memory_space<hbm>> -> memref<1x32xf32, #tpu.memory_space<hbm>>
      %dma_wait3A_926 = tpu.memref_squeeze %dma_wait3A_925 : memref<1x32xf32, #tpu.memory_space<hbm>> -> memref<32xf32, #tpu.memory_space<hbm>>
      %dma_wait3A_927 = arith.constant 96 : i32
      %dma_wait3A_928 = tpu.memref_slice %arg9[%div3A_533, %dma_wait3A_927] : memref<128x128xf32, #tpu.memory_space<vmem>> -> memref<1x32xf32, #tpu.memory_space<vmem>>
      %dma_wait3A_929 = tpu.memref_squeeze %dma_wait3A_928 : memref<1x32xf32, #tpu.memory_space<vmem>> -> memref<32xf32, #tpu.memory_space<vmem>>
      %dma_wait3A_930 = arith.constant 0 : i32
      %dma_wait3A_931 = tpu.memref_slice %arg4[%squeeze3A_535, %dma_wait3A_930] : memref<1000000x32xf32, #tpu.memory_space<hbm>> -> memref<1x32xf32, #tpu.memory_space<hbm>>
      %dma_wait3A_932 = tpu.memref_squeeze %dma_wait3A_931 : memref<1x32xf32, #tpu.memory_space<hbm>> -> memref<32xf32, #tpu.memory_space<hbm>>
      tpu.wait_dma2 semaphore(%arg12 : memref<!tpu.dma_semaphore, #tpu.memory_space<semaphore_mem>>) src(%dma_wait3A_932 : memref<32xf32, #tpu.memory_space<hbm>>) dst(%dma_wait3A_929 : memref<32xf32, #tpu.memory_space<vmem>>)
      %dma_wait3A_933 = arith.constant 96 : i32
      %dma_wait3A_934 = tpu.memref_slice %arg10[%div3A_533, %dma_wait3A_933] : memref<128x128xf32, #tpu.memory_space<vmem>> -> memref<1x32xf32, #tpu.memory_space<vmem>>
      %dma_wait3A_935 = tpu.memref_squeeze %dma_wait3A_934 : memref<1x32xf32, #tpu.memory_space<vmem>> -> memref<32xf32, #tpu.memory_space<vmem>>
      %dma_wait3A_936 = arith.constant 0 : i32
      %dma_wait3A_937 = tpu.memref_slice %arg5[%squeeze3A_549, %dma_wait3A_936] : memref<1000000x32xf32, #tpu.memory_space<hbm>> -> memref<1x32xf32, #tpu.memory_space<hbm>>
      %dma_wait3A_938 = tpu.memref_squeeze %dma_wait3A_937 : memref<1x32xf32, #tpu.memory_space<hbm>> -> memref<32xf32, #tpu.memory_space<hbm>>
      %dma_wait3A_939 = arith.constant 96 : i32
      %dma_wait3A_940 = tpu.memref_slice %arg10[%div3A_533, %dma_wait3A_939] : memref<128x128xf32, #tpu.memory_space<vmem>> -> memref<1x32xf32, #tpu.memory_space<vmem>>
      %dma_wait3A_941 = tpu.memref_squeeze %dma_wait3A_940 : memref<1x32xf32, #tpu.memory_space<vmem>> -> memref<32xf32, #tpu.memory_space<vmem>>
      %dma_wait3A_942 = arith.constant 0 : i32
      %dma_wait3A_943 = tpu.memref_slice %arg5[%squeeze3A_549, %dma_wait3A_942] : memref<1000000x32xf32, #tpu.memory_space<hbm>> -> memref<1x32xf32, #tpu.memory_space<hbm>>
      %dma_wait3A_944 = tpu.memref_squeeze %dma_wait3A_943 : memref<1x32xf32, #tpu.memory_space<hbm>> -> memref<32xf32, #tpu.memory_space<hbm>>
      tpu.wait_dma2 semaphore(%arg12 : memref<!tpu.dma_semaphore, #tpu.memory_space<semaphore_mem>>) src(%dma_wait3A_944 : memref<32xf32, #tpu.memory_space<hbm>>) dst(%dma_wait3A_941 : memref<32xf32, #tpu.memory_space<vmem>>)
    }
    %scan3A_7 = arith.constant 32 : i32
    %iota3A = tpu.iota {dimensions = array<i32: 0>} : vector<16xi32>
    %scan3A_8 = arith.constant 0 : i32
    %scan3A_9 = arith.constant 0 : i32
    %scan3A_10 = arith.constant 32 : i32
    %scan3A_11 = arith.addi %scan3A_9, %scan3A_10 : i32
    %scan3A_12 = arith.constant 1 : i32
    scf.for %scan3A_14 = %scan3A_9 to %scan3A_11 step %scan3A_12  : i32 {
      %mul3A_15 = arith.constant 16 : i32
      %mul3A_16 = arith.muli %scan3A_14, %mul3A_15 : i32
      %add3A_17 = vector.broadcast %mul3A_16 : i32 to vector<16xi32>
      %add3A_18 = arith.addi %add3A_17, %iota3A : vector<16xi32>
      %div3A = arith.constant 4 : i32
      %div3A_19 = vector.broadcast %div3A : i32 to vector<16xi32>
      %div3A_20 = arith.divsi %add3A_18, %div3A_19 : vector<16xi32>
      %rem3A = arith.constant 4 : i32
      %rem3A_21 = vector.broadcast %rem3A : i32 to vector<16xi32>
      %rem3A_22 = arith.remsi %add3A_18, %rem3A_21 : vector<16xi32>
      %mul3A_23 = arith.constant 32 : i32
      %mul3A_24 = vector.broadcast %mul3A_23 : i32 to vector<16xi32>
      %mul3A_25 = arith.muli %rem3A_22, %mul3A_24 : vector<16xi32>
      %broadcast_in_dim3A = arith.constant 0.000000e+00 : f32
      %broadcast_in_dim3A_26 = vector.broadcast %broadcast_in_dim3A : f32 to vector<16xf32>
      %add3A_27 = arith.constant 0 : i32
      %add3A_28 = vector.broadcast %add3A_27 : i32 to vector<16xi32>
      %add3A_29 = arith.addi %iota3A, %add3A_28 : vector<16xi32>
      %and3A = arith.constant 31 : i32
      %and3A_30 = vector.broadcast %and3A : i32 to vector<16xi32>
      %and3A_31 = arith.andi %add3A_29, %and3A_30 : vector<16xi32>
      %add3A_32 = arith.addi %mul3A_25, %and3A_31 : vector<16xi32>
      %gather3A = tpu.vector_load_idx %arg9[%div3A_20, %add3A_32] : memref<128x128xf32, #tpu.memory_space<vmem>>[vector<16xi32>, vector<16xi32>], vector<16xf32>,
      %gather3A_33 = tpu.vector_load_idx %arg10[%div3A_20, %add3A_32] : memref<128x128xf32, #tpu.memory_space<vmem>>[vector<16xi32>, vector<16xi32>], vector<16xf32>,
      %mul3A_34 = arith.mulf %gather3A, %gather3A_33 : vector<16xf32>
      %add3A_35 = arith.addf %broadcast_in_dim3A_26, %mul3A_34 : vector<16xf32>
      %add3A_36 = arith.constant 1 : i32
      %add3A_37 = vector.broadcast %add3A_36 : i32 to vector<16xi32>
      %add3A_38 = arith.addi %iota3A, %add3A_37 : vector<16xi32>
      %and3A_39 = arith.constant 31 : i32
      %and3A_40 = vector.broadcast %and3A_39 : i32 to vector<16xi32>
      %and3A_41 = arith.andi %add3A_38, %and3A_40 : vector<16xi32>
      %add3A_42 = arith.addi %mul3A_25, %and3A_41 : vector<16xi32>
      %gather3A_43 = tpu.vector_load_idx %arg9[%div3A_20, %add3A_42] : memref<128x128xf32, #tpu.memory_space<vmem>>[vector<16xi32>, vector<16xi32>], vector<16xf32>,
      %gather3A_44 = tpu.vector_load_idx %arg10[%div3A_20, %add3A_42] : memref<128x128xf32, #tpu.memory_space<vmem>>[vector<16xi32>, vector<16xi32>], vector<16xf32>,
      %mul3A_45 = arith.mulf %gather3A_43, %gather3A_44 : vector<16xf32>
      %add3A_46 = arith.addf %add3A_35, %mul3A_45 : vector<16xf32>
      %add3A_47 = arith.constant 2 : i32
      %add3A_48 = vector.broadcast %add3A_47 : i32 to vector<16xi32>
      %add3A_49 = arith.addi %iota3A, %add3A_48 : vector<16xi32>
      %and3A_50 = arith.constant 31 : i32
      %and3A_51 = vector.broadcast %and3A_50 : i32 to vector<16xi32>
      %and3A_52 = arith.andi %add3A_49, %and3A_51 : vector<16xi32>
      %add3A_53 = arith.addi %mul3A_25, %and3A_52 : vector<16xi32>
      %gather3A_54 = tpu.vector_load_idx %arg9[%div3A_20, %add3A_53] : memref<128x128xf32, #tpu.memory_space<vmem>>[vector<16xi32>, vector<16xi32>], vector<16xf32>,
      %gather3A_55 = tpu.vector_load_idx %arg10[%div3A_20, %add3A_53] : memref<128x128xf32, #tpu.memory_space<vmem>>[vector<16xi32>, vector<16xi32>], vector<16xf32>,
      %mul3A_56 = arith.mulf %gather3A_54, %gather3A_55 : vector<16xf32>
      %add3A_57 = arith.addf %add3A_46, %mul3A_56 : vector<16xf32>
      %add3A_58 = arith.constant 3 : i32
      %add3A_59 = vector.broadcast %add3A_58 : i32 to vector<16xi32>
      %add3A_60 = arith.addi %iota3A, %add3A_59 : vector<16xi32>
      %and3A_61 = arith.constant 31 : i32
      %and3A_62 = vector.broadcast %and3A_61 : i32 to vector<16xi32>
      %and3A_63 = arith.andi %add3A_60, %and3A_62 : vector<16xi32>
      %add3A_64 = arith.addi %mul3A_25, %and3A_63 : vector<16xi32>
      %gather3A_65 = tpu.vector_load_idx %arg9[%div3A_20, %add3A_64] : memref<128x128xf32, #tpu.memory_space<vmem>>[vector<16xi32>, vector<16xi32>], vector<16xf32>,
      %gather3A_66 = tpu.vector_load_idx %arg10[%div3A_20, %add3A_64] : memref<128x128xf32, #tpu.memory_space<vmem>>[vector<16xi32>, vector<16xi32>], vector<16xf32>,
      %mul3A_67 = arith.mulf %gather3A_65, %gather3A_66 : vector<16xf32>
      %add3A_68 = arith.addf %add3A_57, %mul3A_67 : vector<16xf32>
      %add3A_69 = arith.constant 4 : i32
      %add3A_70 = vector.broadcast %add3A_69 : i32 to vector<16xi32>
      %add3A_71 = arith.addi %iota3A, %add3A_70 : vector<16xi32>
      %and3A_72 = arith.constant 31 : i32
      %and3A_73 = vector.broadcast %and3A_72 : i32 to vector<16xi32>
      %and3A_74 = arith.andi %add3A_71, %and3A_73 : vector<16xi32>
      %add3A_75 = arith.addi %mul3A_25, %and3A_74 : vector<16xi32>
      %gather3A_76 = tpu.vector_load_idx %arg9[%div3A_20, %add3A_75] : memref<128x128xf32, #tpu.memory_space<vmem>>[vector<16xi32>, vector<16xi32>], vector<16xf32>,
      %gather3A_77 = tpu.vector_load_idx %arg10[%div3A_20, %add3A_75] : memref<128x128xf32, #tpu.memory_space<vmem>>[vector<16xi32>, vector<16xi32>], vector<16xf32>,
      %mul3A_78 = arith.mulf %gather3A_76, %gather3A_77 : vector<16xf32>
      %add3A_79 = arith.addf %add3A_68, %mul3A_78 : vector<16xf32>
      %add3A_80 = arith.constant 5 : i32
      %add3A_81 = vector.broadcast %add3A_80 : i32 to vector<16xi32>
      %add3A_82 = arith.addi %iota3A, %add3A_81 : vector<16xi32>
      %and3A_83 = arith.constant 31 : i32
      %and3A_84 = vector.broadcast %and3A_83 : i32 to vector<16xi32>
      %and3A_85 = arith.andi %add3A_82, %and3A_84 : vector<16xi32>
      %add3A_86 = arith.addi %mul3A_25, %and3A_85 : vector<16xi32>
      %gather3A_87 = tpu.vector_load_idx %arg9[%div3A_20, %add3A_86] : memref<128x128xf32, #tpu.memory_space<vmem>>[vector<16xi32>, vector<16xi32>], vector<16xf32>,
      %gather3A_88 = tpu.vector_load_idx %arg10[%div3A_20, %add3A_86] : memref<128x128xf32, #tpu.memory_space<vmem>>[vector<16xi32>, vector<16xi32>], vector<16xf32>,
      %mul3A_89 = arith.mulf %gather3A_87, %gather3A_88 : vector<16xf32>
      %add3A_90 = arith.addf %add3A_79, %mul3A_89 : vector<16xf32>
      %add3A_91 = arith.constant 6 : i32
      %add3A_92 = vector.broadcast %add3A_91 : i32 to vector<16xi32>
      %add3A_93 = arith.addi %iota3A, %add3A_92 : vector<16xi32>
      %and3A_94 = arith.constant 31 : i32
      %and3A_95 = vector.broadcast %and3A_94 : i32 to vector<16xi32>
      %and3A_96 = arith.andi %add3A_93, %and3A_95 : vector<16xi32>
      %add3A_97 = arith.addi %mul3A_25, %and3A_96 : vector<16xi32>
      %gather3A_98 = tpu.vector_load_idx %arg9[%div3A_20, %add3A_97] : memref<128x128xf32, #tpu.memory_space<vmem>>[vector<16xi32>, vector<16xi32>], vector<16xf32>,
      %gather3A_99 = tpu.vector_load_idx %arg10[%div3A_20, %add3A_97] : memref<128x128xf32, #tpu.memory_space<vmem>>[vector<16xi32>, vector<16xi32>], vector<16xf32>,
      %mul3A_100 = arith.mulf %gather3A_98, %gather3A_99 : vector<16xf32>
      %add3A_101 = arith.addf %add3A_90, %mul3A_100 : vector<16xf32>
      %add3A_102 = arith.constant 7 : i32
      %add3A_103 = vector.broadcast %add3A_102 : i32 to vector<16xi32>
      %add3A_104 = arith.addi %iota3A, %add3A_103 : vector<16xi32>
      %and3A_105 = arith.constant 31 : i32
      %and3A_106 = vector.broadcast %and3A_105 : i32 to vector<16xi32>
      %and3A_107 = arith.andi %add3A_104, %and3A_106 : vector<16xi32>
      %add3A_108 = arith.addi %mul3A_25, %and3A_107 : vector<16xi32>
      %gather3A_109 = tpu.vector_load_idx %arg9[%div3A_20, %add3A_108] : memref<128x128xf32, #tpu.memory_space<vmem>>[vector<16xi32>, vector<16xi32>], vector<16xf32>,
      %gather3A_110 = tpu.vector_load_idx %arg10[%div3A_20, %add3A_108] : memref<128x128xf32, #tpu.memory_space<vmem>>[vector<16xi32>, vector<16xi32>], vector<16xf32>,
      %mul3A_111 = arith.mulf %gather3A_109, %gather3A_110 : vector<16xf32>
      %add3A_112 = arith.addf %add3A_101, %mul3A_111 : vector<16xf32>
      %add3A_113 = arith.constant 8 : i32
      %add3A_114 = vector.broadcast %add3A_113 : i32 to vector<16xi32>
      %add3A_115 = arith.addi %iota3A, %add3A_114 : vector<16xi32>
      %and3A_116 = arith.constant 31 : i32
      %and3A_117 = vector.broadcast %and3A_116 : i32 to vector<16xi32>
      %and3A_118 = arith.andi %add3A_115, %and3A_117 : vector<16xi32>
      %add3A_119 = arith.addi %mul3A_25, %and3A_118 : vector<16xi32>
      %gather3A_120 = tpu.vector_load_idx %arg9[%div3A_20, %add3A_119] : memref<128x128xf32, #tpu.memory_space<vmem>>[vector<16xi32>, vector<16xi32>], vector<16xf32>,
      %gather3A_121 = tpu.vector_load_idx %arg10[%div3A_20, %add3A_119] : memref<128x128xf32, #tpu.memory_space<vmem>>[vector<16xi32>, vector<16xi32>], vector<16xf32>,
      %mul3A_122 = arith.mulf %gather3A_120, %gather3A_121 : vector<16xf32>
      %add3A_123 = arith.addf %add3A_112, %mul3A_122 : vector<16xf32>
      %add3A_124 = arith.constant 9 : i32
      %add3A_125 = vector.broadcast %add3A_124 : i32 to vector<16xi32>
      %add3A_126 = arith.addi %iota3A, %add3A_125 : vector<16xi32>
      %and3A_127 = arith.constant 31 : i32
      %and3A_128 = vector.broadcast %and3A_127 : i32 to vector<16xi32>
      %and3A_129 = arith.andi %add3A_126, %and3A_128 : vector<16xi32>
      %add3A_130 = arith.addi %mul3A_25, %and3A_129 : vector<16xi32>
      %gather3A_131 = tpu.vector_load_idx %arg9[%div3A_20, %add3A_130] : memref<128x128xf32, #tpu.memory_space<vmem>>[vector<16xi32>, vector<16xi32>], vector<16xf32>,
      %gather3A_132 = tpu.vector_load_idx %arg10[%div3A_20, %add3A_130] : memref<128x128xf32, #tpu.memory_space<vmem>>[vector<16xi32>, vector<16xi32>], vector<16xf32>,
      %mul3A_133 = arith.mulf %gather3A_131, %gather3A_132 : vector<16xf32>
      %add3A_134 = arith.addf %add3A_123, %mul3A_133 : vector<16xf32>
      %add3A_135 = arith.constant 10 : i32
      %add3A_136 = vector.broadcast %add3A_135 : i32 to vector<16xi32>
      %add3A_137 = arith.addi %iota3A, %add3A_136 : vector<16xi32>
      %and3A_138 = arith.constant 31 : i32
      %and3A_139 = vector.broadcast %and3A_138 : i32 to vector<16xi32>
      %and3A_140 = arith.andi %add3A_137, %and3A_139 : vector<16xi32>
      %add3A_141 = arith.addi %mul3A_25, %and3A_140 : vector<16xi32>
      %gather3A_142 = tpu.vector_load_idx %arg9[%div3A_20, %add3A_141] : memref<128x128xf32, #tpu.memory_space<vmem>>[vector<16xi32>, vector<16xi32>], vector<16xf32>,
      %gather3A_143 = tpu.vector_load_idx %arg10[%div3A_20, %add3A_141] : memref<128x128xf32, #tpu.memory_space<vmem>>[vector<16xi32>, vector<16xi32>], vector<16xf32>,
      %mul3A_144 = arith.mulf %gather3A_142, %gather3A_143 : vector<16xf32>
      %add3A_145 = arith.addf %add3A_134, %mul3A_144 : vector<16xf32>
      %add3A_146 = arith.constant 11 : i32
      %add3A_147 = vector.broadcast %add3A_146 : i32 to vector<16xi32>
      %add3A_148 = arith.addi %iota3A, %add3A_147 : vector<16xi32>
      %and3A_149 = arith.constant 31 : i32
      %and3A_150 = vector.broadcast %and3A_149 : i32 to vector<16xi32>
      %and3A_151 = arith.andi %add3A_148, %and3A_150 : vector<16xi32>
      %add3A_152 = arith.addi %mul3A_25, %and3A_151 : vector<16xi32>
      %gather3A_153 = tpu.vector_load_idx %arg9[%div3A_20, %add3A_152] : memref<128x128xf32, #tpu.memory_space<vmem>>[vector<16xi32>, vector<16xi32>], vector<16xf32>,
      %gather3A_154 = tpu.vector_load_idx %arg10[%div3A_20, %add3A_152] : memref<128x128xf32, #tpu.memory_space<vmem>>[vector<16xi32>, vector<16xi32>], vector<16xf32>,
      %mul3A_155 = arith.mulf %gather3A_153, %gather3A_154 : vector<16xf32>
      %add3A_156 = arith.addf %add3A_145, %mul3A_155 : vector<16xf32>
      %add3A_157 = arith.constant 12 : i32
      %add3A_158 = vector.broadcast %add3A_157 : i32 to vector<16xi32>
      %add3A_159 = arith.addi %iota3A, %add3A_158 : vector<16xi32>
      %and3A_160 = arith.constant 31 : i32
      %and3A_161 = vector.broadcast %and3A_160 : i32 to vector<16xi32>
      %and3A_162 = arith.andi %add3A_159, %and3A_161 : vector<16xi32>
      %add3A_163 = arith.addi %mul3A_25, %and3A_162 : vector<16xi32>
      %gather3A_164 = tpu.vector_load_idx %arg9[%div3A_20, %add3A_163] : memref<128x128xf32, #tpu.memory_space<vmem>>[vector<16xi32>, vector<16xi32>], vector<16xf32>,
      %gather3A_165 = tpu.vector_load_idx %arg10[%div3A_20, %add3A_163] : memref<128x128xf32, #tpu.memory_space<vmem>>[vector<16xi32>, vector<16xi32>], vector<16xf32>,
      %mul3A_166 = arith.mulf %gather3A_164, %gather3A_165 : vector<16xf32>
      %add3A_167 = arith.addf %add3A_156, %mul3A_166 : vector<16xf32>
      %add3A_168 = arith.constant 13 : i32
      %add3A_169 = vector.broadcast %add3A_168 : i32 to vector<16xi32>
      %add3A_170 = arith.addi %iota3A, %add3A_169 : vector<16xi32>
      %and3A_171 = arith.constant 31 : i32
      %and3A_172 = vector.broadcast %and3A_171 : i32 to vector<16xi32>
      %and3A_173 = arith.andi %add3A_170, %and3A_172 : vector<16xi32>
      %add3A_174 = arith.addi %mul3A_25, %and3A_173 : vector<16xi32>
      %gather3A_175 = tpu.vector_load_idx %arg9[%div3A_20, %add3A_174] : memref<128x128xf32, #tpu.memory_space<vmem>>[vector<16xi32>, vector<16xi32>], vector<16xf32>,
      %gather3A_176 = tpu.vector_load_idx %arg10[%div3A_20, %add3A_174] : memref<128x128xf32, #tpu.memory_space<vmem>>[vector<16xi32>, vector<16xi32>], vector<16xf32>,
      %mul3A_177 = arith.mulf %gather3A_175, %gather3A_176 : vector<16xf32>
      %add3A_178 = arith.addf %add3A_167, %mul3A_177 : vector<16xf32>
      %add3A_179 = arith.constant 14 : i32
      %add3A_180 = vector.broadcast %add3A_179 : i32 to vector<16xi32>
      %add3A_181 = arith.addi %iota3A, %add3A_180 : vector<16xi32>
      %and3A_182 = arith.constant 31 : i32
      %and3A_183 = vector.broadcast %and3A_182 : i32 to vector<16xi32>
      %and3A_184 = arith.andi %add3A_181, %and3A_183 : vector<16xi32>
      %add3A_185 = arith.addi %mul3A_25, %and3A_184 : vector<16xi32>
      %gather3A_186 = tpu.vector_load_idx %arg9[%div3A_20, %add3A_185] : memref<128x128xf32, #tpu.memory_space<vmem>>[vector<16xi32>, vector<16xi32>], vector<16xf32>,
      %gather3A_187 = tpu.vector_load_idx %arg10[%div3A_20, %add3A_185] : memref<128x128xf32, #tpu.memory_space<vmem>>[vector<16xi32>, vector<16xi32>], vector<16xf32>,
      %mul3A_188 = arith.mulf %gather3A_186, %gather3A_187 : vector<16xf32>
      %add3A_189 = arith.addf %add3A_178, %mul3A_188 : vector<16xf32>
      %add3A_190 = arith.constant 15 : i32
      %add3A_191 = vector.broadcast %add3A_190 : i32 to vector<16xi32>
      %add3A_192 = arith.addi %iota3A, %add3A_191 : vector<16xi32>
      %and3A_193 = arith.constant 31 : i32
      %and3A_194 = vector.broadcast %and3A_193 : i32 to vector<16xi32>
      %and3A_195 = arith.andi %add3A_192, %and3A_194 : vector<16xi32>
      %add3A_196 = arith.addi %mul3A_25, %and3A_195 : vector<16xi32>
      %gather3A_197 = tpu.vector_load_idx %arg9[%div3A_20, %add3A_196] : memref<128x128xf32, #tpu.memory_space<vmem>>[vector<16xi32>, vector<16xi32>], vector<16xf32>,
      %gather3A_198 = tpu.vector_load_idx %arg10[%div3A_20, %add3A_196] : memref<128x128xf32, #tpu.memory_space<vmem>>[vector<16xi32>, vector<16xi32>], vector<16xf32>,
      %mul3A_199 = arith.mulf %gather3A_197, %gather3A_198 : vector<16xf32>
      %add3A_200 = arith.addf %add3A_189, %mul3A_199 : vector<16xf32>
      %add3A_201 = arith.constant 16 : i32
      %add3A_202 = vector.broadcast %add3A_201 : i32 to vector<16xi32>
      %add3A_203 = arith.addi %iota3A, %add3A_202 : vector<16xi32>
      %and3A_204 = arith.constant 31 : i32
      %and3A_205 = vector.broadcast %and3A_204 : i32 to vector<16xi32>
      %and3A_206 = arith.andi %add3A_203, %and3A_205 : vector<16xi32>
      %add3A_207 = arith.addi %mul3A_25, %and3A_206 : vector<16xi32>
      %gather3A_208 = tpu.vector_load_idx %arg9[%div3A_20, %add3A_207] : memref<128x128xf32, #tpu.memory_space<vmem>>[vector<16xi32>, vector<16xi32>], vector<16xf32>,
      %gather3A_209 = tpu.vector_load_idx %arg10[%div3A_20, %add3A_207] : memref<128x128xf32, #tpu.memory_space<vmem>>[vector<16xi32>, vector<16xi32>], vector<16xf32>,
      %mul3A_210 = arith.mulf %gather3A_208, %gather3A_209 : vector<16xf32>
      %add3A_211 = arith.addf %add3A_200, %mul3A_210 : vector<16xf32>
      %add3A_212 = arith.constant 17 : i32
      %add3A_213 = vector.broadcast %add3A_212 : i32 to vector<16xi32>
      %add3A_214 = arith.addi %iota3A, %add3A_213 : vector<16xi32>
      %and3A_215 = arith.constant 31 : i32
      %and3A_216 = vector.broadcast %and3A_215 : i32 to vector<16xi32>
      %and3A_217 = arith.andi %add3A_214, %and3A_216 : vector<16xi32>
      %add3A_218 = arith.addi %mul3A_25, %and3A_217 : vector<16xi32>
      %gather3A_219 = tpu.vector_load_idx %arg9[%div3A_20, %add3A_218] : memref<128x128xf32, #tpu.memory_space<vmem>>[vector<16xi32>, vector<16xi32>], vector<16xf32>,
      %gather3A_220 = tpu.vector_load_idx %arg10[%div3A_20, %add3A_218] : memref<128x128xf32, #tpu.memory_space<vmem>>[vector<16xi32>, vector<16xi32>], vector<16xf32>,
      %mul3A_221 = arith.mulf %gather3A_219, %gather3A_220 : vector<16xf32>
      %add3A_222 = arith.addf %add3A_211, %mul3A_221 : vector<16xf32>
      %add3A_223 = arith.constant 18 : i32
      %add3A_224 = vector.broadcast %add3A_223 : i32 to vector<16xi32>
      %add3A_225 = arith.addi %iota3A, %add3A_224 : vector<16xi32>
      %and3A_226 = arith.constant 31 : i32
      %and3A_227 = vector.broadcast %and3A_226 : i32 to vector<16xi32>
      %and3A_228 = arith.andi %add3A_225, %and3A_227 : vector<16xi32>
      %add3A_229 = arith.addi %mul3A_25, %and3A_228 : vector<16xi32>
      %gather3A_230 = tpu.vector_load_idx %arg9[%div3A_20, %add3A_229] : memref<128x128xf32, #tpu.memory_space<vmem>>[vector<16xi32>, vector<16xi32>], vector<16xf32>,
      %gather3A_231 = tpu.vector_load_idx %arg10[%div3A_20, %add3A_229] : memref<128x128xf32, #tpu.memory_space<vmem>>[vector<16xi32>, vector<16xi32>], vector<16xf32>,
      %mul3A_232 = arith.mulf %gather3A_230, %gather3A_231 : vector<16xf32>
      %add3A_233 = arith.addf %add3A_222, %mul3A_232 : vector<16xf32>
      %add3A_234 = arith.constant 19 : i32
      %add3A_235 = vector.broadcast %add3A_234 : i32 to vector<16xi32>
      %add3A_236 = arith.addi %iota3A, %add3A_235 : vector<16xi32>
      %and3A_237 = arith.constant 31 : i32
      %and3A_238 = vector.broadcast %and3A_237 : i32 to vector<16xi32>
      %and3A_239 = arith.andi %add3A_236, %and3A_238 : vector<16xi32>
      %add3A_240 = arith.addi %mul3A_25, %and3A_239 : vector<16xi32>
      %gather3A_241 = tpu.vector_load_idx %arg9[%div3A_20, %add3A_240] : memref<128x128xf32, #tpu.memory_space<vmem>>[vector<16xi32>, vector<16xi32>], vector<16xf32>,
      %gather3A_242 = tpu.vector_load_idx %arg10[%div3A_20, %add3A_240] : memref<128x128xf32, #tpu.memory_space<vmem>>[vector<16xi32>, vector<16xi32>], vector<16xf32>,
      %mul3A_243 = arith.mulf %gather3A_241, %gather3A_242 : vector<16xf32>
      %add3A_244 = arith.addf %add3A_233, %mul3A_243 : vector<16xf32>
      %add3A_245 = arith.constant 20 : i32
      %add3A_246 = vector.broadcast %add3A_245 : i32 to vector<16xi32>
      %add3A_247 = arith.addi %iota3A, %add3A_246 : vector<16xi32>
      %and3A_248 = arith.constant 31 : i32
      %and3A_249 = vector.broadcast %and3A_248 : i32 to vector<16xi32>
      %and3A_250 = arith.andi %add3A_247, %and3A_249 : vector<16xi32>
      %add3A_251 = arith.addi %mul3A_25, %and3A_250 : vector<16xi32>
      %gather3A_252 = tpu.vector_load_idx %arg9[%div3A_20, %add3A_251] : memref<128x128xf32, #tpu.memory_space<vmem>>[vector<16xi32>, vector<16xi32>], vector<16xf32>,
      %gather3A_253 = tpu.vector_load_idx %arg10[%div3A_20, %add3A_251] : memref<128x128xf32, #tpu.memory_space<vmem>>[vector<16xi32>, vector<16xi32>], vector<16xf32>,
      %mul3A_254 = arith.mulf %gather3A_252, %gather3A_253 : vector<16xf32>
      %add3A_255 = arith.addf %add3A_244, %mul3A_254 : vector<16xf32>
      %add3A_256 = arith.constant 21 : i32
      %add3A_257 = vector.broadcast %add3A_256 : i32 to vector<16xi32>
      %add3A_258 = arith.addi %iota3A, %add3A_257 : vector<16xi32>
      %and3A_259 = arith.constant 31 : i32
      %and3A_260 = vector.broadcast %and3A_259 : i32 to vector<16xi32>
      %and3A_261 = arith.andi %add3A_258, %and3A_260 : vector<16xi32>
      %add3A_262 = arith.addi %mul3A_25, %and3A_261 : vector<16xi32>
      %gather3A_263 = tpu.vector_load_idx %arg9[%div3A_20, %add3A_262] : memref<128x128xf32, #tpu.memory_space<vmem>>[vector<16xi32>, vector<16xi32>], vector<16xf32>,
      %gather3A_264 = tpu.vector_load_idx %arg10[%div3A_20, %add3A_262] : memref<128x128xf32, #tpu.memory_space<vmem>>[vector<16xi32>, vector<16xi32>], vector<16xf32>,
      %mul3A_265 = arith.mulf %gather3A_263, %gather3A_264 : vector<16xf32>
      %add3A_266 = arith.addf %add3A_255, %mul3A_265 : vector<16xf32>
      %add3A_267 = arith.constant 22 : i32
      %add3A_268 = vector.broadcast %add3A_267 : i32 to vector<16xi32>
      %add3A_269 = arith.addi %iota3A, %add3A_268 : vector<16xi32>
      %and3A_270 = arith.constant 31 : i32
      %and3A_271 = vector.broadcast %and3A_270 : i32 to vector<16xi32>
      %and3A_272 = arith.andi %add3A_269, %and3A_271 : vector<16xi32>
      %add3A_273 = arith.addi %mul3A_25, %and3A_272 : vector<16xi32>
      %gather3A_274 = tpu.vector_load_idx %arg9[%div3A_20, %add3A_273] : memref<128x128xf32, #tpu.memory_space<vmem>>[vector<16xi32>, vector<16xi32>], vector<16xf32>,
      %gather3A_275 = tpu.vector_load_idx %arg10[%div3A_20, %add3A_273] : memref<128x128xf32, #tpu.memory_space<vmem>>[vector<16xi32>, vector<16xi32>], vector<16xf32>,
      %mul3A_276 = arith.mulf %gather3A_274, %gather3A_275 : vector<16xf32>
      %add3A_277 = arith.addf %add3A_266, %mul3A_276 : vector<16xf32>
      %add3A_278 = arith.constant 23 : i32
      %add3A_279 = vector.broadcast %add3A_278 : i32 to vector<16xi32>
      %add3A_280 = arith.addi %iota3A, %add3A_279 : vector<16xi32>
      %and3A_281 = arith.constant 31 : i32
      %and3A_282 = vector.broadcast %and3A_281 : i32 to vector<16xi32>
      %and3A_283 = arith.andi %add3A_280, %and3A_282 : vector<16xi32>
      %add3A_284 = arith.addi %mul3A_25, %and3A_283 : vector<16xi32>
      %gather3A_285 = tpu.vector_load_idx %arg9[%div3A_20, %add3A_284] : memref<128x128xf32, #tpu.memory_space<vmem>>[vector<16xi32>, vector<16xi32>], vector<16xf32>,
      %gather3A_286 = tpu.vector_load_idx %arg10[%div3A_20, %add3A_284] : memref<128x128xf32, #tpu.memory_space<vmem>>[vector<16xi32>, vector<16xi32>], vector<16xf32>,
      %mul3A_287 = arith.mulf %gather3A_285, %gather3A_286 : vector<16xf32>
      %add3A_288 = arith.addf %add3A_277, %mul3A_287 : vector<16xf32>
      %add3A_289 = arith.constant 24 : i32
      %add3A_290 = vector.broadcast %add3A_289 : i32 to vector<16xi32>
      %add3A_291 = arith.addi %iota3A, %add3A_290 : vector<16xi32>
      %and3A_292 = arith.constant 31 : i32
      %and3A_293 = vector.broadcast %and3A_292 : i32 to vector<16xi32>
      %and3A_294 = arith.andi %add3A_291, %and3A_293 : vector<16xi32>
      %add3A_295 = arith.addi %mul3A_25, %and3A_294 : vector<16xi32>
      %gather3A_296 = tpu.vector_load_idx %arg9[%div3A_20, %add3A_295] : memref<128x128xf32, #tpu.memory_space<vmem>>[vector<16xi32>, vector<16xi32>], vector<16xf32>,
      %gather3A_297 = tpu.vector_load_idx %arg10[%div3A_20, %add3A_295] : memref<128x128xf32, #tpu.memory_space<vmem>>[vector<16xi32>, vector<16xi32>], vector<16xf32>,
      %mul3A_298 = arith.mulf %gather3A_296, %gather3A_297 : vector<16xf32>
      %add3A_299 = arith.addf %add3A_288, %mul3A_298 : vector<16xf32>
      %add3A_300 = arith.constant 25 : i32
      %add3A_301 = vector.broadcast %add3A_300 : i32 to vector<16xi32>
      %add3A_302 = arith.addi %iota3A, %add3A_301 : vector<16xi32>
      %and3A_303 = arith.constant 31 : i32
      %and3A_304 = vector.broadcast %and3A_303 : i32 to vector<16xi32>
      %and3A_305 = arith.andi %add3A_302, %and3A_304 : vector<16xi32>
      %add3A_306 = arith.addi %mul3A_25, %and3A_305 : vector<16xi32>
      %gather3A_307 = tpu.vector_load_idx %arg9[%div3A_20, %add3A_306] : memref<128x128xf32, #tpu.memory_space<vmem>>[vector<16xi32>, vector<16xi32>], vector<16xf32>,
      %gather3A_308 = tpu.vector_load_idx %arg10[%div3A_20, %add3A_306] : memref<128x128xf32, #tpu.memory_space<vmem>>[vector<16xi32>, vector<16xi32>], vector<16xf32>,
      %mul3A_309 = arith.mulf %gather3A_307, %gather3A_308 : vector<16xf32>
      %add3A_310 = arith.addf %add3A_299, %mul3A_309 : vector<16xf32>
      %add3A_311 = arith.constant 26 : i32
      %add3A_312 = vector.broadcast %add3A_311 : i32 to vector<16xi32>
      %add3A_313 = arith.addi %iota3A, %add3A_312 : vector<16xi32>
      %and3A_314 = arith.constant 31 : i32
      %and3A_315 = vector.broadcast %and3A_314 : i32 to vector<16xi32>
      %and3A_316 = arith.andi %add3A_313, %and3A_315 : vector<16xi32>
      %add3A_317 = arith.addi %mul3A_25, %and3A_316 : vector<16xi32>
      %gather3A_318 = tpu.vector_load_idx %arg9[%div3A_20, %add3A_317] : memref<128x128xf32, #tpu.memory_space<vmem>>[vector<16xi32>, vector<16xi32>], vector<16xf32>,
      %gather3A_319 = tpu.vector_load_idx %arg10[%div3A_20, %add3A_317] : memref<128x128xf32, #tpu.memory_space<vmem>>[vector<16xi32>, vector<16xi32>], vector<16xf32>,
      %mul3A_320 = arith.mulf %gather3A_318, %gather3A_319 : vector<16xf32>
      %add3A_321 = arith.addf %add3A_310, %mul3A_320 : vector<16xf32>
      %add3A_322 = arith.constant 27 : i32
      %add3A_323 = vector.broadcast %add3A_322 : i32 to vector<16xi32>
      %add3A_324 = arith.addi %iota3A, %add3A_323 : vector<16xi32>
      %and3A_325 = arith.constant 31 : i32
      %and3A_326 = vector.broadcast %and3A_325 : i32 to vector<16xi32>
      %and3A_327 = arith.andi %add3A_324, %and3A_326 : vector<16xi32>
      %add3A_328 = arith.addi %mul3A_25, %and3A_327 : vector<16xi32>
      %gather3A_329 = tpu.vector_load_idx %arg9[%div3A_20, %add3A_328] : memref<128x128xf32, #tpu.memory_space<vmem>>[vector<16xi32>, vector<16xi32>], vector<16xf32>,
      %gather3A_330 = tpu.vector_load_idx %arg10[%div3A_20, %add3A_328] : memref<128x128xf32, #tpu.memory_space<vmem>>[vector<16xi32>, vector<16xi32>], vector<16xf32>,
      %mul3A_331 = arith.mulf %gather3A_329, %gather3A_330 : vector<16xf32>
      %add3A_332 = arith.addf %add3A_321, %mul3A_331 : vector<16xf32>
      %add3A_333 = arith.constant 28 : i32
      %add3A_334 = vector.broadcast %add3A_333 : i32 to vector<16xi32>
      %add3A_335 = arith.addi %iota3A, %add3A_334 : vector<16xi32>
      %and3A_336 = arith.constant 31 : i32
      %and3A_337 = vector.broadcast %and3A_336 : i32 to vector<16xi32>
      %and3A_338 = arith.andi %add3A_335, %and3A_337 : vector<16xi32>
      %add3A_339 = arith.addi %mul3A_25, %and3A_338 : vector<16xi32>
      %gather3A_340 = tpu.vector_load_idx %arg9[%div3A_20, %add3A_339] : memref<128x128xf32, #tpu.memory_space<vmem>>[vector<16xi32>, vector<16xi32>], vector<16xf32>,
      %gather3A_341 = tpu.vector_load_idx %arg10[%div3A_20, %add3A_339] : memref<128x128xf32, #tpu.memory_space<vmem>>[vector<16xi32>, vector<16xi32>], vector<16xf32>,
      %mul3A_342 = arith.mulf %gather3A_340, %gather3A_341 : vector<16xf32>
      %add3A_343 = arith.addf %add3A_332, %mul3A_342 : vector<16xf32>
      %add3A_344 = arith.constant 29 : i32
      %add3A_345 = vector.broadcast %add3A_344 : i32 to vector<16xi32>
      %add3A_346 = arith.addi %iota3A, %add3A_345 : vector<16xi32>
      %and3A_347 = arith.constant 31 : i32
      %and3A_348 = vector.broadcast %and3A_347 : i32 to vector<16xi32>
      %and3A_349 = arith.andi %add3A_346, %and3A_348 : vector<16xi32>
      %add3A_350 = arith.addi %mul3A_25, %and3A_349 : vector<16xi32>
      %gather3A_351 = tpu.vector_load_idx %arg9[%div3A_20, %add3A_350] : memref<128x128xf32, #tpu.memory_space<vmem>>[vector<16xi32>, vector<16xi32>], vector<16xf32>,
      %gather3A_352 = tpu.vector_load_idx %arg10[%div3A_20, %add3A_350] : memref<128x128xf32, #tpu.memory_space<vmem>>[vector<16xi32>, vector<16xi32>], vector<16xf32>,
      %mul3A_353 = arith.mulf %gather3A_351, %gather3A_352 : vector<16xf32>
      %add3A_354 = arith.addf %add3A_343, %mul3A_353 : vector<16xf32>
      %add3A_355 = arith.constant 30 : i32
      %add3A_356 = vector.broadcast %add3A_355 : i32 to vector<16xi32>
      %add3A_357 = arith.addi %iota3A, %add3A_356 : vector<16xi32>
      %and3A_358 = arith.constant 31 : i32
      %and3A_359 = vector.broadcast %and3A_358 : i32 to vector<16xi32>
      %and3A_360 = arith.andi %add3A_357, %and3A_359 : vector<16xi32>
      %add3A_361 = arith.addi %mul3A_25, %and3A_360 : vector<16xi32>
      %gather3A_362 = tpu.vector_load_idx %arg9[%div3A_20, %add3A_361] : memref<128x128xf32, #tpu.memory_space<vmem>>[vector<16xi32>, vector<16xi32>], vector<16xf32>,
      %gather3A_363 = tpu.vector_load_idx %arg10[%div3A_20, %add3A_361] : memref<128x128xf32, #tpu.memory_space<vmem>>[vector<16xi32>, vector<16xi32>], vector<16xf32>,
      %mul3A_364 = arith.mulf %gather3A_362, %gather3A_363 : vector<16xf32>
      %add3A_365 = arith.addf %add3A_354, %mul3A_364 : vector<16xf32>
      %add3A_366 = arith.constant 31 : i32
      %add3A_367 = vector.broadcast %add3A_366 : i32 to vector<16xi32>
      %add3A_368 = arith.addi %iota3A, %add3A_367 : vector<16xi32>
      %and3A_369 = arith.constant 31 : i32
      %and3A_370 = vector.broadcast %and3A_369 : i32 to vector<16xi32>
      %and3A_371 = arith.andi %add3A_368, %and3A_370 : vector<16xi32>
      %add3A_372 = arith.addi %mul3A_25, %and3A_371 : vector<16xi32>
      %gather3A_373 = tpu.vector_load_idx %arg9[%div3A_20, %add3A_372] : memref<128x128xf32, #tpu.memory_space<vmem>>[vector<16xi32>, vector<16xi32>], vector<16xf32>,
      %gather3A_374 = tpu.vector_load_idx %arg10[%div3A_20, %add3A_372] : memref<128x128xf32, #tpu.memory_space<vmem>>[vector<16xi32>, vector<16xi32>], vector<16xf32>,
      %mul3A_375 = arith.mulf %gather3A_373, %gather3A_374 : vector<16xf32>
      %add3A_376 = arith.addf %add3A_365, %mul3A_375 : vector<16xf32>
      %neg3A = arith.constant 0.000000e+00 : f32
      %neg3A_377 = vector.broadcast %neg3A : f32 to vector<16xf32>
      %neg3A_378 = arith.subf %neg3A_377, %add3A_376 : vector<16xf32>
      %exp3A = math.exp %neg3A_378 : vector<16xf32>
      %add3A_379 = arith.constant 1.000000e+00 : f32
      %add3A_380 = vector.broadcast %add3A_379 : f32 to vector<16xf32>
      %add3A_381 = arith.addf %add3A_380, %exp3A : vector<16xf32>
      %div3A_382 = arith.constant 4.500000e+00 : f32
      %div3A_383 = vector.broadcast %div3A_382 : f32 to vector<16xf32>
      %div3A_384 = arith.divf %div3A_383, %add3A_381 : vector<16xf32>
      %add3A_385 = arith.constant 5.000000e-01 : f32
      %add3A_386 = vector.broadcast %add3A_385 : f32 to vector<16xf32>
      %add3A_387 = arith.addf %add3A_386, %div3A_384 : vector<16xf32>
      %mul3A_388 = arith.constant 16 : i32
      %mul3A_389 = arith.muli %scan3A_14, %mul3A_388 : i32
      %swap3A = arith.index_cast %mul3A_389 : i32 to index
      %swap3A_390 = tpu.vector_load %arg11[%swap3A] {strides = array<i32>} : memref<512xf32, #tpu.memory_space<vmem>>, vector<16xf32>,
      tpu.vector_store %arg11[%swap3A], %add3A_387 {strides = array<i32>} : memref<512xf32, #tpu.memory_space<vmem>>, vector<16xf32>,
    }
    %scan3A_13 = arith.constant 32 : i32
    "tpu.region"() ({
      %run_scoped3A = tpu.sem_alloc : memref<!tpu.dma_semaphore, #tpu.memory_space<semaphore_mem>>
      %dma_start3A = tpu.memref_slice %arg6[%mul3A_2] : memref<16384xf32, #tpu.memory_space<hbm>> -> memref<512xf32, #tpu.memory_space<hbm>>
      %dma_start3A_14 = tpu.memref_slice %arg6[%mul3A_2] : memref<16384xf32, #tpu.memory_space<hbm>> -> memref<512xf32, #tpu.memory_space<hbm>>
      tpu.enqueue_dma source(%arg11 : memref<512xf32, #tpu.memory_space<vmem>>) target(%dma_start3A_14 : memref<512xf32, #tpu.memory_space<hbm>>) target_semaphore(%run_scoped3A : memref<!tpu.dma_semaphore, #tpu.memory_space<semaphore_mem>>)
      %dma_wait3A = tpu.memref_slice %arg6[%mul3A_2] : memref<16384xf32, #tpu.memory_space<hbm>> -> memref<512xf32, #tpu.memory_space<hbm>>
      %dma_wait3A_15 = tpu.memref_slice %arg6[%mul3A_2] : memref<16384xf32, #tpu.memory_space<hbm>> -> memref<512xf32, #tpu.memory_space<hbm>>
      tpu.wait_dma2 semaphore(%run_scoped3A : memref<!tpu.dma_semaphore, #tpu.memory_space<semaphore_mem>>) src(%arg11 : memref<512xf32, #tpu.memory_space<vmem>>) dst(%dma_wait3A_15 : memref<512xf32, #tpu.memory_space<hbm>>)
      tpu.yield
    }) : () -> ()
    return
  }
}

</mosaic_0001>

<sc_bundles>
// kernel: kernel.3.cloned.1.call-start
scs
__scs_entry_jumppad:
0x0: {  	(pc) =	sbr.rel $0x88, $3  }
0x1: {  	(tag) =	ssettag $0x0;
	lr =	simm.s32 $0x1  }
0x2: {  	[smem:$0x3F9D] =	sst lr;
	_ =	strace $0xD0000000  }
0x3: {  	_ = 	snop  }
0x4: {  	_ = 	snop  }
0x5: {  	_ = 	snop  }
0x6: {  	_ = 	snop  }
0x7: {  	_ = 	snop  }
__scs_overlays_trampoline_lowered:
0x8: {  	[smem:$0x3FAC] =	sst s0  }
0x9: {  	[smem:$0x3FAD] =	sst s1  }
0xa: {  	[smem:$0x3FAE] =	sst s2  }
0xb: {  	[smem:$0x3FAF] =	sst s3  }
0xc: {  	[smem:$0x3FB0] =	sst s4  }
0xd: {  	[smem:$0x3FB1] =	sst s5  }
0xe: {  	[smem:$0x3FB2] =	sst s6  }
0xf: {  	[smem:$0x3FB3] =	sst s7  }
0x10: {  	[smem:$0x3FB4] =	sst s8  }
0x11: {  	[smem:$0x3FB5] =	sst s9;
	s0 =	simm.s32 @!p0 $0x0  }
0x12: {  	s1 =	sld [smem:$0x3F9B];
	s0 =	simm.s32 @p0 $0x1  }
0x13: {  	[smem:$0x3FB6] =	sst s0;
	s0 =	simm.s32 @!p1 $0x0  }
0x14: {  	s2 =	sld [smem:$0x3F9A];
	s0 =	simm.s32 @p1 $0x1  }
0x15: {  	[smem:$0x3FB7] =	sst s0;
	s0 =	simm.s32 @!p2 $0x0  }
0x16: {  	s3 =	sld [smem:$0x3FDB];
	s0 =	simm.s32 @p2 $0x1  }
0x17: {  	s4 =	simm.s32 $0x1BF5;
	[smem:$0x3FB9] =	sst s0  }
0x18: {  	s0 =	sld [smem:$0x3F9C];
	_ =	swait.ge [sflag:s4], $0x0  }
0x19: {  	s7 =	sld [smem:$0x3F9D]  }
0x1a: {  	s8 =	sadd.s32 $0xFFFFE003, lr  }
0x1b: {  	s9 =	sadd.s32 $0xFFFFFEF7, lr;
	s5 =	simm.s32 $0xFFFFFFFF;
	p2 =	slt.u32 s8, $0xFFFFF086  }
0x1c: {  	p1 =	slt.u32 s9, $0xF7A;
	s5 =	simm.s32 @!p2 $0x0  }
0x1d: {  	s5 =	simm.s32 @p1 $0x1;
	p0 =	seq.s32 s7, s2  }
0x1e: {  	s7 =	smul.u32 @!p0 $0xF7A, s2;
	p2 =	seq.s32 @!p0 s5, $0x0  }
0x1f: {  	s9 =	smul.u32 $0xF7A, s1;
	s8 =	simm.s32 @!p0 $0x1BF5;
	p2 =	por !p2, p0  }
0x20: {  	[sflag:s8] =	ssyncset.s32 @!p0 $0xFFFFF086;
	s6 =	sadd.s32 @!p0 s3, s7;
	s7 =	simm.s32 @!p0 $0x108  }
0x21: {  	s3 =	sadd.s32 s3, s9;
	s6 =	sadd.s32 @!p0 $0x88, s6;
	s7 =	simm.s32 @p2 $0x1082  }
0x22: {  	[simem:s7], [sflag:s8] =	dma.local @!p0 [hbm:s6], $0xF7A  }
0x23: {  	s9 =	sor.u32 $0xD0000000, s2;
	s6 =	simm.s32 $0x108;
	_ =	swait.ge @!p0 [sflag:s8], $0x0  }
0x24: {  	s3 =	sadd.s32 $0x88, s3;
	s6 =	simm.s32 @!p1 $0x1082;
	[sflag:s4] =	ssyncset.s32 $0xFFFFF086  }
0x25: {  	[simem:s6], [sflag:s4] =	dma.local [hbm:s3], $0xF7A  }
0x26: {  	[smem:$0x3F9D] =	sst s1;
	(tag) =	ssettag s2;
	_ =	strace s9  }
0x27: {  	s1 =	sld [smem:$0x3FAD]  }
0x28: {  	s2 =	sld [smem:$0x3FAE]  }
0x29: {  	s4 =	sld [smem:$0x3FB0]  }
0x2a: {  	p0 =	seq.s32 s5, $0x0;
	s5 =	sld [smem:$0x3FB1]  }
0x2b: {  	s6 =	sld [smem:$0x3FB2]  }
0x2c: {  	s7 =	sld [smem:$0x3FB3]  }
0x2d: {  	s3 =	simm.s32 $0x108;
	s8 =	sld [smem:$0x3FB4]  }
0x2e: {  	s3 =	simm.s32 @!p0 $0x1082;
	s9 =	sld [smem:$0x3FB5]  }
0x2f: {  	lr =	sadd.s32 s0, s3;
	s0 =	sld [smem:$0x3FAC]  }
0x30: {  	s3 =	sld [smem:$0x3FAF]  }
0x31: {  	[smem:$0x3FB8] =	sst s10  }
0x32: {  	s10 =	sld [smem:$0x3FB6];
	_ =	sdelay $0x3  }
0x33: {  	p0 =	seq.s32 s10, $0x1;
	s10 =	sld [smem:$0x3FB8];
	_ =	sdelay $0x3  }
0x34: {  	[smem:$0x3FB8] =	sst s10  }
0x35: {  	s10 =	sld [smem:$0x3FB7];
	_ =	sdelay $0x3  }
0x36: {  	p1 =	seq.s32 s10, $0x1;
	s10 =	sld [smem:$0x3FB8];
	_ =	sdelay $0x3  }
0x37: {  	[smem:$0x3FB8] =	sst s10  }
0x38: {  	s10 =	sld [smem:$0x3FB9]  }
0x39: {  	_ = 	snop;
	(pc) =	sbr.ind lr, $3  }
0x3a: {  	_ = 	snop  }
0x3b: {  	_ = 	snop  }
0x3c: {  	p2 =	seq.s32 s10, $0x1;
	s10 =	sld [smem:$0x3FB8]  }
0x3d: {  	_ =	shalt  }
0x3e: {  	_ =	shalt  }
0x3f: {  	_ =	shalt  }
0x40: {  	_ =	shalt  }
0x41: {  	_ =	shalt  }
0x42: {  	_ =	shalt  }
0x43: {  	_ =	shalt  }
0x44: {  	_ =	shalt  }
0x45: {  	_ =	shalt  }
0x46: {  	_ =	shalt  }
0x47: {  	_ =	shalt  }
0x48: {  	_ =	shalt  }
0x49: {  	_ =	shalt  }
0x4a: {  	_ =	shalt  }
0x4b: {  	_ =	shalt  }
0x4c: {  	_ =	shalt  }
0x4d: {  	_ =	shalt  }
0x4e: {  	_ =	shalt  }
0x4f: {  	_ =	shalt  }
0x50: {  	_ =	shalt  }
0x51: {  	_ =	shalt  }
0x52: {  	_ =	shalt  }
0x53: {  	_ =	shalt  }
0x54: {  	_ =	shalt  }
0x55: {  	_ =	shalt  }
0x56: {  	_ =	shalt  }
0x57: {  	_ =	shalt  }
0x58: {  	_ =	shalt  }
0x59: {  	_ =	shalt  }
0x5a: {  	_ =	shalt  }
0x5b: {  	_ =	shalt  }
0x5c: {  	_ =	shalt  }
0x5d: {  	_ =	shalt  }
0x5e: {  	_ =	shalt  }
0x5f: {  	_ =	shalt  }
0x60: {  	_ =	shalt  }
0x61: {  	_ =	shalt  }
0x62: {  	_ =	shalt  }
0x63: {  	_ =	shalt  }
0x64: {  	_ =	shalt  }
0x65: {  	_ =	shalt  }
0x66: {  	_ =	shalt  }
0x67: {  	_ =	shalt  }
0x68: {  	_ =	shalt  }
0x69: {  	_ =	shalt  }
0x6a: {  	_ =	shalt  }
0x6b: {  	_ =	shalt  }
0x6c: {  	_ =	shalt  }
0x6d: {  	_ =	shalt  }
0x6e: {  	_ =	shalt  }
0x6f: {  	_ =	shalt  }
0x70: {  	_ =	shalt  }
0x71: {  	_ =	shalt  }
0x72: {  	_ =	shalt  }
0x73: {  	_ =	shalt  }
0x74: {  	_ =	shalt  }
0x75: {  	_ =	shalt  }
0x76: {  	_ =	shalt  }
0x77: {  	_ =	shalt  }
0x78: {  	_ =	shalt  }
0x79: {  	_ =	shalt  }
0x7a: {  	_ =	shalt  }
0x7b: {  	_ =	shalt  }
0x7c: {  	_ =	shalt  }
0x7d: {  	_ =	shalt  }
0x7e: {  	_ =	shalt  }
0x7f: {  	_ =	shalt  }
0x80: {  	_ =	shalt  }
0x81: {  	_ =	shalt  }
0x82: {  	_ =	shalt  }
0x83: {  	_ =	shalt  }
0x84: {  	_ =	shalt  }
0x85: {  	_ =	shalt  }
0x86: {  	_ =	shalt  }
0x87: {  	_ =	shalt  }
.Lfunc_end0:
.L_simem_size_0:
called_computation_lowered:
.L_overlay_start_0:
0x88: {  	s2 =	sld [smem:$0x3FD9]  }
0x89: {  	s3 =	sld [smem:$0x3FFE];
	_ =	sdelay $0x1  }
0x8a: {  	s1 =	srdreg.scid  }
0x8b: {  	s0 =	sand.u32 $0x1, s1  }
0x8c: {  	s17 =	sshll.u32 s0, $0xA;
	s2 =	sadd.s32 s3, s2  }
0x8d: {  	s2 =	sadd.s32 s2, s17  }
0x8e: {  	[smem:$0x3FC4] =	sst s2  }
0x8f: {  	_ = 	snop  }
0x90: {  	s2 =	sld [smem:$0x3FC9]  }
0x91: {  	s18 =	sld [smem:$0x3FC8]  }
0x92: {  	s4 =	sld [smem:$0x3FD0];
	(tm) =	ssettm $0x1  }
0x93: {  	s5 =	sld [smem:$0x3FFB];
	_ =	sdelay $0x3  }
0x94: {  	_ =	strace s5  }
0x95: {  	s5 =	sld [smem:$0x3FFC];
	_ =	sdelay $0x3  }
0x96: {  	_ =	strace s5  }
0x97: {  	s5 =	sld [smem:$0x3FFD];
	_ =	sdelay $0x3  }
0x98: {  	_ =	strace s5  }
0x99: {  	_ =	strace $0x8FFFFFFF  }
0x9a: {  	s19 =	sld [smem:$0x3FDB];
	_ =	sdelay $0x1  }
0x9b: {  	s6 =	simm.s32 $_scs_section_size  }
0x9c: {  	s7 =	simm.s32 $_size__tile_overlayer_lowered;
	s8 =	simm.s32 $_tile_overlayer_lowered  }
0x9d: {  	s22 =	simm.s32 $0x1BFF;
	s21 =	sshll.u32 s8, $0x1;
	s5 =	sadd.s32 s6, s19  }
0x9e: {  	s9 =	simm.s32 $0x0;
	s20 =	sshll.u32 s7, $0x1;
	s7 =	sadd.s32 s21, s5  }
0x9f: {  	[timem:s9], [sflag:s22] =	dma.local [hbm:s7], s20  }
0xa0: {  	_ =	swait.ge [sflag:s22], s20  }
0xa1: {  	s6 =	ssub.s32 $0x0, s20;
	[sflag:s22] =	ssyncset.done $0x0  }
0xa2: {  	[sflag:s22] =	ssyncadd.s32 s6;
	_ =	sdelay $0x1  }
0xa3: {  	s23 =	simm.s32 $0x1B8B  }
0xa4: {  	_ =	swait.ge [sflag:s23], $0x1  }
0xa5: {  	[sflag:s23] =	ssyncset.done $0x0  }
0xa6: {  	s25 =	simm.s32 $0x1B8E;
	s24 =	sld [smem:$0x3FFE];
	[sflag:s23] =	ssyncadd.s32 $0xFFFFFFFF  }
0xa7: {  	s26 =	simm.s32 $execute0_lowered;
	[smem:$0x3FD2] =	sst s25  }
0xa8: {  	s7 =	sshll.u32 s26, $0x1;
	_ =	strace $0x80000046;
	[dreg:$0x1] =	wrdreg $0xFFFFFFFF  }
0xa9: {  	s28 =	simm.s32 $_size_execute0_lowered;
	s5 =	sadd.s32 s5, s7;
	[dreg:$0x0] =	wrdreg $0x0  }
0xaa: {  	s7 =	sshll.u32 s28, $0x1;
	[dreg:$0x2] =	wrdreg s5  }
0xab: {  	[dreg:$0x3] =	wrdreg s7  }
0xac: {  	[dreg:$0x4] =	wrdreg $0xC0  }
0xad: {  	_ =	task [dreg:s9], $0x5FFFF  }
0xae: {  	[dreg:$0x1] =	wrdreg $0xFFFFFFFF  }
0xaf: {  	[dreg:$0x0] =	wrdreg $0x60  }
0xb0: {  	[dreg:$0x2] =	wrdreg s2  }
0xb1: {  	[dreg:$0x3] =	wrdreg s18  }
0xb2: {  	[dreg:$0x4] =	wrdreg s24  }
0xb3: {  	[dreg:$0x5] =	wrdreg s4  }
0xb4: {  	[dreg:$0x6] =	wrdreg $0x9  }
0xb5: {  	_ =	task.clear_ibuf [dreg:s9], $0x7FFFF;
	_ =	strace $0x90000046  }
0xb6: {  	s29 =	simm.s32 $0x9;
	_ =	strace $0x80000048  }
0xb7: {  	_ =	swait.ge [sflag:s29], $0x1  }
0xb8: {  	[sflag:s29] =	ssyncadd.s32 $0xFFFFFFFF  }
0xb9: {  	_ =	strace $0x90000048  }
0xba: {  	_ =	sfence  }
0xbb: {  	s30 =	sld [smem:$0x0];
	_ =	sdelay $0x2  }
0xbc: {  	s31 =	sshll.u32 s1, $0xD;
	s1 =	sshrl.u32 s1, $0x2  }
0xbd: {  	s3 =	sand.u32 $0x4000, s31;
	s1 =	sadd.s32 s1, s30  }
0xbe: {  	s0 =	sor.u32 s3, s0;
	s1 =	sshll.u32 s1, $0x11  }
0xbf: {  	s0 =	sor.u32 s1, s0  }
0xc0: {  	s0 =	sadd.s32 $0x8F2B, s0  }
0xc1: {  	[sflag:s0] =	ssyncadd.remote.s32 $0x1  }
0xc2: {  	_ =	sfence.sel $0xFFFF  }
0xc3: {  	[dreg:$0x0] =	wrdreg $0xFFFFFFFF;
	(pc) =	sbr.abs _section_cstart, $3  }
0xc4: {  	[dreg:$0x1] =	wrdreg $0xFFFFFFFF  }
0xc5: {  	_ =	task.clear_ibuf [dreg:s9], $0x2FFFF;
	_ =	strace $0x9FFFFFFF  }
0xc6: {  	(tm) =	ssettm $0x7FFFFFFF  }
0xc7: {  	_ =	shalt  }
tec
execute0_lowered:
.L_overlay_start_1:
0x0: {  	(tag) =	ssettag $0x1  }
0x1: {  	v0 =	vlaneseq.u32;
	v1 =	vimm.s32 $0x6F4E2D0C;
	v2 =	vimm.s32 $0x6B4A2908  }
0x2: {  	vm0 =	vcmask $0x1F10;
	v3 =	vimm.s32 $0x704F2E0D;
	v7 =	vimm.s32 $0x71502F0E  }
0x3: {  	v8 =	vimm.s32 $0x6D4C2B0A;
	v9 =	vimm.s32 $0x7251300F;
	v11 =	vimm.s32 $0x73523110  }
0x4: {  	v26 =	vimm.s32 $0x74533211;
	v27 =	vimm.s32 $0x75543312;
	v29 =	vimm.s32 $0x7B5A3918  }
0x5: {  	v40 =	vimm.s32 $0x7E5D3C1B;
	v41 =	vimm.s32 $0x7F5E3D1C;
	v43 =	vimm.s32 $0x61403F1E  }
0x6: {  	v44 =	vimm.s32 $0x6241201F;
	v13 =	vunpack.c.0.s8.s32 v1;
	v14 =	vunpack.c.0.s8.s32 v2  }
0x7: {  	v1 =	vimm.s32 $0x63422100;
	v2 =	vimm.s32 $0x67462504;
	v16 =	vunpack.c.0.s8.s32 v3  }
0x8: {  	v3 =	vimm.s32 $0x68472605;
	v19 =	vunpack.c.0.s8.s32 v7;
	v20 =	vunpack.c.0.s8.s32 v8  }
0x9: {  	v7 =	vimm.s32 $0x65442302;
	v8 =	vimm.s32 $0x69482706;
	v22 =	vunpack.c.0.s8.s32 v9  }
0xa: {  	v9 =	vimm.s32 $0x6A492807;
	v25 =	vunpack.c.0.s8.s32 v11;
	v26 =	vunpack.c.0.s8.s32 v26  }
0xb: {  	v31 =	vunpack.c.0.s8.s32 v27;
	v27 =	vimm.s32 $0x76553413;
	v29 =	vunpack.c.0.s8.s32 v29  }
0xc: {  	v40 =	vunpack.c.0.s8.s32 v40;
	v41 =	vunpack.c.0.s8.s32 v41;
	v43 =	vunpack.c.0.s8.s32 v43  }
0xd: {  	v44 =	vunpack.c.0.s8.s32 v44;
	v4 =	vunpack.c.0.s8.s32 v1;
	v15 =	vunpack.c.0.s8.s32 v2  }
0xe: {  	v1 =	vimm.s32 $0x6C4B2A09;
	v2 =	vimm.s32 $0x64432201;
	v18 =	vunpack.c.0.s8.s32 v3  }
0xf: {  	v21 =	vunpack.c.0.s8.s32 v8;
	v8 =	vimm.s32 $0x6E4D2C0B;
	v24 =	vunpack.c.0.s8.s32 v9  }
0x10: {  	v34 =	vunpack.c.0.s8.s32 v27;
	v27 =	vimm.s32 $0x77563514;
	v17 =	vunpack.c.0.s8.s32 v1  }
0x11: {  	v1 =	vunpack.c.0.s8.s32 v2;
	v2 =	vmul.u32 $0x20, v0;
	v0 =	vsel vm0, v13, v14  }
0x12: {  	v23 =	vunpack.c.0.s8.s32 v8;
	v8 =	vimm.s32 $0x66452403;
	v33 =	vsel vm0, v19, v20  }
0x13: {  	v35 =	vunpack.c.0.s8.s32 v27;
	v27 =	vimm.s32 $0x78573615;
	[tilespmem:$0x1FF10] =	vst v4;
	v3 =	vsel vm0, v15, v4  }
0x14: {  	v37 =	vsel vm0, v25, v13;
	v38 =	vunpack.c.0.s8.s32 v27;
	[tilespmem:$0x1FF20] =	vst v3;
	v4 =	vcombine.low v3, v0  }
0x15: {  	v30 =	vsel vm0, v16, v17;
	[tilespmem:$0x1FF30] =	vst v1;
	v1 =	vsel vm0, v18, v1;
	v3 =	vunpack.c.0.s8.s32 v8  }
0x16: {  	s5 =	rddreg [dreg:$0x0];
	v36 =	vsel vm0, v22, v23;
	[tilespmem:$0x1FF40] =	vst v1;
	v6 =	vcombine.low v1, v30;
	v1 =	vunpack.c.0.s8.s32 v7  }
0x17: {  	s6 =	rddreg [dreg:$0x1];
	v5 =	vsel vm0, v17, v18;
	v7 =	vsel vm0, v23, v24;
	[tilespmem:$0x1FF60] =	vst v3;
	v3 =	vsel vm0, v24, v3  }
0x18: {  	s4 =	rddreg [dreg:$0x2];
	v24 =	vsel vm0, v35, v25;
	v35 =	vsel vm0, v29, v35;
	[tilespmem:$0x1FF50] =	vst v1;
	v1 =	vsel vm0, v21, v1  }
0x19: {  	s7 =	rddreg [dreg:$0x3];
	[tilespmem:$0x1FF80] =	vst v3;
	v12 =	vcombine.low v3, v36;
	v3 =	vsel vm0, v26, v16;
	v25 =	vcombine.low v0, v24  }
0x1a: {  	s0 =	rddreg [dreg:$0x4];
	s1 =	simm.s32 $0x0;
	v26 =	vsel vm0, v38, v26;
	v0 =	vimm.s32 $0x79583716;
	[tilespmem:$0x1FF70] =	vst v1;
	v11 =	vcombine.low v1, v33  }
0x1b: {  	s8 =	srdreg.scid;
	s2 =	stileid.u32;
	s12 =	simm.s32 $0x1;
	v1 =	vsel vm0, v14, v15;
	[tilespmem:$0x1FFA0] =	vst v3;
	v17 =	vcombine.low v5, v3;
	v3 =	vsel vm0, v20, v21  }
0x1c: {  	s13 =	simm.s32 $0x4400;
	s14 =	simm.s32 $0x8400;
	s15 =	simm.s32 $0x0;
	[tilespmem:$0x1FFB0] =	vst v5;
	v5 =	vsel vm0, v34, v22;
	v27 =	vunpack.c.0.s8.s32 v0;
	v0 =	vimm.s32 $0x7A593817  }
0x1d: {  	[smem:$0x7FF] =	sst s1;
	s3 =	sadd.s32 $0x400, s4;
	s8 =	sand.u32 $0x1, s8;
	v30 =	vcombine.low v30, v26;
	[tilespmem:$0x1FF90] =	vst v1;
	v16 =	vcombine.low v1, v37;
	v1 =	vsel vm0, v31, v19  }
0x1e: {  	s10 =	sshll.u32 s2, $0x7;
	s9 =	ssub.s32 $0x2, s8;
	s8 =	sshll.u32 s8, $0x6;
	[tilespmem:$0x1FFF0] =	vst v7;
	v23 =	vcombine.low v7, v5;
	v28 =	vunpack.c.0.s8.s32 v0;
	v0 =	vimm.s32 $0x7C5B3A19  }
0x1f: {  	s4 =	sadd.s32 $0xF42800, s4;
	s11 =	sshrl.u32 s9, $0x1;
	s8 =	sor.u32 s8, s10;
	[tilespmem:$0x1FFD0] =	vst v3;
	v37 =	vcombine.low v37, v35;
	v22 =	vcombine.low v3, v1;
	v31 =	vsel vm0, v27, v31  }
0x20: {  	s10 =	simm.s32 $0x2;
	s9 =	ssub.s32 s9, s11;
	s5 =	sadd.s32 s5, s8;
	[tilespmem:$0x1FFE0] =	vst v5;
	v32 =	vunpack.c.0.s8.s32 v0;
	v0 =	vimm.s32 $0x7D5C3B1A;
	v33 =	vcombine.low v33, v31  }
0x21: {  	s6 =	sadd.s32 s6, s8;
	s7 =	sadd.s32 s7, s8;
	s11 =	simm.s32 $0x80;
	[tilespmem:$0x1FFC0] =	vst v1;
	v34 =	vsel vm0, v28, v34;
	v39 =	vunpack.c.0.s8.s32 v0;
	v0 =	vimm.s32 $0x605F3E1D  }
0x22: {  	s8 =	smax.u32 s9, $0x1;
	s9 =	simm.s32 $0x400;
	_ =	strace $0x80000047;
	v36 =	vcombine.low v36, v34;
	v38 =	vsel vm0, v32, v38;
	v42 =	vunpack.c.0.s8.s32 v0  }
.LBB2_1:
0x23: {  	[tilespmem:s1], [sflag:$0x2] =	stream.linear.gather [hbm4b:s5+s1], $0x200, $0x38;
	[tilespmem:$0x8600] =	vst v63  }
0x24: {  	_ =	swait.ge [sflag:s10], $0x200  }
0x25: {  	[sflag:s10] =	ssyncset.done $0x0  }
0x26: {  	s16 =	simm.s32 $0x200;
	[sflag:s10] =	ssyncadd.s32 $0xFFFFFE00  }
0x27: {  	[tilespmem:s16], [sflag:$0x2] =	stream.linear.gather [hbm4b:s6+s1], $0x200, $0x38;
	[tilespmem:$0x8600] =	vst v63  }
0x28: {  	_ =	swait.ge [sflag:s10], $0x200  }
0x29: {  	[sflag:s10] =	ssyncset.done $0x0  }
0x2a: {  	[sflag:s10] =	ssyncadd.s32 $0xFFFFFE00  }
0x2b: {  	v0 =	vld [tilespmem:s1+$0x0];
	_ =	sdelay $0x1  }
0x2c: {  	v46 =	vld [tilespmem:s16+$0x0];
	_ =	sdelay $0x2  }
0x2d: {  	v45 =	vshll.u32 v0, $0x4  }
0x2e: {  	(v2sf) =	vpush v45, $0x0  }
0x2f: {  	v0 =	vshll.u32 v46, $0x4;
	(v2sf) =	vpush v45, $0x1  }
0x30: {  	(v2sf) =	vpush v0, $0x0;
	_ =	sdelay $0x7  }
0x31: {  	(v2sf) =	vpush v0, $0x1;
	_ =	sdelay $0x3  }
0x32: {  	(v2sf) =	vpush v45, $0x2  }
0x33: {  	s17 =	spop (v2sf)  }
0x34: {  	s17 =	sand.u32 $0x1FFFFFF0, s17;
	s18 =	spop (v2sf)  }
0x35: {  	s19 =	simm.s32 $0x400;
	s17 =	sadd.s32 s3, s17;
	s20 =	spop (v2sf)  }
0x36: {  	(v2sf) =	vpush v0, $0x2;
	[tilespmem:s19], [sflag:$0x1] =	stream.strided.gather [hbm4b:s17+s11], $0x0, s9, s11, $0x38;
	[tilespmem:$0x8600] =	vst v63  }
0x37: {  	s20 =	sand.u32 $0x1FFFFFF0, s20  }
0x38: {  	[tilespmem:s19], [sflag:$0x1] =	stream.linear.gather [hbm4b:s17+s1], $0x20, $0x38;
	[tilespmem:$0x8600] =	vst v63  }
0x39: {  	s30 =	simm.s32 $0x4400;
	s31 =	sadd.s32 s4, s20  }
0x3a: {  	(v2sf) =	vpush v45, $0x3;
	[tilespmem:s30], [sflag:$0x1] =	stream.strided.gather [hbm4b:s31+s11], $0x0, s9, s11, $0x38;
	[tilespmem:$0x8600] =	vst v63  }
0x3b: {  	s18 =	sand.u32 $0x1FFFFFF0, s18  }
0x3c: {  	[tilespmem:s30], [sflag:$0x1] =	stream.linear.gather [hbm4b:s31+s1], $0x20, $0x38;
	[tilespmem:$0x8600] =	vst v63  }
0x3d: {  	s18 =	sadd.s32 s3, s18;
	s20 =	simm.s32 $0x420;
	s19 =	spop (v2sf)  }
0x3e: {  	(v2sf) =	vpush v0, $0x3;
	[tilespmem:s20], [sflag:$0x1] =	stream.strided.gather [hbm4b:s18+s11], $0x0, s9, s11, $0x38;
	[tilespmem:$0x8600] =	vst v63  }
0x3f: {  	s17 =	sand.u32 $0x1FFFFFF0, s19  }
0x40: {  	[tilespmem:s20], [sflag:$0x1] =	stream.linear.gather [hbm4b:s18+s1], $0x20, $0x38;
	[tilespmem:$0x8600] =	vst v63  }
0x41: {  	s22 =	simm.s32 $0x4420;
	s21 =	spop (v2sf);
	s17 =	sadd.s32 s4, s17  }
0x42: {  	(v2sf) =	vpush v45, $0x4;
	[tilespmem:s22], [sflag:$0x1] =	stream.strided.gather [hbm4b:s17+s11], $0x0, s9, s11, $0x38;
	[tilespmem:$0x8600] =	vst v63  }
0x43: {  	s18 =	sand.u32 $0x1FFFFFF0, s21  }
0x44: {  	[tilespmem:s22], [sflag:$0x1] =	stream.linear.gather [hbm4b:s17+s1], $0x20, $0x38;
	[tilespmem:$0x8600] =	vst v63  }
0x45: {  	s24 =	simm.s32 $0x440;
	s18 =	sadd.s32 s3, s18;
	s23 =	spop (v2sf)  }
0x46: {  	(v2sf) =	vpush v0, $0x4;
	[tilespmem:s24], [sflag:$0x1] =	stream.strided.gather [hbm4b:s18+s11], $0x0, s9, s11, $0x38;
	[tilespmem:$0x8600] =	vst v63  }
0x47: {  	s17 =	sand.u32 $0x1FFFFFF0, s23  }
0x48: {  	[tilespmem:s24], [sflag:$0x1] =	stream.linear.gather [hbm4b:s18+s1], $0x20, $0x38;
	[tilespmem:$0x8600] =	vst v63  }
0x49: {  	s26 =	simm.s32 $0x4440;
	s25 =	spop (v2sf);
	s17 =	sadd.s32 s4, s17  }
0x4a: {  	(v2sf) =	vpush v45, $0x5;
	[tilespmem:s26], [sflag:$0x1] =	stream.strided.gather [hbm4b:s17+s11], $0x0, s9, s11, $0x38;
	[tilespmem:$0x8600] =	vst v63  }
0x4b: {  	s18 =	sand.u32 $0x1FFFFFF0, s25  }
0x4c: {  	[tilespmem:s26], [sflag:$0x1] =	stream.linear.gather [hbm4b:s17+s1], $0x20, $0x38;
	[tilespmem:$0x8600] =	vst v63  }
0x4d: {  	s29 =	simm.s32 $0x460;
	s28 =	spop (v2sf);
	s18 =	sadd.s32 s3, s18  }
0x4e: {  	(v2sf) =	vpush v0, $0x5;
	[tilespmem:s29], [sflag:$0x1] =	stream.strided.gather [hbm4b:s18+s11], $0x0, s9, s11, $0x38;
	[tilespmem:$0x8600] =	vst v63  }
0x4f: {  	s17 =	sand.u32 $0x1FFFFFF0, s28  }
0x50: {  	[tilespmem:s29], [sflag:$0x1] =	stream.linear.gather [hbm4b:s18+s1], $0x20, $0x38;
	[tilespmem:$0x8600] =	vst v63  }
0x51: {  	s31 =	simm.s32 $0x4460;
	s30 =	spop (v2sf);
	s17 =	sadd.s32 s4, s17  }
0x52: {  	(v2sf) =	vpush v45, $0x6;
	[tilespmem:s31], [sflag:$0x1] =	stream.strided.gather [hbm4b:s17+s11], $0x0, s9, s11, $0x38;
	[tilespmem:$0x8600] =	vst v63  }
0x53: {  	s18 =	sand.u32 $0x1FFFFFF0, s30  }
0x54: {  	[tilespmem:s31], [sflag:$0x1] =	stream.linear.gather [hbm4b:s17+s1], $0x20, $0x38;
	[tilespmem:$0x8600] =	vst v63  }
0x55: {  	s20 =	simm.s32 $0x480;
	s19 =	spop (v2sf);
	s18 =	sadd.s32 s3, s18  }
0x56: {  	(v2sf) =	vpush v0, $0x6;
	[tilespmem:s20], [sflag:$0x1] =	stream.strided.gather [hbm4b:s18+s11], $0x0, s9, s11, $0x38;
	[tilespmem:$0x8600] =	vst v63  }
0x57: {  	s17 =	sand.u32 $0x1FFFFFF0, s19  }
0x58: {  	[tilespmem:s20], [sflag:$0x1] =	stream.linear.gather [hbm4b:s18+s1], $0x20, $0x38;
	[tilespmem:$0x8600] =	vst v63  }
0x59: {  	s22 =	simm.s32 $0x4480;
	s21 =	spop (v2sf);
	s17 =	sadd.s32 s4, s17  }
0x5a: {  	(v2sf) =	vpush v45, $0x7;
	[tilespmem:s22], [sflag:$0x1] =	stream.strided.gather [hbm4b:s17+s11], $0x0, s9, s11, $0x38;
	[tilespmem:$0x8600] =	vst v63  }
0x5b: {  	s18 =	sand.u32 $0x1FFFFFF0, s21  }
0x5c: {  	[tilespmem:s22], [sflag:$0x1] =	stream.linear.gather [hbm4b:s17+s1], $0x20, $0x38;
	[tilespmem:$0x8600] =	vst v63  }
0x5d: {  	s24 =	simm.s32 $0x4A0;
	s23 =	spop (v2sf);
	s18 =	sadd.s32 s3, s18  }
0x5e: {  	(v2sf) =	vpush v0, $0x7;
	[tilespmem:s24], [sflag:$0x1] =	stream.strided.gather [hbm4b:s18+s11], $0x0, s9, s11, $0x38;
	[tilespmem:$0x8600] =	vst v63  }
0x5f: {  	s17 =	sand.u32 $0x1FFFFFF0, s23  }
0x60: {  	[tilespmem:s24], [sflag:$0x1] =	stream.linear.gather [hbm4b:s18+s1], $0x20, $0x38;
	[tilespmem:$0x8600] =	vst v63  }
0x61: {  	s26 =	simm.s32 $0x44A0;
	s25 =	spop (v2sf);
	s17 =	sadd.s32 s4, s17  }
0x62: {  	(v2sf) =	vpush v45, $0x8;
	[tilespmem:s26], [sflag:$0x1] =	stream.strided.gather [hbm4b:s17+s11], $0x0, s9, s11, $0x38;
	[tilespmem:$0x8600] =	vst v63  }
0x63: {  	s18 =	sand.u32 $0x1FFFFFF0, s25  }
0x64: {  	[tilespmem:s26], [sflag:$0x1] =	stream.linear.gather [hbm4b:s17+s1], $0x20, $0x38;
	[tilespmem:$0x8600] =	vst v63  }
0x65: {  	s29 =	simm.s32 $0x4C0;
	s28 =	spop (v2sf);
	s18 =	sadd.s32 s3, s18  }
0x66: {  	(v2sf) =	vpush v0, $0x8;
	[tilespmem:s29], [sflag:$0x1] =	stream.strided.gather [hbm4b:s18+s11], $0x0, s9, s11, $0x38;
	[tilespmem:$0x8600] =	vst v63  }
0x67: {  	s17 =	sand.u32 $0x1FFFFFF0, s28  }
0x68: {  	[tilespmem:s29], [sflag:$0x1] =	stream.linear.gather [hbm4b:s18+s1], $0x20, $0x38;
	[tilespmem:$0x8600] =	vst v63  }
0x69: {  	s31 =	simm.s32 $0x44C0;
	s30 =	spop (v2sf);
	s17 =	sadd.s32 s4, s17  }
0x6a: {  	(v2sf) =	vpush v45, $0x9;
	[tilespmem:s31], [sflag:$0x1] =	stream.strided.gather [hbm4b:s17+s11], $0x0, s9, s11, $0x38;
	[tilespmem:$0x8600] =	vst v63  }
0x6b: {  	s18 =	sand.u32 $0x1FFFFFF0, s30  }
0x6c: {  	[tilespmem:s31], [sflag:$0x1] =	stream.linear.gather [hbm4b:s17+s1], $0x20, $0x38;
	[tilespmem:$0x8600] =	vst v63  }
0x6d: {  	s20 =	simm.s32 $0x4E0;
	s19 =	spop (v2sf);
	s18 =	sadd.s32 s3, s18  }
0x6e: {  	(v2sf) =	vpush v0, $0x9;
	[tilespmem:s20], [sflag:$0x1] =	stream.strided.gather [hbm4b:s18+s11], $0x0, s9, s11, $0x38;
	[tilespmem:$0x8600] =	vst v63  }
0x6f: {  	s17 =	sand.u32 $0x1FFFFFF0, s19  }
0x70: {  	[tilespmem:s20], [sflag:$0x1] =	stream.linear.gather [hbm4b:s18+s1], $0x20, $0x38;
	[tilespmem:$0x8600] =	vst v63  }
0x71: {  	s22 =	simm.s32 $0x44E0;
	s21 =	spop (v2sf);
	s17 =	sadd.s32 s4, s17  }
0x72: {  	(v2sf) =	vpush v45, $0xA;
	[tilespmem:s22], [sflag:$0x1] =	stream.strided.gather [hbm4b:s17+s11], $0x0, s9, s11, $0x38;
	[tilespmem:$0x8600] =	vst v63  }
0x73: {  	s18 =	sand.u32 $0x1FFFFFF0, s21  }
0x74: {  	[tilespmem:s22], [sflag:$0x1] =	stream.linear.gather [hbm4b:s17+s1], $0x20, $0x38;
	[tilespmem:$0x8600] =	vst v63  }
0x75: {  	s24 =	simm.s32 $0x500;
	s23 =	spop (v2sf);
	s18 =	sadd.s32 s3, s18  }
0x76: {  	(v2sf) =	vpush v0, $0xA;
	[tilespmem:s24], [sflag:$0x1] =	stream.strided.gather [hbm4b:s18+s11], $0x0, s9, s11, $0x38;
	[tilespmem:$0x8600] =	vst v63  }
0x77: {  	s17 =	sand.u32 $0x1FFFFFF0, s23  }
0x78: {  	[tilespmem:s24], [sflag:$0x1] =	stream.linear.gather [hbm4b:s18+s1], $0x20, $0x38;
	[tilespmem:$0x8600] =	vst v63  }
0x79: {  	s26 =	simm.s32 $0x4500;
	s25 =	spop (v2sf);
	s17 =	sadd.s32 s4, s17  }
0x7a: {  	(v2sf) =	vpush v45, $0xB;
	[tilespmem:s26], [sflag:$0x1] =	stream.strided.gather [hbm4b:s17+s11], $0x0, s9, s11, $0x38;
	[tilespmem:$0x8600] =	vst v63  }
0x7b: {  	s18 =	sand.u32 $0x1FFFFFF0, s25  }
0x7c: {  	[tilespmem:s26], [sflag:$0x1] =	stream.linear.gather [hbm4b:s17+s1], $0x20, $0x38;
	[tilespmem:$0x8600] =	vst v63  }
0x7d: {  	s29 =	simm.s32 $0x520;
	s28 =	spop (v2sf);
	s18 =	sadd.s32 s3, s18  }
0x7e: {  	(v2sf) =	vpush v0, $0xB;
	[tilespmem:s29], [sflag:$0x1] =	stream.strided.gather [hbm4b:s18+s11], $0x0, s9, s11, $0x38;
	[tilespmem:$0x8600] =	vst v63  }
0x7f: {  	s17 =	sand.u32 $0x1FFFFFF0, s28  }
0x80: {  	[tilespmem:s29], [sflag:$0x1] =	stream.linear.gather [hbm4b:s18+s1], $0x20, $0x38;
	[tilespmem:$0x8600] =	vst v63  }
0x81: {  	s31 =	simm.s32 $0x4520;
	s30 =	spop (v2sf);
	s17 =	sadd.s32 s4, s17  }
0x82: {  	(v2sf) =	vpush v45, $0xC;
	[tilespmem:s31], [sflag:$0x1] =	stream.strided.gather [hbm4b:s17+s11], $0x0, s9, s11, $0x38;
	[tilespmem:$0x8600] =	vst v63  }
0x83: {  	s18 =	sand.u32 $0x1FFFFFF0, s30  }
0x84: {  	[tilespmem:s31], [sflag:$0x1] =	stream.linear.gather [hbm4b:s17+s1], $0x20, $0x38;
	[tilespmem:$0x8600] =	vst v63  }
0x85: {  	s20 =	simm.s32 $0x540;
	s19 =	spop (v2sf);
	s18 =	sadd.s32 s3, s18  }
0x86: {  	(v2sf) =	vpush v0, $0xC;
	[tilespmem:s20], [sflag:$0x1] =	stream.strided.gather [hbm4b:s18+s11], $0x0, s9, s11, $0x38;
	[tilespmem:$0x8600] =	vst v63  }
0x87: {  	s17 =	sand.u32 $0x1FFFFFF0, s19  }
0x88: {  	[tilespmem:s20], [sflag:$0x1] =	stream.linear.gather [hbm4b:s18+s1], $0x20, $0x38;
	[tilespmem:$0x8600] =	vst v63  }
0x89: {  	s22 =	simm.s32 $0x4540;
	s21 =	spop (v2sf);
	s17 =	sadd.s32 s4, s17  }
0x8a: {  	(v2sf) =	vpush v45, $0xD;
	[tilespmem:s22], [sflag:$0x1] =	stream.strided.gather [hbm4b:s17+s11], $0x0, s9, s11, $0x38;
	[tilespmem:$0x8600] =	vst v63  }
0x8b: {  	s18 =	sand.u32 $0x1FFFFFF0, s21  }
0x8c: {  	[tilespmem:s22], [sflag:$0x1] =	stream.linear.gather [hbm4b:s17+s1], $0x20, $0x38;
	[tilespmem:$0x8600] =	vst v63  }
0x8d: {  	s24 =	simm.s32 $0x560;
	s23 =	spop (v2sf);
	s18 =	sadd.s32 s3, s18  }
0x8e: {  	(v2sf) =	vpush v0, $0xD;
	[tilespmem:s24], [sflag:$0x1] =	stream.strided.gather [hbm4b:s18+s11], $0x0, s9, s11, $0x38;
	[tilespmem:$0x8600] =	vst v63  }
0x8f: {  	s17 =	sand.u32 $0x1FFFFFF0, s23  }
0x90: {  	[tilespmem:s24], [sflag:$0x1] =	stream.linear.gather [hbm4b:s18+s1], $0x20, $0x38;
	[tilespmem:$0x8600] =	vst v63  }
0x91: {  	s26 =	simm.s32 $0x4560;
	s25 =	spop (v2sf);
	s17 =	sadd.s32 s4, s17  }
0x92: {  	(v2sf) =	vpush v45, $0xE;
	[tilespmem:s26], [sflag:$0x1] =	stream.strided.gather [hbm4b:s17+s11], $0x0, s9, s11, $0x38;
	[tilespmem:$0x8600] =	vst v63  }
0x93: {  	s18 =	sand.u32 $0x1FFFFFF0, s25  }
0x94: {  	[tilespmem:s26], [sflag:$0x1] =	stream.linear.gather [hbm4b:s17+s1], $0x20, $0x38;
	[tilespmem:$0x8600] =	vst v63  }
0x95: {  	s29 =	simm.s32 $0x580;
	s28 =	spop (v2sf);
	s18 =	sadd.s32 s3, s18  }
0x96: {  	(v2sf) =	vpush v0, $0xE;
	[tilespmem:s29], [sflag:$0x1] =	stream.strided.gather [hbm4b:s18+s11], $0x0, s9, s11, $0x38;
	[tilespmem:$0x8600] =	vst v63  }
0x97: {  	s17 =	sand.u32 $0x1FFFFFF0, s28  }
0x98: {  	[tilespmem:s29], [sflag:$0x1] =	stream.linear.gather [hbm4b:s18+s1], $0x20, $0x38;
	[tilespmem:$0x8600] =	vst v63  }
0x99: {  	s31 =	simm.s32 $0x4580;
	s30 =	spop (v2sf);
	s17 =	sadd.s32 s4, s17  }
0x9a: {  	(v2sf) =	vpush v45, $0xF;
	[tilespmem:s31], [sflag:$0x1] =	stream.strided.gather [hbm4b:s17+s11], $0x0, s9, s11, $0x38;
	[tilespmem:$0x8600] =	vst v63  }
0x9b: {  	s18 =	sand.u32 $0x1FFFFFF0, s30  }
0x9c: {  	[tilespmem:s31], [sflag:$0x1] =	stream.linear.gather [hbm4b:s17+s1], $0x20, $0x38;
	[tilespmem:$0x8600] =	vst v63  }
0x9d: {  	s21 =	simm.s32 $0x5A0;
	s20 =	spop (v2sf);
	s18 =	sadd.s32 s3, s18  }
0x9e: {  	(v2sf) =	vpush v0, $0xF;
	[tilespmem:s21], [sflag:$0x1] =	stream.strided.gather [hbm4b:s18+s11], $0x0, s9, s11, $0x38;
	[tilespmem:$0x8600] =	vst v63  }
0x9f: {  	s17 =	sand.u32 $0x1FFFFFF0, s20  }
0xa0: {  	[tilespmem:s21], [sflag:$0x1] =	stream.linear.gather [hbm4b:s18+s1], $0x20, $0x38;
	[tilespmem:$0x8600] =	vst v63  }
0xa1: {  	s23 =	simm.s32 $0x45A0;
	s22 =	spop (v2sf);
	s17 =	sadd.s32 s4, s17  }
0xa2: {  	[tilespmem:s23], [sflag:$0x1] =	stream.strided.gather [hbm4b:s17+s11], $0x0, s9, s11, $0x38;
	[tilespmem:$0x8600] =	vst v63  }
0xa3: {  	s18 =	sand.u32 $0x1FFFFFF0, s22  }
0xa4: {  	[tilespmem:s23], [sflag:$0x1] =	stream.linear.gather [hbm4b:s17+s1], $0x20, $0x38;
	[tilespmem:$0x8600] =	vst v63  }
0xa5: {  	s25 =	simm.s32 $0x5C0;
	s24 =	spop (v2sf);
	s18 =	sadd.s32 s3, s18  }
0xa6: {  	[tilespmem:s25], [sflag:$0x1] =	stream.strided.gather [hbm4b:s18+s11], $0x0, s9, s11, $0x38;
	[tilespmem:$0x8600] =	vst v63  }
0xa7: {  	s17 =	sand.u32 $0x1FFFFFF0, s24  }
0xa8: {  	[tilespmem:s25], [sflag:$0x1] =	stream.linear.gather [hbm4b:s18+s1], $0x20, $0x38;
	[tilespmem:$0x8600] =	vst v63  }
0xa9: {  	s28 =	simm.s32 $0x45C0;
	s26 =	spop (v2sf);
	s17 =	sadd.s32 s4, s17  }
0xaa: {  	[tilespmem:s28], [sflag:$0x1] =	stream.strided.gather [hbm4b:s17+s11], $0x0, s9, s11, $0x38;
	[tilespmem:$0x8600] =	vst v63  }
0xab: {  	s18 =	sand.u32 $0x1FFFFFF0, s26  }
0xac: {  	[tilespmem:s28], [sflag:$0x1] =	stream.linear.gather [hbm4b:s17+s1], $0x20, $0x38;
	[tilespmem:$0x8600] =	vst v63  }
0xad: {  	s30 =	simm.s32 $0x5E0;
	s29 =	spop (v2sf);
	s18 =	sadd.s32 s3, s18  }
0xae: {  	[tilespmem:s30], [sflag:$0x1] =	stream.strided.gather [hbm4b:s18+s11], $0x0, s9, s11, $0x38;
	[tilespmem:$0x8600] =	vst v63  }
0xaf: {  	s17 =	sand.u32 $0x1FFFFFF0, s29  }
0xb0: {  	[tilespmem:s30], [sflag:$0x1] =	stream.linear.gather [hbm4b:s18+s1], $0x20, $0x38;
	[tilespmem:$0x8600] =	vst v63  }
0xb1: {  	s31 =	simm.s32 $0x45E0;
	s17 =	sadd.s32 s4, s17  }
0xb2: {  	[tilespmem:s31], [sflag:$0x1] =	stream.strided.gather [hbm4b:s17+s11], $0x0, s9, s11, $0x38;
	[tilespmem:$0x8600] =	vst v63  }
0xb3: {  	_ = 	snop  }
0xb4: {  	[tilespmem:s31], [sflag:$0x1] =	stream.linear.gather [hbm4b:s17+s1], $0x20, $0x38;
	[tilespmem:$0x8600] =	vst v63  }
0xb5: {  	_ =	swait.ge [sflag:s12], $0x20  }
0xb6: {  	[sflag:s12] =	ssyncset.done $0x0  }
0xb7: {  	[sflag:s12] =	ssyncadd.s32 $0xFFFFFFE0  }
0xb8: {  	_ =	swait.ge [sflag:s12], $0x20  }
0xb9: {  	[sflag:s12] =	ssyncset.done $0x0  }
0xba: {  	[sflag:s12] =	ssyncadd.s32 $0xFFFFFFE0  }
0xbb: {  	_ =	swait.ge [sflag:s12], $0x20  }
0xbc: {  	[sflag:s12] =	ssyncset.done $0x0  }
0xbd: {  	[sflag:s12] =	ssyncadd.s32 $0xFFFFFFE0  }
0xbe: {  	_ =	swait.ge [sflag:s12], $0x20  }
0xbf: {  	[sflag:s12] =	ssyncset.done $0x0  }
0xc0: {  	[sflag:s12] =	ssyncadd.s32 $0xFFFFFFE0  }
0xc1: {  	_ =	swait.ge [sflag:s12], $0x20  }
0xc2: {  	[sflag:s12] =	ssyncset.done $0x0  }
0xc3: {  	[sflag:s12] =	ssyncadd.s32 $0xFFFFFFE0  }
0xc4: {  	_ =	swait.ge [sflag:s12], $0x20  }
0xc5: {  	[sflag:s12] =	ssyncset.done $0x0  }
0xc6: {  	[sflag:s12] =	ssyncadd.s32 $0xFFFFFFE0  }
0xc7: {  	_ =	swait.ge [sflag:s12], $0x20  }
0xc8: {  	[sflag:s12] =	ssyncset.done $0x0  }
0xc9: {  	[sflag:s12] =	ssyncadd.s32 $0xFFFFFFE0  }
0xca: {  	_ =	swait.ge [sflag:s12], $0x20  }
0xcb: {  	[sflag:s12] =	ssyncset.done $0x0  }
0xcc: {  	[sflag:s12] =	ssyncadd.s32 $0xFFFFFFE0  }
0xcd: {  	_ =	swait.ge [sflag:s12], $0x20  }
0xce: {  	[sflag:s12] =	ssyncset.done $0x0  }
0xcf: {  	[sflag:s12] =	ssyncadd.s32 $0xFFFFFFE0  }
0xd0: {  	_ =	swait.ge [sflag:s12], $0x20  }
0xd1: {  	[sflag:s12] =	ssyncset.done $0x0  }
0xd2: {  	[sflag:s12] =	ssyncadd.s32 $0xFFFFFFE0  }
0xd3: {  	_ =	swait.ge [sflag:s12], $0x20  }
0xd4: {  	[sflag:s12] =	ssyncset.done $0x0  }
0xd5: {  	[sflag:s12] =	ssyncadd.s32 $0xFFFFFFE0  }
0xd6: {  	_ =	swait.ge [sflag:s12], $0x20  }
0xd7: {  	[sflag:s12] =	ssyncset.done $0x0  }
0xd8: {  	[sflag:s12] =	ssyncadd.s32 $0xFFFFFFE0  }
0xd9: {  	_ =	swait.ge [sflag:s12], $0x20  }
0xda: {  	[sflag:s12] =	ssyncset.done $0x0  }
0xdb: {  	[sflag:s12] =	ssyncadd.s32 $0xFFFFFFE0  }
0xdc: {  	_ =	swait.ge [sflag:s12], $0x20  }
0xdd: {  	[sflag:s12] =	ssyncset.done $0x0  }
0xde: {  	[sflag:s12] =	ssyncadd.s32 $0xFFFFFFE0  }
0xdf: {  	_ =	swait.ge [sflag:s12], $0x20  }
0xe0: {  	[sflag:s12] =	ssyncset.done $0x0  }
0xe1: {  	[sflag:s12] =	ssyncadd.s32 $0xFFFFFFE0  }
0xe2: {  	_ =	swait.ge [sflag:s12], $0x20  }
0xe3: {  	[sflag:s12] =	ssyncset.done $0x0  }
0xe4: {  	[sflag:s12] =	ssyncadd.s32 $0xFFFFFFE0  }
0xe5: {  	_ =	swait.ge [sflag:s12], $0x20  }
0xe6: {  	[sflag:s12] =	ssyncset.done $0x0  }
0xe7: {  	[sflag:s12] =	ssyncadd.s32 $0xFFFFFFE0  }
0xe8: {  	_ =	swait.ge [sflag:s12], $0x20  }
0xe9: {  	[sflag:s12] =	ssyncset.done $0x0  }
0xea: {  	[sflag:s12] =	ssyncadd.s32 $0xFFFFFFE0  }
0xeb: {  	_ =	swait.ge [sflag:s12], $0x20  }
0xec: {  	[sflag:s12] =	ssyncset.done $0x0  }
0xed: {  	[sflag:s12] =	ssyncadd.s32 $0xFFFFFFE0  }
0xee: {  	_ =	swait.ge [sflag:s12], $0x20  }
0xef: {  	[sflag:s12] =	ssyncset.done $0x0  }
0xf0: {  	[sflag:s12] =	ssyncadd.s32 $0xFFFFFFE0  }
0xf1: {  	_ =	swait.ge [sflag:s12], $0x20  }
0xf2: {  	[sflag:s12] =	ssyncset.done $0x0  }
0xf3: {  	[sflag:s12] =	ssyncadd.s32 $0xFFFFFFE0  }
0xf4: {  	_ =	swait.ge [sflag:s12], $0x20  }
0xf5: {  	[sflag:s12] =	ssyncset.done $0x0  }
0xf6: {  	[sflag:s12] =	ssyncadd.s32 $0xFFFFFFE0  }
0xf7: {  	_ =	swait.ge [sflag:s12], $0x20  }
0xf8: {  	[sflag:s12] =	ssyncset.done $0x0  }
0xf9: {  	[sflag:s12] =	ssyncadd.s32 $0xFFFFFFE0  }
0xfa: {  	_ =	swait.ge [sflag:s12], $0x20  }
0xfb: {  	[sflag:s12] =	ssyncset.done $0x0  }
0xfc: {  	[sflag:s12] =	ssyncadd.s32 $0xFFFFFFE0  }
0xfd: {  	_ =	swait.ge [sflag:s12], $0x20  }
0xfe: {  	[sflag:s12] =	ssyncset.done $0x0  }
0xff: {  	[sflag:s12] =	ssyncadd.s32 $0xFFFFFFE0  }
0x100: {  	_ =	swait.ge [sflag:s12], $0x20  }
0x101: {  	[sflag:s12] =	ssyncset.done $0x0  }
0x102: {  	[sflag:s12] =	ssyncadd.s32 $0xFFFFFFE0  }
0x103: {  	_ =	swait.ge [sflag:s12], $0x20  }
0x104: {  	[sflag:s12] =	ssyncset.done $0x0  }
0x105: {  	[sflag:s12] =	ssyncadd.s32 $0xFFFFFFE0  }
0x106: {  	_ =	swait.ge [sflag:s12], $0x20  }
0x107: {  	[sflag:s12] =	ssyncset.done $0x0  }
0x108: {  	[sflag:s12] =	ssyncadd.s32 $0xFFFFFFE0  }
0x109: {  	_ =	swait.ge [sflag:s12], $0x20  }
0x10a: {  	[sflag:s12] =	ssyncset.done $0x0  }
0x10b: {  	[sflag:s12] =	ssyncadd.s32 $0xFFFFFFE0  }
0x10c: {  	s18 =	simm.s32 $0x0;
	s17 =	simm.s32 $0x800;
	_ =	swait.ge [sflag:s12], $0x20  }
.LBB2_2:
0x10d: {  	[sflag:s12] =	ssyncset.done $0x0  }
0x10e: {  	s18 =	sadd.s32 $0x10, s18;
	s16 =	sadd.s32 $0x10, s16;
	s19 =	smov.u32 s17  }
0x10f: {  	p0 =	sne.s32 s17, $0xF800;
	s17 =	sadd.s32 $0x800, s17;
	[sflag:s12] =	ssyncadd.s32 $0xFFFFFFE0  }
0x110: {  	_ =	swait.ge [sflag:s12], $0x20  }
0x111: {  	[sflag:s12] =	ssyncset.done $0x0  }
0x112: {  	[sflag:s12] =	ssyncadd.s32 $0xFFFFFFE0  }
0x113: {  	_ =	swait.ge [sflag:s12], $0x20  }
0x114: {  	[sflag:s12] =	ssyncset.done $0x0  }
0x115: {  	[sflag:s12] =	ssyncadd.s32 $0xFFFFFFE0  }
0x116: {  	v0 =	vld [tilespmem:s18+$0x0];
	_ =	sdelay $0x1  }
0x117: {  	v45 =	vld [tilespmem:s16+$0x0];
	_ =	sdelay $0x2  }
0x118: {  	v46 =	vshll.u32 v0, $0x4  }
0x119: {  	(v2sf) =	vpush v46, $0x0  }
0x11a: {  	v45 =	vshll.u32 v45, $0x4;
	(v2sf) =	vpush v46, $0x1  }
0x11b: {  	(v2sf) =	vpush v45, $0x0;
	_ =	sdelay $0x1  }
0x11c: {  	(v2sf) =	vpush v45, $0x1;
	_ =	sdelay $0x1  }
0x11d: {  	(v2sf) =	vpush v46, $0x2;
	_ =	sdelay $0x3  }
0x11e: {  	(v2sf) =	vpush v45, $0x2  }
0x11f: {  	s20 =	sshra.s32 s19, $0x2;
	_ =	sdelay $0x1  }
0x120: {  	s21 =	sadd.s32 $0x400, s20  }
0x121: {  	s22 =	sadd.s32 $0x4400, s20;
	(v2sf) =	vpush v46, $0x3  }
0x122: {  	s19 =	spop (v2sf)  }
0x123: {  	s23 =	sand.u32 $0x1FFFFFF0, s19;
	s19 =	simm.s32 $0x0;
	s24 =	spop (v2sf)  }
0x124: {  	s23 =	sadd.s32 s3, s23;
	s24 =	sand.u32 $0x1FFFFFF0, s24;
	s25 =	spop (v2sf)  }
0x125: {  	[tilespmem:s21], [sflag:$0x1] =	stream.strided.gather [hbm4b:s23+s11], $0x0, s9, s11, $0x38;
	(v2sf) =	vpush v45, $0x3;
	[tilespmem:$0x8600] =	vst v63  }
0x126: {  	s25 =	sand.u32 $0x1FFFFFF0, s25;
	s26 =	spop (v2sf)  }
0x127: {  	[tilespmem:s21], [sflag:$0x1] =	stream.linear.gather [hbm4b:s23+s19], $0x20, $0x38;
	[tilespmem:$0x8600] =	vst v63  }
0x128: {  	s21 =	sadd.s32 s4, s25;
	s23 =	sand.u32 $0x1FFFFFF0, s26;
	s25 =	spop (v2sf)  }
0x129: {  	[tilespmem:s22], [sflag:$0x1] =	stream.strided.gather [hbm4b:s21+s11], $0x0, s9, s11, $0x38;
	(v2sf) =	vpush v46, $0x4;
	[tilespmem:$0x8600] =	vst v63  }
0x12a: {  	s24 =	sadd.s32 s3, s24;
	s26 =	sadd.s32 $0x420, s20;
	s25 =	sand.u32 $0x1FFFFFF0, s25  }
0x12b: {  	[tilespmem:s22], [sflag:$0x1] =	stream.linear.gather [hbm4b:s21+s19], $0x20, $0x38;
	[tilespmem:$0x8600] =	vst v63  }
0x12c: {  	s21 =	spop (v2sf)  }
0x12d: {  	[tilespmem:s26], [sflag:$0x1] =	stream.strided.gather [hbm4b:s24+s11], $0x0, s9, s11, $0x38;
	(v2sf) =	vpush v45, $0x4;
	[tilespmem:$0x8600] =	vst v63  }
0x12e: {  	s23 =	sadd.s32 s4, s23;
	s22 =	sadd.s32 $0x4420, s20;
	s21 =	sand.u32 $0x1FFFFFF0, s21  }
0x12f: {  	[tilespmem:s26], [sflag:$0x1] =	stream.linear.gather [hbm4b:s24+s19], $0x20, $0x38;
	[tilespmem:$0x8600] =	vst v63  }
0x130: {  	s24 =	spop (v2sf)  }
0x131: {  	[tilespmem:s22], [sflag:$0x1] =	stream.strided.gather [hbm4b:s23+s11], $0x0, s9, s11, $0x38;
	(v2sf) =	vpush v46, $0x5;
	[tilespmem:$0x8600] =	vst v63  }
0x132: {  	s25 =	sadd.s32 s3, s25;
	s26 =	sadd.s32 $0x440, s20;
	s24 =	sand.u32 $0x1FFFFFF0, s24  }
0x133: {  	[tilespmem:s22], [sflag:$0x1] =	stream.linear.gather [hbm4b:s23+s19], $0x20, $0x38;
	[tilespmem:$0x8600] =	vst v63  }
0x134: {  	s22 =	spop (v2sf)  }
0x135: {  	[tilespmem:s26], [sflag:$0x1] =	stream.strided.gather [hbm4b:s25+s11], $0x0, s9, s11, $0x38;
	(v2sf) =	vpush v45, $0x5;
	[tilespmem:$0x8600] =	vst v63  }
0x136: {  	s21 =	sadd.s32 s4, s21;
	s23 =	sadd.s32 $0x4440, s20;
	s22 =	sand.u32 $0x1FFFFFF0, s22  }
0x137: {  	[tilespmem:s26], [sflag:$0x1] =	stream.linear.gather [hbm4b:s25+s19], $0x20, $0x38;
	[tilespmem:$0x8600] =	vst v63  }
0x138: {  	s25 =	spop (v2sf)  }
0x139: {  	[tilespmem:s23], [sflag:$0x1] =	stream.strided.gather [hbm4b:s21+s11], $0x0, s9, s11, $0x38;
	(v2sf) =	vpush v46, $0x6;
	[tilespmem:$0x8600] =	vst v63  }
0x13a: {  	s24 =	sadd.s32 s3, s24;
	s26 =	sadd.s32 $0x460, s20;
	s25 =	sand.u32 $0x1FFFFFF0, s25  }
0x13b: {  	[tilespmem:s23], [sflag:$0x1] =	stream.linear.gather [hbm4b:s21+s19], $0x20, $0x38;
	[tilespmem:$0x8600] =	vst v63  }
0x13c: {  	s21 =	spop (v2sf)  }
0x13d: {  	[tilespmem:s26], [sflag:$0x1] =	stream.strided.gather [hbm4b:s24+s11], $0x0, s9, s11, $0x38;
	(v2sf) =	vpush v45, $0x6;
	[tilespmem:$0x8600] =	vst v63  }
0x13e: {  	s22 =	sadd.s32 s4, s22;
	s23 =	sadd.s32 $0x4460, s20;
	s21 =	sand.u32 $0x1FFFFFF0, s21  }
0x13f: {  	[tilespmem:s26], [sflag:$0x1] =	stream.linear.gather [hbm4b:s24+s19], $0x20, $0x38;
	[tilespmem:$0x8600] =	vst v63  }
0x140: {  	s24 =	spop (v2sf)  }
0x141: {  	[tilespmem:s23], [sflag:$0x1] =	stream.strided.gather [hbm4b:s22+s11], $0x0, s9, s11, $0x38;
	(v2sf) =	vpush v46, $0x7;
	[tilespmem:$0x8600] =	vst v63  }
0x142: {  	s25 =	sadd.s32 s3, s25;
	s26 =	sadd.s32 $0x480, s20;
	s24 =	sand.u32 $0x1FFFFFF0, s24  }
0x143: {  	[tilespmem:s23], [sflag:$0x1] =	stream.linear.gather [hbm4b:s22+s19], $0x20, $0x38;
	[tilespmem:$0x8600] =	vst v63  }
0x144: {  	s22 =	spop (v2sf)  }
0x145: {  	[tilespmem:s26], [sflag:$0x1] =	stream.strided.gather [hbm4b:s25+s11], $0x0, s9, s11, $0x38;
	(v2sf) =	vpush v45, $0x7;
	[tilespmem:$0x8600] =	vst v63  }
0x146: {  	s21 =	sadd.s32 s4, s21;
	s23 =	sadd.s32 $0x4480, s20;
	s22 =	sand.u32 $0x1FFFFFF0, s22  }
0x147: {  	[tilespmem:s26], [sflag:$0x1] =	stream.linear.gather [hbm4b:s25+s19], $0x20, $0x38;
	[tilespmem:$0x8600] =	vst v63  }
0x148: {  	s25 =	spop (v2sf)  }
0x149: {  	[tilespmem:s23], [sflag:$0x1] =	stream.strided.gather [hbm4b:s21+s11], $0x0, s9, s11, $0x38;
	(v2sf) =	vpush v46, $0x8;
	[tilespmem:$0x8600] =	vst v63  }
0x14a: {  	s24 =	sadd.s32 s3, s24;
	s26 =	sadd.s32 $0x4A0, s20;
	s25 =	sand.u32 $0x1FFFFFF0, s25  }
0x14b: {  	[tilespmem:s23], [sflag:$0x1] =	stream.linear.gather [hbm4b:s21+s19], $0x20, $0x38;
	[tilespmem:$0x8600] =	vst v63  }
0x14c: {  	s21 =	spop (v2sf)  }
0x14d: {  	[tilespmem:s26], [sflag:$0x1] =	stream.strided.gather [hbm4b:s24+s11], $0x0, s9, s11, $0x38;
	(v2sf) =	vpush v45, $0x8;
	[tilespmem:$0x8600] =	vst v63  }
0x14e: {  	s22 =	sadd.s32 s4, s22;
	s23 =	sadd.s32 $0x44A0, s20;
	s21 =	sand.u32 $0x1FFFFFF0, s21  }
0x14f: {  	[tilespmem:s26], [sflag:$0x1] =	stream.linear.gather [hbm4b:s24+s19], $0x20, $0x38;
	[tilespmem:$0x8600] =	vst v63  }
0x150: {  	s24 =	spop (v2sf)  }
0x151: {  	[tilespmem:s23], [sflag:$0x1] =	stream.strided.gather [hbm4b:s22+s11], $0x0, s9, s11, $0x38;
	(v2sf) =	vpush v46, $0x9;
	[tilespmem:$0x8600] =	vst v63  }
0x152: {  	s25 =	sadd.s32 s3, s25;
	s26 =	sadd.s32 $0x4C0, s20;
	s24 =	sand.u32 $0x1FFFFFF0, s24  }
0x153: {  	[tilespmem:s23], [sflag:$0x1] =	stream.linear.gather [hbm4b:s22+s19], $0x20, $0x38;
	[tilespmem:$0x8600] =	vst v63  }
0x154: {  	s22 =	spop (v2sf)  }
0x155: {  	[tilespmem:s26], [sflag:$0x1] =	stream.strided.gather [hbm4b:s25+s11], $0x0, s9, s11, $0x38;
	(v2sf) =	vpush v45, $0x9;
	[tilespmem:$0x8600] =	vst v63  }
0x156: {  	s21 =	sadd.s32 s4, s21;
	s23 =	sadd.s32 $0x44C0, s20;
	s22 =	sand.u32 $0x1FFFFFF0, s22  }
0x157: {  	[tilespmem:s26], [sflag:$0x1] =	stream.linear.gather [hbm4b:s25+s19], $0x20, $0x38;
	[tilespmem:$0x8600] =	vst v63  }
0x158: {  	s25 =	spop (v2sf)  }
0x159: {  	[tilespmem:s23], [sflag:$0x1] =	stream.strided.gather [hbm4b:s21+s11], $0x0, s9, s11, $0x38;
	(v2sf) =	vpush v46, $0xA;
	[tilespmem:$0x8600] =	vst v63  }
0x15a: {  	s24 =	sadd.s32 s3, s24;
	s26 =	sadd.s32 $0x4E0, s20;
	s25 =	sand.u32 $0x1FFFFFF0, s25  }
0x15b: {  	[tilespmem:s23], [sflag:$0x1] =	stream.linear.gather [hbm4b:s21+s19], $0x20, $0x38;
	[tilespmem:$0x8600] =	vst v63  }
0x15c: {  	s21 =	spop (v2sf)  }
0x15d: {  	[tilespmem:s26], [sflag:$0x1] =	stream.strided.gather [hbm4b:s24+s11], $0x0, s9, s11, $0x38;
	(v2sf) =	vpush v45, $0xA;
	[tilespmem:$0x8600] =	vst v63  }
0x15e: {  	s22 =	sadd.s32 s4, s22;
	s23 =	sadd.s32 $0x44E0, s20;
	s21 =	sand.u32 $0x1FFFFFF0, s21  }
0x15f: {  	[tilespmem:s26], [sflag:$0x1] =	stream.linear.gather [hbm4b:s24+s19], $0x20, $0x38;
	[tilespmem:$0x8600] =	vst v63  }
0x160: {  	s24 =	spop (v2sf)  }
0x161: {  	[tilespmem:s23], [sflag:$0x1] =	stream.strided.gather [hbm4b:s22+s11], $0x0, s9, s11, $0x38;
	(v2sf) =	vpush v46, $0xB;
	[tilespmem:$0x8600] =	vst v63  }
0x162: {  	s25 =	sadd.s32 s3, s25;
	s26 =	sadd.s32 $0x500, s20;
	s24 =	sand.u32 $0x1FFFFFF0, s24  }
0x163: {  	[tilespmem:s23], [sflag:$0x1] =	stream.linear.gather [hbm4b:s22+s19], $0x20, $0x38;
	[tilespmem:$0x8600] =	vst v63  }
0x164: {  	s22 =	spop (v2sf)  }
0x165: {  	[tilespmem:s26], [sflag:$0x1] =	stream.strided.gather [hbm4b:s25+s11], $0x0, s9, s11, $0x38;
	(v2sf) =	vpush v45, $0xB;
	[tilespmem:$0x8600] =	vst v63  }
0x166: {  	s21 =	sadd.s32 s4, s21;
	s23 =	sadd.s32 $0x4500, s20;
	s22 =	sand.u32 $0x1FFFFFF0, s22  }
0x167: {  	[tilespmem:s26], [sflag:$0x1] =	stream.linear.gather [hbm4b:s25+s19], $0x20, $0x38;
	[tilespmem:$0x8600] =	vst v63  }
0x168: {  	s25 =	spop (v2sf)  }
0x169: {  	[tilespmem:s23], [sflag:$0x1] =	stream.strided.gather [hbm4b:s21+s11], $0x0, s9, s11, $0x38;
	(v2sf) =	vpush v46, $0xC;
	[tilespmem:$0x8600] =	vst v63  }
0x16a: {  	s24 =	sadd.s32 s3, s24;
	s26 =	sadd.s32 $0x520, s20;
	s25 =	sand.u32 $0x1FFFFFF0, s25  }
0x16b: {  	[tilespmem:s23], [sflag:$0x1] =	stream.linear.gather [hbm4b:s21+s19], $0x20, $0x38;
	[tilespmem:$0x8600] =	vst v63  }
0x16c: {  	s21 =	spop (v2sf)  }
0x16d: {  	[tilespmem:s26], [sflag:$0x1] =	stream.strided.gather [hbm4b:s24+s11], $0x0, s9, s11, $0x38;
	(v2sf) =	vpush v45, $0xC;
	[tilespmem:$0x8600] =	vst v63  }
0x16e: {  	s22 =	sadd.s32 s4, s22;
	s23 =	sadd.s32 $0x4520, s20;
	s21 =	sand.u32 $0x1FFFFFF0, s21  }
0x16f: {  	[tilespmem:s26], [sflag:$0x1] =	stream.linear.gather [hbm4b:s24+s19], $0x20, $0x38;
	[tilespmem:$0x8600] =	vst v63  }
0x170: {  	s24 =	spop (v2sf)  }
0x171: {  	[tilespmem:s23], [sflag:$0x1] =	stream.strided.gather [hbm4b:s22+s11], $0x0, s9, s11, $0x38;
	(v2sf) =	vpush v46, $0xD;
	[tilespmem:$0x8600] =	vst v63  }
0x172: {  	s25 =	sadd.s32 s3, s25;
	s26 =	sadd.s32 $0x540, s20;
	s24 =	sand.u32 $0x1FFFFFF0, s24  }
0x173: {  	[tilespmem:s23], [sflag:$0x1] =	stream.linear.gather [hbm4b:s22+s19], $0x20, $0x38;
	[tilespmem:$0x8600] =	vst v63  }
0x174: {  	s22 =	spop (v2sf)  }
0x175: {  	[tilespmem:s26], [sflag:$0x1] =	stream.strided.gather [hbm4b:s25+s11], $0x0, s9, s11, $0x38;
	(v2sf) =	vpush v45, $0xD;
	[tilespmem:$0x8600] =	vst v63  }
0x176: {  	s21 =	sadd.s32 s4, s21;
	s23 =	sadd.s32 $0x4540, s20;
	s22 =	sand.u32 $0x1FFFFFF0, s22  }
0x177: {  	[tilespmem:s26], [sflag:$0x1] =	stream.linear.gather [hbm4b:s25+s19], $0x20, $0x38;
	[tilespmem:$0x8600] =	vst v63  }
0x178: {  	s25 =	spop (v2sf)  }
0x179: {  	[tilespmem:s23], [sflag:$0x1] =	stream.strided.gather [hbm4b:s21+s11], $0x0, s9, s11, $0x38;
	(v2sf) =	vpush v46, $0xE;
	[tilespmem:$0x8600] =	vst v63  }
0x17a: {  	s24 =	sadd.s32 s3, s24;
	s26 =	sadd.s32 $0x560, s20;
	s25 =	sand.u32 $0x1FFFFFF0, s25  }
0x17b: {  	[tilespmem:s23], [sflag:$0x1] =	stream.linear.gather [hbm4b:s21+s19], $0x20, $0x38;
	[tilespmem:$0x8600] =	vst v63  }
0x17c: {  	s21 =	spop (v2sf)  }
0x17d: {  	[tilespmem:s26], [sflag:$0x1] =	stream.strided.gather [hbm4b:s24+s11], $0x0, s9, s11, $0x38;
	(v2sf) =	vpush v45, $0xE;
	[tilespmem:$0x8600] =	vst v63  }
0x17e: {  	s22 =	sadd.s32 s4, s22;
	s23 =	sadd.s32 $0x4560, s20;
	s21 =	sand.u32 $0x1FFFFFF0, s21  }
0x17f: {  	[tilespmem:s26], [sflag:$0x1] =	stream.linear.gather [hbm4b:s24+s19], $0x20, $0x38;
	[tilespmem:$0x8600] =	vst v63  }
0x180: {  	s24 =	spop (v2sf)  }
0x181: {  	[tilespmem:s23], [sflag:$0x1] =	stream.strided.gather [hbm4b:s22+s11], $0x0, s9, s11, $0x38;
	(v2sf) =	vpush v46, $0xF;
	[tilespmem:$0x8600] =	vst v63  }
0x182: {  	s25 =	sadd.s32 s3, s25;
	s26 =	sadd.s32 $0x580, s20;
	s24 =	sand.u32 $0x1FFFFFF0, s24  }
0x183: {  	[tilespmem:s23], [sflag:$0x1] =	stream.linear.gather [hbm4b:s22+s19], $0x20, $0x38;
	[tilespmem:$0x8600] =	vst v63  }
0x184: {  	s22 =	spop (v2sf)  }
0x185: {  	[tilespmem:s26], [sflag:$0x1] =	stream.strided.gather [hbm4b:s25+s11], $0x0, s9, s11, $0x38;
	(v2sf) =	vpush v45, $0xF;
	[tilespmem:$0x8600] =	vst v63  }
0x186: {  	s21 =	sadd.s32 s4, s21;
	s23 =	sadd.s32 $0x4580, s20;
	s22 =	sand.u32 $0x1FFFFFF0, s22  }
0x187: {  	[tilespmem:s26], [sflag:$0x1] =	stream.linear.gather [hbm4b:s25+s19], $0x20, $0x38;
	[tilespmem:$0x8600] =	vst v63  }
0x188: {  	s25 =	spop (v2sf)  }
0x189: {  	[tilespmem:s23], [sflag:$0x1] =	stream.strided.gather [hbm4b:s21+s11], $0x0, s9, s11, $0x38;
	[tilespmem:$0x8600] =	vst v63  }
0x18a: {  	s24 =	sadd.s32 s3, s24;
	s26 =	sadd.s32 $0x5A0, s20;
	s25 =	sand.u32 $0x1FFFFFF0, s25  }
0x18b: {  	[tilespmem:s23], [sflag:$0x1] =	stream.linear.gather [hbm4b:s21+s19], $0x20, $0x38;
	[tilespmem:$0x8600] =	vst v63  }
0x18c: {  	s21 =	spop (v2sf)  }
0x18d: {  	[tilespmem:s26], [sflag:$0x1] =	stream.strided.gather [hbm4b:s24+s11], $0x0, s9, s11, $0x38;
	[tilespmem:$0x8600] =	vst v63  }
0x18e: {  	s22 =	sadd.s32 s4, s22;
	s23 =	sadd.s32 $0x45A0, s20;
	s21 =	sand.u32 $0x1FFFFFF0, s21  }
0x18f: {  	[tilespmem:s26], [sflag:$0x1] =	stream.linear.gather [hbm4b:s24+s19], $0x20, $0x38;
	[tilespmem:$0x8600] =	vst v63  }
0x190: {  	s24 =	spop (v2sf)  }
0x191: {  	[tilespmem:s23], [sflag:$0x1] =	stream.strided.gather [hbm4b:s22+s11], $0x0, s9, s11, $0x38;
	[tilespmem:$0x8600] =	vst v63  }
0x192: {  	s25 =	sadd.s32 s3, s25;
	s26 =	sadd.s32 $0x5C0, s20;
	s24 =	sand.u32 $0x1FFFFFF0, s24  }
0x193: {  	[tilespmem:s23], [sflag:$0x1] =	stream.linear.gather [hbm4b:s22+s19], $0x20, $0x38;
	[tilespmem:$0x8600] =	vst v63  }
0x194: {  	s22 =	spop (v2sf)  }
0x195: {  	[tilespmem:s26], [sflag:$0x1] =	stream.strided.gather [hbm4b:s25+s11], $0x0, s9, s11, $0x38;
	[tilespmem:$0x8600] =	vst v63  }
0x196: {  	s21 =	sadd.s32 s4, s21;
	s23 =	sadd.s32 $0x45C0, s20;
	s22 =	sand.u32 $0x1FFFFFF0, s22  }
0x197: {  	[tilespmem:s26], [sflag:$0x1] =	stream.linear.gather [hbm4b:s25+s19], $0x20, $0x38;
	[tilespmem:$0x8600] =	vst v63  }
0x198: {  	_ = 	snop  }
0x199: {  	[tilespmem:s23], [sflag:$0x1] =	stream.strided.gather [hbm4b:s21+s11], $0x0, s9, s11, $0x38;
	[tilespmem:$0x8600] =	vst v63  }
0x19a: {  	s24 =	sadd.s32 s3, s24;
	s25 =	sadd.s32 $0x5E0, s20  }
0x19b: {  	[tilespmem:s23], [sflag:$0x1] =	stream.linear.gather [hbm4b:s21+s19], $0x20, $0x38;
	[tilespmem:$0x8600] =	vst v63  }
0x19c: {  	_ = 	snop  }
0x19d: {  	[tilespmem:s25], [sflag:$0x1] =	stream.strided.gather [hbm4b:s24+s11], $0x0, s9, s11, $0x38;
	[tilespmem:$0x8600] =	vst v63  }
0x19e: {  	s20 =	sadd.s32 $0x45E0, s20;
	s21 =	sadd.s32 s4, s22  }
0x19f: {  	[tilespmem:s25], [sflag:$0x1] =	stream.linear.gather [hbm4b:s24+s19], $0x20, $0x38;
	[tilespmem:$0x8600] =	vst v63  }
0x1a0: {  	_ = 	snop  }
0x1a1: {  	[tilespmem:s20], [sflag:$0x1] =	stream.strided.gather [hbm4b:s21+s11], $0x0, s9, s11, $0x38;
	[tilespmem:$0x8600] =	vst v63  }
0x1a2: {  	_ = 	snop  }
0x1a3: {  	[tilespmem:s20], [sflag:$0x1] =	stream.linear.gather [hbm4b:s21+s19], $0x20, $0x38;
	[tilespmem:$0x8600] =	vst v63  }
0x1a4: {  	_ =	swait.ge [sflag:s12], $0x20  }
0x1a5: {  	[sflag:s12] =	ssyncset.done $0x0  }
0x1a6: {  	[sflag:s12] =	ssyncadd.s32 $0xFFFFFFE0  }
0x1a7: {  	_ =	swait.ge [sflag:s12], $0x20  }
0x1a8: {  	[sflag:s12] =	ssyncset.done $0x0  }
0x1a9: {  	[sflag:s12] =	ssyncadd.s32 $0xFFFFFFE0  }
0x1aa: {  	_ =	swait.ge [sflag:s12], $0x20  }
0x1ab: {  	[sflag:s12] =	ssyncset.done $0x0  }
0x1ac: {  	[sflag:s12] =	ssyncadd.s32 $0xFFFFFFE0  }
0x1ad: {  	_ =	swait.ge [sflag:s12], $0x20  }
0x1ae: {  	[sflag:s12] =	ssyncset.done $0x0  }
0x1af: {  	[sflag:s12] =	ssyncadd.s32 $0xFFFFFFE0  }
0x1b0: {  	_ =	swait.ge [sflag:s12], $0x20  }
0x1b1: {  	[sflag:s12] =	ssyncset.done $0x0  }
0x1b2: {  	[sflag:s12] =	ssyncadd.s32 $0xFFFFFFE0  }
0x1b3: {  	_ =	swait.ge [sflag:s12], $0x20  }
0x1b4: {  	[sflag:s12] =	ssyncset.done $0x0  }
0x1b5: {  	[sflag:s12] =	ssyncadd.s32 $0xFFFFFFE0  }
0x1b6: {  	_ =	swait.ge [sflag:s12], $0x20  }
0x1b7: {  	[sflag:s12] =	ssyncset.done $0x0  }
0x1b8: {  	[sflag:s12] =	ssyncadd.s32 $0xFFFFFFE0  }
0x1b9: {  	_ =	swait.ge [sflag:s12], $0x20  }
0x1ba: {  	[sflag:s12] =	ssyncset.done $0x0  }
0x1bb: {  	[sflag:s12] =	ssyncadd.s32 $0xFFFFFFE0  }
0x1bc: {  	_ =	swait.ge [sflag:s12], $0x20  }
0x1bd: {  	[sflag:s12] =	ssyncset.done $0x0  }
0x1be: {  	[sflag:s12] =	ssyncadd.s32 $0xFFFFFFE0  }
0x1bf: {  	_ =	swait.ge [sflag:s12], $0x20  }
0x1c0: {  	[sflag:s12] =	ssyncset.done $0x0  }
0x1c1: {  	[sflag:s12] =	ssyncadd.s32 $0xFFFFFFE0  }
0x1c2: {  	_ =	swait.ge [sflag:s12], $0x20  }
0x1c3: {  	[sflag:s12] =	ssyncset.done $0x0  }
0x1c4: {  	[sflag:s12] =	ssyncadd.s32 $0xFFFFFFE0  }
0x1c5: {  	_ =	swait.ge [sflag:s12], $0x20  }
0x1c6: {  	[sflag:s12] =	ssyncset.done $0x0  }
0x1c7: {  	[sflag:s12] =	ssyncadd.s32 $0xFFFFFFE0  }
0x1c8: {  	_ =	swait.ge [sflag:s12], $0x20  }
0x1c9: {  	[sflag:s12] =	ssyncset.done $0x0  }
0x1ca: {  	[sflag:s12] =	ssyncadd.s32 $0xFFFFFFE0  }
0x1cb: {  	_ =	swait.ge [sflag:s12], $0x20  }
0x1cc: {  	[sflag:s12] =	ssyncset.done $0x0  }
0x1cd: {  	[sflag:s12] =	ssyncadd.s32 $0xFFFFFFE0  }
0x1ce: {  	_ =	swait.ge [sflag:s12], $0x20  }
0x1cf: {  	[sflag:s12] =	ssyncset.done $0x0  }
0x1d0: {  	[sflag:s12] =	ssyncadd.s32 $0xFFFFFFE0  }
0x1d1: {  	_ =	swait.ge [sflag:s12], $0x20  }
0x1d2: {  	[sflag:s12] =	ssyncset.done $0x0  }
0x1d3: {  	[sflag:s12] =	ssyncadd.s32 $0xFFFFFFE0  }
0x1d4: {  	_ =	swait.ge [sflag:s12], $0x20  }
0x1d5: {  	[sflag:s12] =	ssyncset.done $0x0  }
0x1d6: {  	[sflag:s12] =	ssyncadd.s32 $0xFFFFFFE0  }
0x1d7: {  	_ =	swait.ge [sflag:s12], $0x20  }
0x1d8: {  	[sflag:s12] =	ssyncset.done $0x0  }
0x1d9: {  	[sflag:s12] =	ssyncadd.s32 $0xFFFFFFE0  }
0x1da: {  	_ =	swait.ge [sflag:s12], $0x20  }
0x1db: {  	[sflag:s12] =	ssyncset.done $0x0  }
0x1dc: {  	[sflag:s12] =	ssyncadd.s32 $0xFFFFFFE0  }
0x1dd: {  	_ =	swait.ge [sflag:s12], $0x20  }
0x1de: {  	[sflag:s12] =	ssyncset.done $0x0  }
0x1df: {  	[sflag:s12] =	ssyncadd.s32 $0xFFFFFFE0  }
0x1e0: {  	_ =	swait.ge [sflag:s12], $0x20  }
0x1e1: {  	[sflag:s12] =	ssyncset.done $0x0  }
0x1e2: {  	[sflag:s12] =	ssyncadd.s32 $0xFFFFFFE0  }
0x1e3: {  	_ =	swait.ge [sflag:s12], $0x20  }
0x1e4: {  	[sflag:s12] =	ssyncset.done $0x0  }
0x1e5: {  	[sflag:s12] =	ssyncadd.s32 $0xFFFFFFE0  }
0x1e6: {  	_ =	swait.ge [sflag:s12], $0x20  }
0x1e7: {  	[sflag:s12] =	ssyncset.done $0x0  }
0x1e8: {  	[sflag:s12] =	ssyncadd.s32 $0xFFFFFFE0  }
0x1e9: {  	_ =	swait.ge [sflag:s12], $0x20  }
0x1ea: {  	[sflag:s12] =	ssyncset.done $0x0  }
0x1eb: {  	[sflag:s12] =	ssyncadd.s32 $0xFFFFFFE0  }
0x1ec: {  	_ =	swait.ge [sflag:s12], $0x20  }
0x1ed: {  	[sflag:s12] =	ssyncset.done $0x0  }
0x1ee: {  	[sflag:s12] =	ssyncadd.s32 $0xFFFFFFE0  }
0x1ef: {  	_ =	swait.ge [sflag:s12], $0x20  }
0x1f0: {  	[sflag:s12] =	ssyncset.done $0x0  }
0x1f1: {  	[sflag:s12] =	ssyncadd.s32 $0xFFFFFFE0  }
0x1f2: {  	_ =	swait.ge [sflag:s12], $0x20  }
0x1f3: {  	[sflag:s12] =	ssyncset.done $0x0  }
0x1f4: {  	[sflag:s12] =	ssyncadd.s32 $0xFFFFFFE0  }
0x1f5: {  	_ =	swait.ge [sflag:s12], $0x20  }
0x1f6: {  	[sflag:s12] =	ssyncset.done $0x0  }
.Ltmp0:
0x1f7: {  	[sflag:s12] =	ssyncadd.s32 $0xFFFFFFE0;
	(pc) =	sbr.rel @p0 .LBB2_2-.Ltmp0, $4  }
0x1f8: {  	_ =	swait.ge [sflag:s12], $0x20  }
0x1f9: {  	[sflag:s12] =	ssyncset.done $0x0  }
0x1fa: {  	[sflag:s12] =	ssyncadd.s32 $0xFFFFFFE0  }
0x1fb: {  	_ =	swait.ge [sflag:s12], $0x20  }
0x1fc: {  	v0 =	vmov s19  }
0x1fd: {  	[sflag:s12] =	ssyncset.done $0x0;
	v0 =	vshll.u32 v0, $0x5  }
0x1fe: {  	[sflag:s12] =	ssyncadd.s32 $0xFFFFFFE0;
	v0 =	vor.u32 v2, v0  }
0x1ff: {  	_ =	swait.ge [sflag:s12], $0x20;
	v0 =	vand.u32 $0x3F80, v0  }
0x200: {  	[sflag:s12] =	ssyncset.done $0x0;
	v45 =	vor.u32 v4, v0  }
0x201: {  	[sflag:s12] =	ssyncadd.s32 $0xFFFFFFE0  }
0x202: {  	v46 =	vor.u32 v6, v0;
	_ =	swait.ge [sflag:s12], $0x20  }
0x203: {  	[sflag:s12] =	ssyncset.done $0x0  }
0x204: {  	v47 =	vor.u32 v11, v0;
	v1 =	vld [tilespmem:$0x1FFA0];
	[sflag:s12] =	ssyncadd.s32 $0xFFFFFFE0  }
0x205: {  	v48 =	vld.idx.msk [tilespmem:v45+s13+$0x0], $0xffff  }
0x206: {  	v49 =	vor.u32 v12, v0;
	v45 =	vld.idx.msk [tilespmem:v45+s9+$0x0], $0xffff  }
0x207: {  	v50 =	vld.idx.msk [tilespmem:v46+s9+$0x0], $0xffff  }
0x208: {  	v51 =	vor.u32 v16, v0;
	v46 =	vld.idx.msk [tilespmem:v46+s13+$0x0], $0xffff  }
0x209: {  	v52 =	vld.idx.msk [tilespmem:v47+s9+$0x0], $0xffff  }
0x20a: {  	v53 =	vor.u32 v17, v0;
	v47 =	vld.idx.msk [tilespmem:v47+s13+$0x0], $0xffff  }
0x20b: {  	v54 =	vld.idx.msk [tilespmem:v49+s9+$0x0], $0xffff;
	v45 =	vmul.f32 v48, v45  }
0x20c: {  	v48 =	vld.idx.msk [tilespmem:v49+s13+$0x0], $0xffff  }
0x20d: {  	v60 =	vor.u32 v22, v0;
	v55 =	vld.idx.msk [tilespmem:v51+s9+$0x0], $0xffff;
	v46 =	vmul.f32 v46, v50;
	v45 =	vadd.f32 $0.0e+00, v45  }
0x20e: {  	v61 =	vld.idx.msk [tilespmem:v51+s13+$0x0], $0xffff  }
0x20f: {  	v58 =	vor.u32 v25, v0;
	v56 =	vld.idx.msk [tilespmem:v53+s9+$0x0], $0xffff;
	v63 =	vmul.f32 v47, v52;
	v45 =	vadd.f32 v46, v45  }
0x210: {  	v62 =	vor.u32 v23, v0;
	v57 =	vld.idx.msk [tilespmem:v53+s13+$0x0], $0xffff  }
0x211: {  	v9 =	vld [tilespmem:$0x1FF10];
	v59 =	vmul.f32 v48, v54;
	v45 =	vadd.f32 v63, v45  }
0x212: {  	v53 =	vld.idx.msk [tilespmem:v60+s9+$0x0], $0xffff  }
0x213: {  	v48 =	vld.idx.msk [tilespmem:v60+s13+$0x0], $0xffff;
	v60 =	vmul.f32 v61, v55;
	v45 =	vadd.f32 v59, v45  }
0x214: {  	v49 =	vor.u32 v30, v0;
	v47 =	vld.idx.msk [tilespmem:v58+s13+$0x0], $0xffff  }
0x215: {  	v54 =	vld.idx.msk [tilespmem:v62+s9+$0x0], $0xffff;
	v63 =	vmul.f32 v57, v56;
	v45 =	vadd.f32 v60, v45  }
0x216: {  	v61 =	vld.idx.msk [tilespmem:v62+s13+$0x0], $0xffff;
	v62 =	vor.u32 v33, v0  }
0x217: {  	v46 =	vadd.f32 v63, v45;
	v45 =	vcombine.low v1, v38;
	v1 =	vld [tilespmem:$0x1FFC0]  }
0x218: {  	v55 =	vld.idx.msk [tilespmem:v58+s9+$0x0], $0xffff  }
0x219: {  	v56 =	vld.idx.msk [tilespmem:v49+s9+$0x0], $0xffff  }
0x21a: {  	v52 =	vor.u32 v36, v0;
	v49 =	vld.idx.msk [tilespmem:v49+s13+$0x0], $0xffff;
	v48 =	vmul.f32 v48, v53  }
0x21b: {  	v57 =	vsel vm0, v39, v27;
	v53 =	vor.u32 v37, v0;
	v58 =	vld.idx.msk [tilespmem:v62+s9+$0x0], $0xffff  }
0x21c: {  	v50 =	vmul.f32 v61, v54;
	v48 =	vadd.f32 v48, v46;
	v46 =	vcombine.low v1, v57;
	v1 =	vld [tilespmem:$0x1FFE0]  }
0x21d: {  	v51 =	vld.idx.msk [tilespmem:v62+s13+$0x0], $0xffff  }
0x21e: {  	v14 =	vld [tilespmem:$0x1FF30];
	v54 =	vor.u32 v45, v0;
	v48 =	vadd.f32 v50, v48;
	v50 =	vmul.f32 v47, v55  }
0x21f: {  	v59 =	vsel vm0, v40, v28;
	v60 =	vld.idx.msk [tilespmem:v52+s9+$0x0], $0xffff;
	v61 =	vsel vm0, v41, v29  }
0x220: {  	v52 =	vld.idx.msk [tilespmem:v52+s13+$0x0], $0xffff;
	v50 =	vadd.f32 v50, v48;
	v48 =	vcombine.low v24, v61;
	v55 =	vor.u32 v46, v0  }
0x221: {  	v62 =	vld.idx.msk [tilespmem:v53+s9+$0x0], $0xffff;
	v47 =	vcombine.low v1, v59  }
0x222: {  	v49 =	vmul.f32 v49, v56;
	v53 =	vld.idx.msk [tilespmem:v53+s13+$0x0], $0xffff;
	v51 =	vmul.f32 v51, v58;
	v58 =	vor.u32 v48, v0  }
0x223: {  	v63 =	vsel vm0, v42, v32;
	v1 =	vld.idx.msk [tilespmem:v54+s9+$0x0], $0xffff;
	v56 =	vor.u32 v47, v0  }
0x224: {  	v50 =	vadd.f32 v49, v50;
	v49 =	vcombine.low v26, v63;
	v54 =	vld.idx.msk [tilespmem:v54+s13+$0x0], $0xffff  }
0x225: {  	v3 =	vsel vm0, v43, v39;
	v52 =	vmul.f32 v52, v60;
	v5 =	vld.idx.msk [tilespmem:v55+s9+$0x0], $0xffff  }
0x226: {  	v51 =	vadd.f32 v51, v50;
	v50 =	vcombine.low v31, v3;
	v60 =	vor.u32 v49, v0;
	v55 =	vld.idx.msk [tilespmem:v55+s13+$0x0], $0xffff  }
0x227: {  	v10 =	vld.idx.msk [tilespmem:v58+s9+$0x0], $0xffff  }
0x228: {  	v53 =	vmul.f32 v53, v62;
	v52 =	vadd.f32 v52, v51;
	v62 =	vor.u32 v50, v0;
	v8 =	vld.idx.msk [tilespmem:v56+s9+$0x0], $0xffff  }
0x229: {  	v56 =	vld.idx.msk [tilespmem:v56+s13+$0x0], $0xffff  }
0x22a: {  	v7 =	vsel vm0, v44, v40;
	v58 =	vld.idx.msk [tilespmem:v58+s13+$0x0], $0xffff;
	v53 =	vadd.f32 v53, v52;
	v1 =	vmul.f32 v54, v1  }
0x22b: {  	v51 =	vcombine.low v34, v7;
	v15 =	vld.idx.msk [tilespmem:v60+s9+$0x0], $0xffff  }
0x22c: {  	v60 =	vld.idx.msk [tilespmem:v60+s13+$0x0], $0xffff;
	v1 =	vadd.f32 v1, v53;
	v5 =	vmul.f32 v55, v5  }
0x22d: {  	v9 =	vsel vm0, v9, v41;
	v13 =	vor.u32 v51, v0;
	v20 =	vld.idx.msk [tilespmem:v62+s9+$0x0], $0xffff  }
0x22e: {  	v52 =	vcombine.low v35, v9;
	v1 =	vadd.f32 v5, v1;
	v5 =	vmul.f32 v56, v8;
	v8 =	vld.idx.msk [tilespmem:v62+s13+$0x0], $0xffff  }
0x22f: {  	v19 =	vld [tilespmem:$0x1FF50];
	v14 =	vsel vm0, v14, v42  }
0x230: {  	v21 =	vld [tilespmem:$0x1FF60];
	v18 =	vor.u32 v52, v0;
	v53 =	vcombine.low v38, v14  }
0x231: {  	v15 =	vmul.f32 v60, v15;
	v60 =	vld [tilespmem:$0x1FF20]  }
0x232: {  	v62 =	vor.u32 v53, v0;
	v1 =	vadd.f32 v5, v1;
	v5 =	vld.idx.msk [tilespmem:v13+s9+$0x0], $0xffff  }
0x233: {  	v10 =	vmul.f32 v58, v10;
	v8 =	vmul.f32 v8, v20;
	v20 =	vld [tilespmem:$0x1FF40]  }
0x234: {  	v19 =	vsel vm0, v19, v43;
	v13 =	vld.idx.msk [tilespmem:v13+s13+$0x0], $0xffff  }
0x235: {  	v54 =	vcombine.low v57, v19;
	v1 =	vadd.f32 v10, v1;
	v10 =	vld.idx.msk [tilespmem:v18+s9+$0x0], $0xffff  }
0x236: {  	v21 =	vsel vm0, v21, v44;
	v18 =	vld.idx.msk [tilespmem:v18+s13+$0x0], $0xffff  }
0x237: {  	v55 =	vcombine.low v59, v21;
	v59 =	vor.u32 v54, v0;
	v1 =	vadd.f32 v15, v1;
	v15 =	vld.idx.msk [tilespmem:v62+s9+$0x0], $0xffff  }
0x238: {  	v57 =	vcombine.low v63, v20;
	v20 =	vld.idx.msk [tilespmem:v62+s13+$0x0], $0xffff  }
0x239: {  	v5 =	vmul.f32 v13, v5;
	v13 =	vld [tilespmem:$0x1FF70]  }
0x23a: {  	v56 =	vcombine.low v61, v60;
	v60 =	vor.u32 v55, v0  }
0x23b: {  	v10 =	vmul.f32 v18, v10;
	v18 =	vld [tilespmem:$0x1FF80]  }
0x23c: {  	v61 =	vor.u32 v56, v0;
	v1 =	vadd.f32 v8, v1;
	v8 =	vld.idx.msk [tilespmem:v59+s9+$0x0], $0xffff  }
0x23d: {  	v15 =	vmul.f32 v20, v15;
	v20 =	vld [tilespmem:$0x1FF90]  }
0x23e: {  	v58 =	vcombine.low v3, v13;
	v3 =	vld.idx.msk [tilespmem:v59+s13+$0x0], $0xffff  }
0x23f: {  	v1 =	vadd.f32 v5, v1;
	v5 =	vld.idx.msk [tilespmem:v60+s9+$0x0], $0xffff  }
0x240: {  	v59 =	vcombine.low v7, v18;
	v7 =	vld.idx.msk [tilespmem:v60+s13+$0x0], $0xffff  }
0x241: {  	v13 =	vor.u32 v57, v0;
	v1 =	vadd.f32 v10, v1;
	v10 =	vld.idx.msk [tilespmem:v61+s9+$0x0], $0xffff  }
0x242: {  	v60 =	vcombine.low v9, v20;
	v9 =	vld.idx.msk [tilespmem:v61+s13+$0x0], $0xffff  }
0x243: {  	v3 =	vmul.f32 v3, v8;
	v8 =	vld [tilespmem:$0x1FFB0]  }
0x244: {  	v18 =	vor.u32 v58, v0  }
0x245: {  	v5 =	vmul.f32 v7, v5;
	v7 =	vld [tilespmem:$0x1FFD0]  }
0x246: {  	v1 =	vadd.f32 v15, v1;
	v15 =	vld.idx.msk [tilespmem:v13+s9+$0x0], $0xffff;
	v20 =	vor.u32 v59, v0  }
0x247: {  	v9 =	vmul.f32 v9, v10;
	v10 =	vld [tilespmem:$0x1FFF0]  }
0x248: {  	v61 =	vcombine.low v14, v8;
	v8 =	vld.idx.msk [tilespmem:v13+s13+$0x0], $0xffff;
	v13 =	vor.u32 v60, v0  }
0x249: {  	v1 =	vadd.f32 v3, v1;
	v3 =	vld.idx.msk [tilespmem:v18+s9+$0x0], $0xffff  }
0x24a: {  	v62 =	vcombine.low v19, v7;
	v7 =	vld.idx.msk [tilespmem:v18+s13+$0x0], $0xffff;
	v14 =	vor.u32 v61, v0  }
0x24b: {  	v1 =	vadd.f32 v5, v1;
	v5 =	vld.idx.msk [tilespmem:v20+s9+$0x0], $0xffff  }
0x24c: {  	v18 =	vor.u32 v62, v0;
	v63 =	vcombine.low v21, v10;
	v10 =	vld.idx.msk [tilespmem:v20+s13+$0x0], $0xffff  }
0x24d: {  	v1 =	vadd.f32 v9, v1;
	v9 =	vld.idx.msk [tilespmem:v13+s9+$0x0], $0xffff;
	v8 =	vmul.f32 v8, v15  }
0x24e: {  	v13 =	vld.idx.msk [tilespmem:v13+s13+$0x0], $0xffff;
	v0 =	vor.u32 v63, v0  }
0x24f: {  	v15 =	vld.idx.msk [tilespmem:v14+s9+$0x0], $0xffff;
	v1 =	vadd.f32 v8, v1;
	v3 =	vmul.f32 v7, v3  }
0x250: {  	v7 =	vld.idx.msk [tilespmem:v14+s13+$0x0], $0xffff  }
0x251: {  	v8 =	vld.idx.msk [tilespmem:v18+s9+$0x0], $0xffff;
	v1 =	vadd.f32 v3, v1;
	v3 =	vmul.f32 v10, v5  }
0x252: {  	v5 =	vld.idx.msk [tilespmem:v18+s13+$0x0], $0xffff  }
0x253: {  	v10 =	vld.idx.msk [tilespmem:v0+s9+$0x0], $0xffff;
	v1 =	vadd.f32 v3, v1;
	v3 =	vmul.f32 v13, v9  }
0x254: {  	v0 =	vld.idx.msk [tilespmem:v0+s13+$0x0], $0xffff  }
0x255: {  	v1 =	vadd.f32 v3, v1;
	v3 =	vmul.f32 v7, v15;
	_ =	sdelay $0x1  }
0x256: {  	v1 =	vadd.f32 v3, v1;
	v3 =	vmul.f32 v5, v8;
	_ =	sdelay $0x1  }
0x257: {  	v0 =	vmul.f32 v0, v10;
	v1 =	vadd.f32 v3, v1;
	_ =	sdelay $0x1  }
0x258: {  	v0 =	vadd.f32 v0, v1;
	_ =	sdelay $0x1  }
0x259: {  	v0 =	vsub.f32 $0.0e+00, v0;
	_ =	sdelay $0x1  }
0x25a: {  	v0 =	vmul.f32 $1.442695020e+00, v0;
	_ =	sdelay $0x1  }
0x25b: {  	(erf) = vpow2.f32 v0;
	_ =	sdelay $0x8  }
0x25c: {  	v0 =	vpop (erf)  }
0x25d: {  	v0 =	vadd.f32 $1.000000000e+00, v0;
	_ =	sdelay $0x1  }
0x25e: {  	(erf) = vrcp.f32 v0;
	_ =	sdelay $0x4  }
0x25f: {  	s16 =	simm.s32 $0x10  }
0x260: {  	v0 =	vmov s16  }
0x261: {  	v0 =	vshll.u32 v0, $0x5  }
0x262: {  	v0 =	vor.u32 v2, v0  }
0x263: {  	v0 =	vand.u32 $0x3F80, v0;
	v1 =	vpop (erf)  }
0x264: {  	v3 =	vor.u32 v4, v0;
	v1 =	vmul.f32 $4.500000000e+00, v1;
	_ =	sdelay $0x1  }
0x265: {  	v5 =	vor.u32 v6, v0;
	v1 =	vadd.f32 $5.000000000e-01, v1  }
0x266: {  	s16 =	simm.s32 $0x8400  }
0x267: {  	v7 =	vor.u32 v11, v0;
	[tilespmem:s16+$0x0] =	vst v1  }
0x268: {  	v1 =	vld.idx.msk [tilespmem:v3+s13+$0x0], $0xffff  }
0x269: {  	v8 =	vor.u32 v12, v0;
	v3 =	vld.idx.msk [tilespmem:v3+s9+$0x0], $0xffff  }
0x26a: {  	v9 =	vld.idx.msk [tilespmem:v5+s9+$0x0], $0xffff  }
0x26b: {  	v10 =	vor.u32 v16, v0;
	v5 =	vld.idx.msk [tilespmem:v5+s13+$0x0], $0xffff  }
0x26c: {  	v13 =	vld.idx.msk [tilespmem:v7+s9+$0x0], $0xffff  }
0x26d: {  	v14 =	vor.u32 v17, v0;
	v7 =	vld.idx.msk [tilespmem:v7+s13+$0x0], $0xffff  }
0x26e: {  	v15 =	vld.idx.msk [tilespmem:v8+s9+$0x0], $0xffff;
	v1 =	vmul.f32 v1, v3  }
0x26f: {  	v3 =	vld.idx.msk [tilespmem:v8+s13+$0x0], $0xffff;
	v8 =	vor.u32 v22, v0  }
0x270: {  	v18 =	vld.idx.msk [tilespmem:v10+s9+$0x0], $0xffff;
	v5 =	vmul.f32 v5, v9;
	v1 =	vadd.f32 $0.0e+00, v1  }
0x271: {  	v9 =	vld.idx.msk [tilespmem:v10+s13+$0x0], $0xffff;
	v10 =	vor.u32 v23, v0  }
0x272: {  	v7 =	vmul.f32 v7, v13;
	v13 =	vld.idx.msk [tilespmem:v14+s13+$0x0], $0xffff;
	v1 =	vadd.f32 v5, v1  }
0x273: {  	v5 =	vld.idx.msk [tilespmem:v14+s9+$0x0], $0xffff;
	v14 =	vor.u32 v25, v0  }
0x274: {  	v3 =	vmul.f32 v3, v15;
	v1 =	vadd.f32 v7, v1;
	v7 =	vld.idx.msk [tilespmem:v8+s9+$0x0], $0xffff  }
0x275: {  	v15 =	vor.u32 v30, v0;
	v8 =	vld.idx.msk [tilespmem:v8+s13+$0x0], $0xffff  }
0x276: {  	v9 =	vmul.f32 v9, v18;
	v1 =	vadd.f32 v3, v1;
	v3 =	vld.idx.msk [tilespmem:v10+s9+$0x0], $0xffff  }
0x277: {  	v18 =	vor.u32 v33, v0;
	v10 =	vld.idx.msk [tilespmem:v10+s13+$0x0], $0xffff  }
0x278: {  	v5 =	vmul.f32 v13, v5;
	v13 =	vld.idx.msk [tilespmem:v14+s13+$0x0], $0xffff;
	v1 =	vadd.f32 v9, v1  }
0x279: {  	v9 =	vld.idx.msk [tilespmem:v14+s9+$0x0], $0xffff;
	v14 =	vor.u32 v36, v0  }
0x27a: {  	v7 =	vmul.f32 v8, v7;
	v8 =	vld.idx.msk [tilespmem:v15+s13+$0x0], $0xffff;
	v1 =	vadd.f32 v5, v1  }
0x27b: {  	v5 =	vld.idx.msk [tilespmem:v15+s9+$0x0], $0xffff;
	v15 =	vor.u32 v37, v0  }
0x27c: {  	v3 =	vmul.f32 v10, v3;
	v10 =	vld.idx.msk [tilespmem:v18+s13+$0x0], $0xffff;
	v1 =	vadd.f32 v7, v1  }
0x27d: {  	v7 =	vld.idx.msk [tilespmem:v18+s9+$0x0], $0xffff;
	v18 =	vor.u32 v45, v0  }
0x27e: {  	v9 =	vmul.f32 v13, v9;
	v13 =	vld.idx.msk [tilespmem:v14+s13+$0x0], $0xffff;
	v1 =	vadd.f32 v3, v1  }
0x27f: {  	v3 =	vld.idx.msk [tilespmem:v14+s9+$0x0], $0xffff;
	v14 =	vor.u32 v46, v0  }
0x280: {  	v5 =	vmul.f32 v8, v5;
	v8 =	vld.idx.msk [tilespmem:v15+s13+$0x0], $0xffff;
	v1 =	vadd.f32 v9, v1  }
0x281: {  	v9 =	vld.idx.msk [tilespmem:v15+s9+$0x0], $0xffff;
	v15 =	vor.u32 v47, v0  }
0x282: {  	v7 =	vmul.f32 v10, v7;
	v10 =	vld.idx.msk [tilespmem:v18+s13+$0x0], $0xffff;
	v1 =	vadd.f32 v5, v1  }
0x283: {  	v5 =	vld.idx.msk [tilespmem:v18+s9+$0x0], $0xffff;
	v18 =	vor.u32 v48, v0  }
0x284: {  	v3 =	vmul.f32 v13, v3;
	v13 =	vld.idx.msk [tilespmem:v14+s13+$0x0], $0xffff;
	v1 =	vadd.f32 v7, v1  }
0x285: {  	v7 =	vld.idx.msk [tilespmem:v14+s9+$0x0], $0xffff;
	v14 =	vor.u32 v49, v0  }
0x286: {  	v8 =	vmul.f32 v8, v9;
	v9 =	vld.idx.msk [tilespmem:v15+s13+$0x0], $0xffff;
	v1 =	vadd.f32 v3, v1  }
0x287: {  	v3 =	vld.idx.msk [tilespmem:v15+s9+$0x0], $0xffff;
	v15 =	vor.u32 v50, v0  }
0x288: {  	v5 =	vmul.f32 v10, v5;
	v10 =	vld.idx.msk [tilespmem:v18+s13+$0x0], $0xffff;
	v1 =	vadd.f32 v8, v1  }
0x289: {  	v8 =	vld.idx.msk [tilespmem:v18+s9+$0x0], $0xffff;
	v18 =	vor.u32 v51, v0  }
0x28a: {  	v7 =	vmul.f32 v13, v7;
	v13 =	vld.idx.msk [tilespmem:v14+s13+$0x0], $0xffff;
	v1 =	vadd.f32 v5, v1  }
0x28b: {  	v5 =	vld.idx.msk [tilespmem:v14+s9+$0x0], $0xffff;
	v14 =	vor.u32 v52, v0  }
0x28c: {  	v3 =	vmul.f32 v9, v3;
	v9 =	vld.idx.msk [tilespmem:v15+s13+$0x0], $0xffff;
	v1 =	vadd.f32 v7, v1  }
0x28d: {  	v7 =	vld.idx.msk [tilespmem:v15+s9+$0x0], $0xffff;
	v15 =	vor.u32 v53, v0  }
0x28e: {  	v8 =	vmul.f32 v10, v8;
	v10 =	vld.idx.msk [tilespmem:v18+s13+$0x0], $0xffff;
	v1 =	vadd.f32 v3, v1  }
0x28f: {  	v3 =	vld.idx.msk [tilespmem:v18+s9+$0x0], $0xffff;
	v18 =	vor.u32 v54, v0  }
0x290: {  	v5 =	vmul.f32 v13, v5;
	v13 =	vld.idx.msk [tilespmem:v14+s13+$0x0], $0xffff;
	v1 =	vadd.f32 v8, v1  }
0x291: {  	v8 =	vld.idx.msk [tilespmem:v14+s9+$0x0], $0xffff;
	v14 =	vor.u32 v55, v0  }
0x292: {  	v7 =	vmul.f32 v9, v7;
	v9 =	vld.idx.msk [tilespmem:v15+s13+$0x0], $0xffff;
	v1 =	vadd.f32 v5, v1  }
0x293: {  	v5 =	vld.idx.msk [tilespmem:v15+s9+$0x0], $0xffff;
	v15 =	vor.u32 v56, v0  }
0x294: {  	v3 =	vmul.f32 v10, v3;
	v10 =	vld.idx.msk [tilespmem:v18+s13+$0x0], $0xffff;
	v1 =	vadd.f32 v7, v1  }
0x295: {  	v7 =	vld.idx.msk [tilespmem:v18+s9+$0x0], $0xffff;
	v18 =	vor.u32 v57, v0  }
0x296: {  	v8 =	vmul.f32 v13, v8;
	v13 =	vld.idx.msk [tilespmem:v14+s13+$0x0], $0xffff;
	v1 =	vadd.f32 v3, v1  }
0x297: {  	v3 =	vld.idx.msk [tilespmem:v14+s9+$0x0], $0xffff;
	v14 =	vor.u32 v58, v0  }
0x298: {  	v5 =	vmul.f32 v9, v5;
	v9 =	vld.idx.msk [tilespmem:v15+s13+$0x0], $0xffff;
	v1 =	vadd.f32 v8, v1  }
0x299: {  	v8 =	vld.idx.msk [tilespmem:v15+s9+$0x0], $0xffff;
	v15 =	vor.u32 v59, v0  }
0x29a: {  	v7 =	vmul.f32 v10, v7;
	v10 =	vld.idx.msk [tilespmem:v18+s13+$0x0], $0xffff;
	v1 =	vadd.f32 v5, v1  }
0x29b: {  	v5 =	vld.idx.msk [tilespmem:v18+s9+$0x0], $0xffff;
	v18 =	vor.u32 v60, v0  }
0x29c: {  	v3 =	vmul.f32 v13, v3;
	v13 =	vld.idx.msk [tilespmem:v14+s13+$0x0], $0xffff;
	v1 =	vadd.f32 v7, v1  }
0x29d: {  	v7 =	vld.idx.msk [tilespmem:v14+s9+$0x0], $0xffff;
	v14 =	vor.u32 v61, v0  }
0x29e: {  	v8 =	vmul.f32 v9, v8;
	v9 =	vld.idx.msk [tilespmem:v15+s13+$0x0], $0xffff;
	v1 =	vadd.f32 v3, v1  }
0x29f: {  	v3 =	vld.idx.msk [tilespmem:v15+s9+$0x0], $0xffff;
	v15 =	vor.u32 v62, v0  }
0x2a0: {  	v5 =	vmul.f32 v10, v5;
	v10 =	vld.idx.msk [tilespmem:v18+s13+$0x0], $0xffff;
	v1 =	vadd.f32 v8, v1  }
0x2a1: {  	v0 =	vor.u32 v63, v0;
	v8 =	vld.idx.msk [tilespmem:v18+s9+$0x0], $0xffff  }
0x2a2: {  	v1 =	vadd.f32 v5, v1;
	v5 =	vmul.f32 v13, v7;
	v7 =	vld.idx.msk [tilespmem:v14+s9+$0x0], $0xffff  }
0x2a3: {  	v13 =	vld.idx.msk [tilespmem:v14+s13+$0x0], $0xffff  }
0x2a4: {  	v3 =	vmul.f32 v9, v3;
	v9 =	vld.idx.msk [tilespmem:v15+s13+$0x0], $0xffff;
	v1 =	vadd.f32 v5, v1  }
0x2a5: {  	v5 =	vld.idx.msk [tilespmem:v15+s9+$0x0], $0xffff  }
0x2a6: {  	v1 =	vadd.f32 v3, v1;
	v3 =	vmul.f32 v10, v8;
	v8 =	vld.idx.msk [tilespmem:v0+s9+$0x0], $0xffff  }
0x2a7: {  	v0 =	vld.idx.msk [tilespmem:v0+s13+$0x0], $0xffff  }
0x2a8: {  	v1 =	vadd.f32 v3, v1;
	v3 =	vmul.f32 v13, v7;
	_ =	sdelay $0x1  }
0x2a9: {  	v1 =	vadd.f32 v3, v1;
	v3 =	vmul.f32 v9, v5;
	_ =	sdelay $0x1  }
0x2aa: {  	v0 =	vmul.f32 v0, v8;
	v1 =	vadd.f32 v3, v1;
	_ =	sdelay $0x1  }
0x2ab: {  	v0 =	vadd.f32 v0, v1;
	_ =	sdelay $0x1  }
0x2ac: {  	v0 =	vsub.f32 $0.0e+00, v0;
	_ =	sdelay $0x1  }
0x2ad: {  	v0 =	vmul.f32 $1.442695020e+00, v0;
	_ =	sdelay $0x1  }
0x2ae: {  	(erf) = vpow2.f32 v0;
	_ =	sdelay $0x8  }
0x2af: {  	v0 =	vpop (erf)  }
0x2b0: {  	v0 =	vadd.f32 $1.000000000e+00, v0;
	_ =	sdelay $0x1  }
0x2b1: {  	(erf) = vrcp.f32 v0;
	_ =	sdelay $0x4  }
0x2b2: {  	s17 =	simm.s32 $0x20  }
0x2b3: {  	v1 =	vmov s17  }
0x2b4: {  	s17 =	simm.s32 $0x30;
	v0 =	vshll.u32 v1, $0x5  }
.LBB2_4:
0x2b5: {  	p0 =	sne.s32 s17, $0x1F0;
	v0 =	vor.u32 v2, v0  }
0x2b6: {  	v0 =	vand.u32 $0x3F80, v0;
	v1 =	vpop (erf)  }
0x2b7: {  	v3 =	vor.u32 v4, v0;
	v1 =	vmul.f32 $4.500000000e+00, v1;
	_ =	sdelay $0x1  }
0x2b8: {  	v5 =	vor.u32 v6, v0;
	v1 =	vadd.f32 $5.000000000e-01, v1  }
0x2b9: {  	s16 =	sadd.s32 $0x10, s16  }
0x2ba: {  	v7 =	vor.u32 v11, v0;
	[tilespmem:s16+$0x0] =	vst v1  }
0x2bb: {  	v1 =	vld.idx.msk [tilespmem:v3+s13+$0x0], $0xffff  }
0x2bc: {  	v8 =	vor.u32 v12, v0;
	v3 =	vld.idx.msk [tilespmem:v3+s9+$0x0], $0xffff  }
0x2bd: {  	v9 =	vld.idx.msk [tilespmem:v5+s9+$0x0], $0xffff  }
0x2be: {  	v10 =	vor.u32 v16, v0;
	v5 =	vld.idx.msk [tilespmem:v5+s13+$0x0], $0xffff  }
0x2bf: {  	v13 =	vld.idx.msk [tilespmem:v7+s9+$0x0], $0xffff  }
0x2c0: {  	v14 =	vor.u32 v17, v0;
	v7 =	vld.idx.msk [tilespmem:v7+s13+$0x0], $0xffff  }
0x2c1: {  	v15 =	vld.idx.msk [tilespmem:v8+s9+$0x0], $0xffff  }
0x2c2: {  	v1 =	vmul.f32 v1, v3;
	v3 =	vld.idx.msk [tilespmem:v8+s13+$0x0], $0xffff;
	v8 =	vor.u32 v22, v0  }
0x2c3: {  	v18 =	vld.idx.msk [tilespmem:v10+s9+$0x0], $0xffff  }
0x2c4: {  	v1 =	vadd.f32 $0.0e+00, v1;
	v5 =	vmul.f32 v5, v9;
	v9 =	vld.idx.msk [tilespmem:v10+s13+$0x0], $0xffff;
	v10 =	vor.u32 v23, v0  }
0x2c5: {  	v19 =	vld.idx.msk [tilespmem:v14+s9+$0x0], $0xffff  }
0x2c6: {  	v1 =	vadd.f32 v5, v1;
	v5 =	vmul.f32 v7, v13;
	v13 =	vor.u32 v25, v0;
	v7 =	vld.idx.msk [tilespmem:v14+s13+$0x0], $0xffff  }
0x2c7: {  	v14 =	vld.idx.msk [tilespmem:v8+s9+$0x0], $0xffff  }
0x2c8: {  	v1 =	vadd.f32 v5, v1;
	v3 =	vmul.f32 v3, v15;
	v5 =	vld.idx.msk [tilespmem:v8+s13+$0x0], $0xffff;
	v8 =	vor.u32 v30, v0  }
0x2c9: {  	v15 =	vld.idx.msk [tilespmem:v10+s9+$0x0], $0xffff  }
0x2ca: {  	v1 =	vadd.f32 v3, v1;
	v3 =	vmul.f32 v9, v18;
	v9 =	vld.idx.msk [tilespmem:v10+s13+$0x0], $0xffff;
	v10 =	vor.u32 v33, v0  }
0x2cb: {  	v18 =	vld.idx.msk [tilespmem:v13+s9+$0x0], $0xffff  }
0x2cc: {  	v1 =	vadd.f32 v3, v1;
	v3 =	vmul.f32 v7, v19;
	v7 =	vld.idx.msk [tilespmem:v13+s13+$0x0], $0xffff;
	v13 =	vor.u32 v36, v0  }
0x2cd: {  	v19 =	vld.idx.msk [tilespmem:v8+s9+$0x0], $0xffff  }
0x2ce: {  	v1 =	vadd.f32 v3, v1;
	v3 =	vmul.f32 v5, v14;
	v5 =	vld.idx.msk [tilespmem:v8+s13+$0x0], $0xffff;
	v8 =	vor.u32 v37, v0  }
0x2cf: {  	v14 =	vld.idx.msk [tilespmem:v10+s9+$0x0], $0xffff  }
0x2d0: {  	v1 =	vadd.f32 v3, v1;
	v3 =	vmul.f32 v9, v15;
	v9 =	vld.idx.msk [tilespmem:v10+s13+$0x0], $0xffff;
	v10 =	vor.u32 v45, v0  }
0x2d1: {  	v15 =	vld.idx.msk [tilespmem:v13+s9+$0x0], $0xffff  }
0x2d2: {  	v1 =	vadd.f32 v3, v1;
	v3 =	vmul.f32 v7, v18;
	v7 =	vld.idx.msk [tilespmem:v13+s13+$0x0], $0xffff;
	v13 =	vor.u32 v46, v0  }
0x2d3: {  	v18 =	vld.idx.msk [tilespmem:v8+s9+$0x0], $0xffff  }
0x2d4: {  	v1 =	vadd.f32 v3, v1;
	v3 =	vmul.f32 v5, v19;
	v5 =	vld.idx.msk [tilespmem:v8+s13+$0x0], $0xffff;
	v8 =	vor.u32 v47, v0  }
0x2d5: {  	v19 =	vld.idx.msk [tilespmem:v10+s9+$0x0], $0xffff  }
0x2d6: {  	v1 =	vadd.f32 v3, v1;
	v3 =	vmul.f32 v9, v14;
	v9 =	vld.idx.msk [tilespmem:v10+s13+$0x0], $0xffff;
	v10 =	vor.u32 v48, v0  }
0x2d7: {  	v14 =	vld.idx.msk [tilespmem:v13+s9+$0x0], $0xffff  }
0x2d8: {  	v1 =	vadd.f32 v3, v1;
	v3 =	vmul.f32 v7, v15;
	v7 =	vld.idx.msk [tilespmem:v13+s13+$0x0], $0xffff;
	v13 =	vor.u32 v49, v0  }
0x2d9: {  	v15 =	vld.idx.msk [tilespmem:v8+s9+$0x0], $0xffff  }
0x2da: {  	v1 =	vadd.f32 v3, v1;
	v3 =	vmul.f32 v5, v18;
	v5 =	vld.idx.msk [tilespmem:v8+s13+$0x0], $0xffff;
	v8 =	vor.u32 v50, v0  }
0x2db: {  	v18 =	vld.idx.msk [tilespmem:v10+s9+$0x0], $0xffff  }
0x2dc: {  	v1 =	vadd.f32 v3, v1;
	v3 =	vmul.f32 v9, v19;
	v9 =	vld.idx.msk [tilespmem:v10+s13+$0x0], $0xffff;
	v10 =	vor.u32 v51, v0  }
0x2dd: {  	v19 =	vld.idx.msk [tilespmem:v13+s9+$0x0], $0xffff  }
0x2de: {  	v1 =	vadd.f32 v3, v1;
	v3 =	vmul.f32 v7, v14;
	v7 =	vld.idx.msk [tilespmem:v13+s13+$0x0], $0xffff;
	v13 =	vor.u32 v52, v0  }
0x2df: {  	v14 =	vld.idx.msk [tilespmem:v8+s9+$0x0], $0xffff  }
0x2e0: {  	v1 =	vadd.f32 v3, v1;
	v3 =	vmul.f32 v5, v15;
	v5 =	vld.idx.msk [tilespmem:v8+s13+$0x0], $0xffff;
	v8 =	vor.u32 v53, v0  }
0x2e1: {  	v15 =	vld.idx.msk [tilespmem:v10+s9+$0x0], $0xffff  }
0x2e2: {  	v1 =	vadd.f32 v3, v1;
	v3 =	vmul.f32 v9, v18;
	v9 =	vld.idx.msk [tilespmem:v10+s13+$0x0], $0xffff;
	v10 =	vor.u32 v54, v0  }
0x2e3: {  	v18 =	vld.idx.msk [tilespmem:v13+s9+$0x0], $0xffff  }
0x2e4: {  	v1 =	vadd.f32 v3, v1;
	v3 =	vmul.f32 v7, v19;
	v7 =	vld.idx.msk [tilespmem:v13+s13+$0x0], $0xffff;
	v13 =	vor.u32 v55, v0  }
0x2e5: {  	v19 =	vld.idx.msk [tilespmem:v8+s9+$0x0], $0xffff  }
0x2e6: {  	v1 =	vadd.f32 v3, v1;
	v3 =	vmul.f32 v5, v14;
	v5 =	vld.idx.msk [tilespmem:v8+s13+$0x0], $0xffff;
	v8 =	vor.u32 v56, v0  }
0x2e7: {  	v14 =	vld.idx.msk [tilespmem:v10+s9+$0x0], $0xffff  }
0x2e8: {  	v1 =	vadd.f32 v3, v1;
	v3 =	vmul.f32 v9, v15;
	v9 =	vld.idx.msk [tilespmem:v10+s13+$0x0], $0xffff;
	v10 =	vor.u32 v57, v0  }
0x2e9: {  	v15 =	vld.idx.msk [tilespmem:v13+s9+$0x0], $0xffff  }
0x2ea: {  	v1 =	vadd.f32 v3, v1;
	v3 =	vmul.f32 v7, v18;
	v7 =	vld.idx.msk [tilespmem:v13+s13+$0x0], $0xffff;
	v13 =	vor.u32 v58, v0  }
0x2eb: {  	v18 =	vld.idx.msk [tilespmem:v8+s9+$0x0], $0xffff  }
0x2ec: {  	v1 =	vadd.f32 v3, v1;
	v3 =	vmul.f32 v5, v19;
	v5 =	vld.idx.msk [tilespmem:v8+s13+$0x0], $0xffff;
	v8 =	vor.u32 v59, v0  }
0x2ed: {  	v19 =	vld.idx.msk [tilespmem:v10+s9+$0x0], $0xffff  }
0x2ee: {  	v1 =	vadd.f32 v3, v1;
	v3 =	vmul.f32 v9, v14;
	v9 =	vld.idx.msk [tilespmem:v10+s13+$0x0], $0xffff;
	v10 =	vor.u32 v60, v0  }
0x2ef: {  	v14 =	vld.idx.msk [tilespmem:v13+s9+$0x0], $0xffff  }
0x2f0: {  	v1 =	vadd.f32 v3, v1;
	v3 =	vmul.f32 v7, v15;
	v7 =	vld.idx.msk [tilespmem:v13+s13+$0x0], $0xffff;
	v13 =	vor.u32 v61, v0  }
0x2f1: {  	v15 =	vld.idx.msk [tilespmem:v8+s9+$0x0], $0xffff  }
0x2f2: {  	v1 =	vadd.f32 v3, v1;
	v3 =	vmul.f32 v5, v18;
	v5 =	vld.idx.msk [tilespmem:v8+s13+$0x0], $0xffff;
	v8 =	vor.u32 v62, v0  }
0x2f3: {  	v18 =	vld.idx.msk [tilespmem:v10+s9+$0x0], $0xffff  }
0x2f4: {  	v0 =	vor.u32 v63, v0;
	v1 =	vadd.f32 v3, v1;
	v3 =	vmul.f32 v9, v19;
	v9 =	vld.idx.msk [tilespmem:v10+s13+$0x0], $0xffff  }
0x2f5: {  	v10 =	vld.idx.msk [tilespmem:v13+s9+$0x0], $0xffff  }
0x2f6: {  	v1 =	vadd.f32 v3, v1;
	v3 =	vmul.f32 v7, v14;
	v7 =	vld.idx.msk [tilespmem:v13+s13+$0x0], $0xffff  }
0x2f7: {  	v13 =	vld.idx.msk [tilespmem:v8+s9+$0x0], $0xffff  }
0x2f8: {  	v1 =	vadd.f32 v3, v1;
	v3 =	vmul.f32 v5, v15;
	v5 =	vld.idx.msk [tilespmem:v8+s13+$0x0], $0xffff  }
0x2f9: {  	v8 =	vld.idx.msk [tilespmem:v0+s9+$0x0], $0xffff  }
0x2fa: {  	v1 =	vadd.f32 v3, v1;
	v3 =	vmul.f32 v9, v18;
	v0 =	vld.idx.msk [tilespmem:v0+s13+$0x0], $0xffff;
	_ =	sdelay $0x1  }
0x2fb: {  	v1 =	vadd.f32 v3, v1;
	v3 =	vmul.f32 v7, v10;
	_ =	sdelay $0x1  }
0x2fc: {  	v1 =	vadd.f32 v3, v1;
	v3 =	vmul.f32 v5, v13;
	_ =	sdelay $0x1  }
0x2fd: {  	v1 =	vadd.f32 v3, v1;
	v0 =	vmul.f32 v0, v8;
	_ =	sdelay $0x1  }
0x2fe: {  	v0 =	vadd.f32 v0, v1;
	_ =	sdelay $0x1  }
0x2ff: {  	v0 =	vsub.f32 $0.0e+00, v0;
	_ =	sdelay $0x1  }
0x300: {  	v0 =	vmul.f32 $1.442695020e+00, v0;
	_ =	sdelay $0x1  }
0x301: {  	(erf) = vpow2.f32 v0;
	_ =	sdelay $0x8  }
0x302: {  	v0 =	vpop (erf)  }
0x303: {  	v0 =	vadd.f32 $1.000000000e+00, v0;
	_ =	sdelay $0x1  }
0x304: {  	(erf) = vrcp.f32 v0;
	_ =	sdelay $0x2  }
.Ltmp1:
0x305: {  	(pc) =	sbr.rel @p0 .LBB2_4-.Ltmp1, $3  }
0x306: {  	_ =	sdelay $0x1  }
0x307: {  	v0 =	vmov s17  }
0x308: {  	s17 =	sadd.s32 $0x10, s17;
	v0 =	vshll.u32 v0, $0x5  }
0x309: {  	v0 =	vor.u32 v2, v0  }
0x30a: {  	v0 =	vand.u32 $0x3F80, v0;
	v1 =	vpop (erf)  }
0x30b: {  	v3 =	vor.u32 v4, v0;
	v1 =	vmul.f32 $4.500000000e+00, v1;
	_ =	sdelay $0x1  }
0x30c: {  	v5 =	vor.u32 v6, v0;
	v1 =	vadd.f32 $5.000000000e-01, v1  }
0x30d: {  	s16 =	sadd.s32 $0x10, s16  }
0x30e: {  	v7 =	vor.u32 v11, v0;
	[tilespmem:s16+$0x0] =	vst v1  }
0x30f: {  	v1 =	vld.idx.msk [tilespmem:v3+s13+$0x0], $0xffff  }
0x310: {  	v8 =	vor.u32 v12, v0;
	v3 =	vld.idx.msk [tilespmem:v3+s9+$0x0], $0xffff  }
0x311: {  	v9 =	vld.idx.msk [tilespmem:v5+s9+$0x0], $0xffff  }
0x312: {  	v10 =	vor.u32 v16, v0;
	v5 =	vld.idx.msk [tilespmem:v5+s13+$0x0], $0xffff  }
0x313: {  	v13 =	vld.idx.msk [tilespmem:v7+s9+$0x0], $0xffff  }
0x314: {  	v14 =	vor.u32 v17, v0;
	v7 =	vld.idx.msk [tilespmem:v7+s13+$0x0], $0xffff  }
0x315: {  	v15 =	vld.idx.msk [tilespmem:v8+s9+$0x0], $0xffff;
	v1 =	vmul.f32 v1, v3  }
0x316: {  	v3 =	vld.idx.msk [tilespmem:v8+s13+$0x0], $0xffff;
	v8 =	vor.u32 v22, v0  }
0x317: {  	v18 =	vld.idx.msk [tilespmem:v10+s9+$0x0], $0xffff;
	v5 =	vmul.f32 v5, v9;
	v1 =	vadd.f32 $0.0e+00, v1  }
0x318: {  	v9 =	vld.idx.msk [tilespmem:v10+s13+$0x0], $0xffff;
	v10 =	vor.u32 v23, v0  }
0x319: {  	v19 =	vld.idx.msk [tilespmem:v14+s9+$0x0], $0xffff;
	v1 =	vadd.f32 v5, v1;
	v5 =	vmul.f32 v7, v13  }
0x31a: {  	v7 =	vld.idx.msk [tilespmem:v14+s13+$0x0], $0xffff;
	v13 =	vor.u32 v25, v0  }
0x31b: {  	v14 =	vld.idx.msk [tilespmem:v8+s9+$0x0], $0xffff;
	v3 =	vmul.f32 v3, v15;
	v1 =	vadd.f32 v5, v1  }
0x31c: {  	v5 =	vld.idx.msk [tilespmem:v8+s13+$0x0], $0xffff;
	v8 =	vor.u32 v30, v0  }
0x31d: {  	v15 =	vld.idx.msk [tilespmem:v10+s9+$0x0], $0xffff;
	v1 =	vadd.f32 v3, v1;
	v3 =	vmul.f32 v9, v18  }
0x31e: {  	v9 =	vld.idx.msk [tilespmem:v10+s13+$0x0], $0xffff;
	v10 =	vor.u32 v33, v0  }
0x31f: {  	v18 =	vld.idx.msk [tilespmem:v13+s9+$0x0], $0xffff;
	v1 =	vadd.f32 v3, v1;
	v3 =	vmul.f32 v7, v19  }
0x320: {  	v7 =	vld.idx.msk [tilespmem:v13+s13+$0x0], $0xffff;
	v13 =	vor.u32 v36, v0  }
0x321: {  	v19 =	vld.idx.msk [tilespmem:v8+s9+$0x0], $0xffff;
	v1 =	vadd.f32 v3, v1;
	v3 =	vmul.f32 v5, v14  }
0x322: {  	v5 =	vld.idx.msk [tilespmem:v8+s13+$0x0], $0xffff;
	v8 =	vor.u32 v37, v0  }
0x323: {  	v14 =	vld.idx.msk [tilespmem:v10+s9+$0x0], $0xffff;
	v1 =	vadd.f32 v3, v1;
	v3 =	vmul.f32 v9, v15  }
0x324: {  	v9 =	vld.idx.msk [tilespmem:v10+s13+$0x0], $0xffff;
	v10 =	vor.u32 v45, v0  }
0x325: {  	v15 =	vld.idx.msk [tilespmem:v13+s9+$0x0], $0xffff;
	v1 =	vadd.f32 v3, v1;
	v3 =	vmul.f32 v7, v18  }
0x326: {  	v7 =	vld.idx.msk [tilespmem:v13+s13+$0x0], $0xffff;
	v13 =	vor.u32 v46, v0  }
0x327: {  	v18 =	vld.idx.msk [tilespmem:v8+s9+$0x0], $0xffff;
	v1 =	vadd.f32 v3, v1;
	v3 =	vmul.f32 v5, v19  }
0x328: {  	v5 =	vld.idx.msk [tilespmem:v8+s13+$0x0], $0xffff;
	v8 =	vor.u32 v47, v0  }
0x329: {  	v19 =	vld.idx.msk [tilespmem:v10+s9+$0x0], $0xffff;
	v1 =	vadd.f32 v3, v1;
	v3 =	vmul.f32 v9, v14  }
0x32a: {  	v9 =	vld.idx.msk [tilespmem:v10+s13+$0x0], $0xffff;
	v10 =	vor.u32 v48, v0  }
0x32b: {  	v14 =	vld.idx.msk [tilespmem:v13+s9+$0x0], $0xffff;
	v1 =	vadd.f32 v3, v1;
	v3 =	vmul.f32 v7, v15  }
0x32c: {  	v7 =	vld.idx.msk [tilespmem:v13+s13+$0x0], $0xffff;
	v13 =	vor.u32 v49, v0  }
0x32d: {  	v15 =	vld.idx.msk [tilespmem:v8+s9+$0x0], $0xffff;
	v1 =	vadd.f32 v3, v1;
	v3 =	vmul.f32 v5, v18  }
0x32e: {  	v5 =	vld.idx.msk [tilespmem:v8+s13+$0x0], $0xffff;
	v8 =	vor.u32 v50, v0  }
0x32f: {  	v18 =	vld.idx.msk [tilespmem:v10+s9+$0x0], $0xffff;
	v1 =	vadd.f32 v3, v1;
	v3 =	vmul.f32 v9, v19  }
0x330: {  	v9 =	vld.idx.msk [tilespmem:v10+s13+$0x0], $0xffff;
	v10 =	vor.u32 v51, v0  }
0x331: {  	v19 =	vld.idx.msk [tilespmem:v13+s9+$0x0], $0xffff;
	v1 =	vadd.f32 v3, v1;
	v3 =	vmul.f32 v7, v14  }
0x332: {  	v7 =	vld.idx.msk [tilespmem:v13+s13+$0x0], $0xffff;
	v13 =	vor.u32 v52, v0  }
0x333: {  	v14 =	vld.idx.msk [tilespmem:v8+s9+$0x0], $0xffff;
	v1 =	vadd.f32 v3, v1;
	v3 =	vmul.f32 v5, v15  }
0x334: {  	v5 =	vld.idx.msk [tilespmem:v8+s13+$0x0], $0xffff;
	v8 =	vor.u32 v53, v0  }
0x335: {  	v15 =	vld.idx.msk [tilespmem:v10+s9+$0x0], $0xffff;
	v1 =	vadd.f32 v3, v1;
	v3 =	vmul.f32 v9, v18  }
0x336: {  	v9 =	vld.idx.msk [tilespmem:v10+s13+$0x0], $0xffff;
	v10 =	vor.u32 v54, v0  }
0x337: {  	v18 =	vld.idx.msk [tilespmem:v13+s9+$0x0], $0xffff;
	v1 =	vadd.f32 v3, v1;
	v3 =	vmul.f32 v7, v19  }
0x338: {  	v7 =	vld.idx.msk [tilespmem:v13+s13+$0x0], $0xffff;
	v13 =	vor.u32 v55, v0  }
0x339: {  	v19 =	vld.idx.msk [tilespmem:v8+s9+$0x0], $0xffff;
	v1 =	vadd.f32 v3, v1;
	v3 =	vmul.f32 v5, v14  }
0x33a: {  	v5 =	vld.idx.msk [tilespmem:v8+s13+$0x0], $0xffff;
	v8 =	vor.u32 v56, v0  }
0x33b: {  	v14 =	vld.idx.msk [tilespmem:v10+s9+$0x0], $0xffff;
	v1 =	vadd.f32 v3, v1;
	v3 =	vmul.f32 v9, v15  }
0x33c: {  	v9 =	vld.idx.msk [tilespmem:v10+s13+$0x0], $0xffff;
	v10 =	vor.u32 v57, v0  }
0x33d: {  	v15 =	vld.idx.msk [tilespmem:v13+s9+$0x0], $0xffff;
	v1 =	vadd.f32 v3, v1;
	v3 =	vmul.f32 v7, v18  }
0x33e: {  	v7 =	vld.idx.msk [tilespmem:v13+s13+$0x0], $0xffff;
	v13 =	vor.u32 v58, v0  }
0x33f: {  	v18 =	vld.idx.msk [tilespmem:v8+s9+$0x0], $0xffff;
	v1 =	vadd.f32 v3, v1;
	v3 =	vmul.f32 v5, v19  }
0x340: {  	v5 =	vld.idx.msk [tilespmem:v8+s13+$0x0], $0xffff;
	v8 =	vor.u32 v59, v0  }
0x341: {  	v19 =	vld.idx.msk [tilespmem:v10+s9+$0x0], $0xffff;
	v1 =	vadd.f32 v3, v1;
	v3 =	vmul.f32 v9, v14  }
0x342: {  	v9 =	vld.idx.msk [tilespmem:v10+s13+$0x0], $0xffff;
	v10 =	vor.u32 v60, v0  }
0x343: {  	v14 =	vld.idx.msk [tilespmem:v13+s9+$0x0], $0xffff;
	v1 =	vadd.f32 v3, v1;
	v3 =	vmul.f32 v7, v15  }
0x344: {  	v7 =	vld.idx.msk [tilespmem:v13+s13+$0x0], $0xffff;
	v13 =	vor.u32 v61, v0  }
0x345: {  	v15 =	vld.idx.msk [tilespmem:v8+s9+$0x0], $0xffff;
	v1 =	vadd.f32 v3, v1;
	v3 =	vmul.f32 v5, v18  }
0x346: {  	v5 =	vld.idx.msk [tilespmem:v8+s13+$0x0], $0xffff;
	v8 =	vor.u32 v62, v0  }
0x347: {  	v18 =	vld.idx.msk [tilespmem:v10+s9+$0x0], $0xffff;
	v1 =	vadd.f32 v3, v1;
	v3 =	vmul.f32 v9, v19  }
0x348: {  	v0 =	vor.u32 v63, v0;
	v9 =	vld.idx.msk [tilespmem:v10+s13+$0x0], $0xffff  }
0x349: {  	v10 =	vld.idx.msk [tilespmem:v13+s9+$0x0], $0xffff;
	v1 =	vadd.f32 v3, v1;
	v3 =	vmul.f32 v7, v14  }
0x34a: {  	v7 =	vld.idx.msk [tilespmem:v13+s13+$0x0], $0xffff  }
0x34b: {  	v13 =	vld.idx.msk [tilespmem:v8+s9+$0x0], $0xffff;
	v1 =	vadd.f32 v3, v1;
	v3 =	vmul.f32 v5, v15  }
0x34c: {  	v5 =	vld.idx.msk [tilespmem:v8+s13+$0x0], $0xffff  }
0x34d: {  	v8 =	vld.idx.msk [tilespmem:v0+s9+$0x0], $0xffff;
	v1 =	vadd.f32 v3, v1;
	v3 =	vmul.f32 v9, v18  }
0x34e: {  	v0 =	vld.idx.msk [tilespmem:v0+s13+$0x0], $0xffff  }
0x34f: {  	v1 =	vadd.f32 v3, v1;
	v3 =	vmul.f32 v7, v10;
	_ =	sdelay $0x1  }
0x350: {  	v1 =	vadd.f32 v3, v1;
	v3 =	vmul.f32 v5, v13;
	_ =	sdelay $0x1  }
0x351: {  	v0 =	vmul.f32 v0, v8;
	v1 =	vadd.f32 v3, v1;
	_ =	sdelay $0x1  }
0x352: {  	v0 =	vadd.f32 v0, v1;
	_ =	sdelay $0x1  }
0x353: {  	v0 =	vsub.f32 $0.0e+00, v0;
	_ =	sdelay $0x1  }
0x354: {  	v0 =	vmul.f32 $1.442695020e+00, v0;
	_ =	sdelay $0x1  }
0x355: {  	(erf) = vpow2.f32 v0;
	_ =	sdelay $0x8  }
0x356: {  	v0 =	vpop (erf)  }
0x357: {  	v0 =	vadd.f32 $1.000000000e+00, v0;
	_ =	sdelay $0x1  }
0x358: {  	(erf) = vrcp.f32 v0;
	_ =	sdelay $0x8  }
0x359: {  	v0 =	vpop (erf)  }
0x35a: {  	v0 =	vmul.f32 $4.500000000e+00, v0;
	_ =	sdelay $0x1  }
0x35b: {  	s15 =	sadd.s32 $0x1, s15;
	v0 =	vadd.f32 $5.000000000e-01, v0  }
0x35c: {  	p0 =	sne.s32 s15, s8;
	s16 =	sadd.s32 $0x10, s16  }
.Ltmp2:
0x35d: {  	[tilespmem:s16+$0x0] =	vst v0;
	(pc) =	sbr.rel @p0 .LBB2_1-.Ltmp2, $4  }
0x35e: {  	[hbm4b:s7+s1] =	stream.linear.scatter [tilespmem:s14], [sflag:$0x2], $0x200, $0x38;
	[tilespmem:$0x8600] =	vst v63  }
0x35f: {  	_ =	swait.ge [sflag:s10], $0x200  }
0x360: {  	[sflag:s10] =	ssyncset.done $0x0  }
0x361: {  	[sflag:s10] =	ssyncadd.s32 $0xFFFFFE00  }
0x362: {  	_ =	sfence.sel $0x180000  }
0x363: {  	[bflag:$0x0] =	sbarrier.arrive $0xFFFF  }
0x364: {  	p0 =	sne.s32 s2, $0x0;
	_ =	strace $0x90000047  }
0x365: {  	s0 =	sadd.s32 @!p0 $0x100000, s0;
	[bflag:$0x2] =	sbarrier.arrive $0xFFFF  }
0x366: {  	[sflag:s0] =	ssyncadd.tile.s32 @!p0 $0x1;
	_ =	shalt  }
.Lfunc_end2:
_tile_overlayer_lowered:
.L_overlay_start_2:
0x367: {  	(tag) =	ssettag $0x2  }
0x368: {  	s0 =	rddreg [dreg:$0x0];
	s2 =	stileid.u32  }
0x369: {  	s1 =	rddreg [dreg:$0x1];
	p0 =	sne.s32 s2, $0x0  }
0x36a: {  	s3 =	rddreg [dreg:$0x2];
	[bflag:$0x3] =	sbarrier.arrive $0xFFFF;
	s2 =	simm.s32 @!p0 $0x1C02  }
0x36b: {  	[timem:s3], [sflag:s2] =	dma.local @!p0 [hbm:s0], s1  }
0x36c: {  	s0 =	simm.s32 @!p0 $0x2  }
0x36d: {  	_ =	swait.ge @!p0 [sflag:s0], s1  }
0x36e: {  	s1 =	ssub.s32 @!p0 $0x0, s1;
	[sflag:s0] =	ssyncset.done @!p0 $0x0  }
0x36f: {  	[sflag:s0] =	ssyncadd.s32 @!p0 s1  }
0x370: {  	[bflag:$0x3] =	sbarrier.arrive $0xFFFF  }
0x371: {  	_ =	shalt  }

</sc_bundles>
